<compile_context>
chip_gen: v7x
topology: tpu7x:2x2x1
jax: 0.10.2.dev20260603
libtpu: 0.0.44.dev20260713+nightly
codegen_flags: <defaults>
</compile_context>

<pallas_src>
import functools

import jax
import jax.numpy as jnp
from jax import lax
from jax.experimental import pallas as pl
from jax.experimental.pallas import tpu as pltpu
from jax.experimental.pallas import tpu_sc as plsc

_B = 4096
_A = 100
_D = 128
_L = 16


@functools.cache
def _build(nc, ns):
    nw = nc * ns
    bpw = _B // nw
    mesh = plsc.VectorSubcoreMesh(core_axis_name="c", subcore_axis_name="s")

    @functools.partial(
        pl.kernel,
        mesh=mesh,
        out_type=jax.ShapeDtypeStruct((_B, _D), jnp.float32),
        scratch_types=[
            pltpu.VMEM((bpw * (_A + 1),), jnp.int32),
            pltpu.VMEM((_A * _D,), jnp.float32),
            pltpu.VMEM((bpw, _D), jnp.float32),
            pltpu.SemaphoreType.DMA,
            pltpu.SemaphoreType.DMA,
        ],
        compiler_params=pltpu.CompilerParams(needs_layout_passes=False),
    )
    def run(x_hbm, table_hbm, out_hbm, xv, tv, rows, sem, osem):
        wid = lax.axis_index("s") * nc + lax.axis_index("c")
        base = wid * bpw
        tbl_cp = pltpu.async_copy(table_hbm, tv, sem)
        pltpu.sync_copy(
            x_hbm.at[pl.ds(base * (_A + 1), bpw * (_A + 1))], xv)
        lane = lax.iota(jnp.int32, _L)
        zero = jnp.zeros((_L,), jnp.int32)
        pitch = _A + 1
        lane_off = lane * pitch
        tbl_cp.wait()

        def do_group(g, _):
            vec0 = lane_off + g * (_L * pitch)
            accs = [zero for _ in range(4)]
            for j in range(_A):
                accs[j % 4] = accs[j % 4] + plsc.load_gather(xv, [vec0 + j])
            acc = (accs[0] + accs[1]) + (accs[2] + accs[3])
            accd = acc * _D
            for l in range(_L):
                r = g * _L + l
                src0 = lane + jnp.broadcast_to(accd[l], (_L,))
                for k in range(_D // _L):
                    rows[r, pl.ds(k * _L, _L)] = plsc.load_gather(
                        tv, [src0 + (k * _L)])
            pltpu.async_copy(rows.at[pl.ds(g * _L, _L)],
                             out_hbm.at[pl.ds(base + g * _L, _L)], osem)
            return 0

        lax.fori_loop(0, bpw // _L, do_group, 0)
        pltpu.make_async_copy(out_hbm.at[pl.ds(base, bpw)], rows, osem).wait()

    return run


def kernel(x, table):
    info = plsc.get_sparse_core_info()
    run = _build(info.num_cores, info.num_subcores)
    table_flat = table.reshape(_A * _D)
    x_pad = jnp.pad(x.astype(jnp.int32), ((0, 0), (0, 1))).reshape(-1)
    return run(x_pad, table_flat)

# --- scband reference (transcript-rebuilt; emitter-appended) ---
"""Pipeline reference for scband-action-network-27874337751400 (READ-ONLY COPY).

The authoritative reference and input builder live on the scoring server;
editing this copy changes nothing except your own understanding.
"""

import jax, jax.numpy as jnp
import numpy as np

B = 4096
A = 100
D = 128

def setup_inputs(seed: int = 0) -> dict:
    key = jax.random.key(seed)
    k1, k2 = jax.random.split(key)
    # The module expects one-hot integer rows: exactly one nonzero per row
    # (forward does y.nonzero().item() per row). Build exact one-hot int64.
    act_idx = jax.random.randint(k1, (B,), 0, A)
    x = (jnp.arange(A)[None, :] == act_idx[:, None]).astype(jnp.int64)
    # Learned embedding table, sized per init_kwargs (number_of_actions=100, embedding_size=128)
    table = jax.random.normal(k2, (A, D), dtype=jnp.float32)
    return {"x": x, "table": table}

def reference(x, table):
    # embedding_matrix = self.embedding_matrix(x): embed the VALUES of x (0/1 one-hot)
    emb = jnp.take(table, x, axis=0)            # [B, A, D]
    # actions = [y.nonzero().item() for y in x]: index of the single nonzero per row
    actions = jnp.argmax(x != 0, axis=1)         # [B]
    # action_embeddings = [emb[i][actions[i]] for i in range(B)]
    out = emb[jnp.arange(x.shape[0]), actions]   # [B, D]
    return out

if __name__ == "__main__":
    import jax
    _d = setup_inputs()
    print(jax.jit(kernel)(*tuple(_d.values())))

</pallas_src>

<mosaic_0001>
#map = affine_map<(d0, d1) -> (0)>
#map1 = affine_map<(d0, d1) -> (0, 0)>
module attributes {stable_mosaic.version = 14 : i64} {
  func.func @run(%arg0: i32, %arg1: i32, %arg2: memref<413696xi32, #tpu.memory_space<hbm>>, %arg3: memref<12800xf32, #tpu.memory_space<hbm>>, %arg4: memref<4096x128xf32, #tpu.memory_space<hbm>>, %arg5: memref<12928xi32, #tpu.memory_space<vmem>>, %arg6: memref<12800xf32, #tpu.memory_space<vmem>>, %arg7: memref<128x128xf32, #tpu.memory_space<vmem>>, %arg8: memref<!tpu.dma_semaphore, #tpu.memory_space<semaphore_mem>>, %arg9: memref<!tpu.dma_semaphore, #tpu.memory_space<semaphore_mem>>) attributes {dimension_semantics = [#tpu.dimension_semantics<core_parallel>, #tpu.dimension_semantics<subcore_parallel>], iteration_bounds = array<i64: 2, 16>, scalar_prefetch = 0 : i64, scratch_operands = 5 : i64, tpu.core_type = #tpu.core_type<sc_vector_subcore>, window_params = [{transform_indices = #map}, {transform_indices = #map}, {transform_indices = #map1}]} {
    %mul3A = arith.constant 2 : i32
    %mul3A_0 = arith.muli %arg1, %mul3A : i32
    %add3A = arith.addi %mul3A_0, %arg0 : i32
    %mul3A_1 = arith.constant 128 : i32
    %mul3A_2 = arith.muli %add3A, %mul3A_1 : i32
    tpu.enqueue_dma source(%arg3 : memref<12800xf32, #tpu.memory_space<hbm>>) target(%arg6 : memref<12800xf32, #tpu.memory_space<vmem>>) target_semaphore(%arg8 : memref<!tpu.dma_semaphore, #tpu.memory_space<semaphore_mem>>)
    %mul3A_3 = arith.constant 101 : i32
    %mul3A_4 = arith.muli %mul3A_2, %mul3A_3 : i32
    "tpu.region"() ({
      %run_scoped3A = tpu.sem_alloc : memref<!tpu.dma_semaphore, #tpu.memory_space<semaphore_mem>>
      %dma_start3A = tpu.memref_slice %arg2[%mul3A_4] : memref<413696xi32, #tpu.memory_space<hbm>> -> memref<12928xi32, #tpu.memory_space<hbm>>
      %dma_start3A_18 = tpu.memref_slice %arg2[%mul3A_4] : memref<413696xi32, #tpu.memory_space<hbm>> -> memref<12928xi32, #tpu.memory_space<hbm>>
      tpu.enqueue_dma source(%dma_start3A_18 : memref<12928xi32, #tpu.memory_space<hbm>>) target(%arg5 : memref<12928xi32, #tpu.memory_space<vmem>>) target_semaphore(%run_scoped3A : memref<!tpu.dma_semaphore, #tpu.memory_space<semaphore_mem>>)
      %dma_wait3A_19 = tpu.memref_slice %arg2[%mul3A_4] : memref<413696xi32, #tpu.memory_space<hbm>> -> memref<12928xi32, #tpu.memory_space<hbm>>
      %dma_wait3A_20 = tpu.memref_slice %arg2[%mul3A_4] : memref<413696xi32, #tpu.memory_space<hbm>> -> memref<12928xi32, #tpu.memory_space<hbm>>
      tpu.wait_dma2 semaphore(%run_scoped3A : memref<!tpu.dma_semaphore, #tpu.memory_space<semaphore_mem>>) src(%dma_wait3A_20 : memref<12928xi32, #tpu.memory_space<hbm>>) dst(%arg5 : memref<12928xi32, #tpu.memory_space<vmem>>)
      tpu.yield
    }) : () -> ()
    %iota3A = tpu.iota {dimensions = array<i32: 0>} : vector<16xi32>
    %broadcast_in_dim3A = arith.constant 0 : i32
    %broadcast_in_dim3A_5 = vector.broadcast %broadcast_in_dim3A : i32 to vector<16xi32>
    %mul3A_6 = arith.constant 101 : i32
    %mul3A_7 = vector.broadcast %mul3A_6 : i32 to vector<16xi32>
    %mul3A_8 = arith.muli %iota3A, %mul3A_7 : vector<16xi32>
    tpu.wait_dma2 semaphore(%arg8 : memref<!tpu.dma_semaphore, #tpu.memory_space<semaphore_mem>>) src(%arg3 : memref<12800xf32, #tpu.memory_space<hbm>>) dst(%arg6 : memref<12800xf32, #tpu.memory_space<vmem>>)
    %scan3A = arith.constant 0 : i32
    %scan3A_9 = arith.constant 0 : i32
    %scan3A_10 = arith.constant 8 : i32
    %scan3A_11 = arith.addi %scan3A_9, %scan3A_10 : i32
    %scan3A_12 = arith.constant 1 : i32
    %scan3A_13 = scf.for %scan3A_18 = %scan3A_9 to %scan3A_11 step %scan3A_12 iter_args(%scan3A_19 = %scan3A) -> (i32)  : i32 {
      %mul3A_20 = arith.constant 1616 : i32
      %mul3A_21 = arith.muli %scan3A_18, %mul3A_20 : i32
      %add3A_22 = vector.broadcast %mul3A_21 : i32 to vector<16xi32>
      %add3A_23 = arith.addi %mul3A_8, %add3A_22 : vector<16xi32>
      %add3A_24 = arith.constant 0 : i32
      %add3A_25 = vector.broadcast %add3A_24 : i32 to vector<16xi32>
      %add3A_26 = arith.addi %add3A_23, %add3A_25 : vector<16xi32>
      %gather3A = tpu.vector_load_idx %arg5[%add3A_26] : memref<12928xi32, #tpu.memory_space<vmem>>[vector<16xi32>], vector<16xi32>,
      %add3A_27 = arith.addi %broadcast_in_dim3A_5, %gather3A : vector<16xi32>
      %add3A_28 = arith.constant 1 : i32
      %add3A_29 = vector.broadcast %add3A_28 : i32 to vector<16xi32>
      %add3A_30 = arith.addi %add3A_23, %add3A_29 : vector<16xi32>
      %gather3A_31 = tpu.vector_load_idx %arg5[%add3A_30] : memref<12928xi32, #tpu.memory_space<vmem>>[vector<16xi32>], vector<16xi32>,
      %add3A_32 = arith.addi %broadcast_in_dim3A_5, %gather3A_31 : vector<16xi32>
      %add3A_33 = arith.constant 2 : i32
      %add3A_34 = vector.broadcast %add3A_33 : i32 to vector<16xi32>
      %add3A_35 = arith.addi %add3A_23, %add3A_34 : vector<16xi32>
      %gather3A_36 = tpu.vector_load_idx %arg5[%add3A_35] : memref<12928xi32, #tpu.memory_space<vmem>>[vector<16xi32>], vector<16xi32>,
      %add3A_37 = arith.addi %broadcast_in_dim3A_5, %gather3A_36 : vector<16xi32>
      %add3A_38 = arith.constant 3 : i32
      %add3A_39 = vector.broadcast %add3A_38 : i32 to vector<16xi32>
      %add3A_40 = arith.addi %add3A_23, %add3A_39 : vector<16xi32>
      %gather3A_41 = tpu.vector_load_idx %arg5[%add3A_40] : memref<12928xi32, #tpu.memory_space<vmem>>[vector<16xi32>], vector<16xi32>,
      %add3A_42 = arith.addi %broadcast_in_dim3A_5, %gather3A_41 : vector<16xi32>
      %add3A_43 = arith.constant 4 : i32
      %add3A_44 = vector.broadcast %add3A_43 : i32 to vector<16xi32>
      %add3A_45 = arith.addi %add3A_23, %add3A_44 : vector<16xi32>
      %gather3A_46 = tpu.vector_load_idx %arg5[%add3A_45] : memref<12928xi32, #tpu.memory_space<vmem>>[vector<16xi32>], vector<16xi32>,
      %add3A_47 = arith.addi %add3A_27, %gather3A_46 : vector<16xi32>
      %add3A_48 = arith.constant 5 : i32
      %add3A_49 = vector.broadcast %add3A_48 : i32 to vector<16xi32>
      %add3A_50 = arith.addi %add3A_23, %add3A_49 : vector<16xi32>
      %gather3A_51 = tpu.vector_load_idx %arg5[%add3A_50] : memref<12928xi32, #tpu.memory_space<vmem>>[vector<16xi32>], vector<16xi32>,
      %add3A_52 = arith.addi %add3A_32, %gather3A_51 : vector<16xi32>
      %add3A_53 = arith.constant 6 : i32
      %add3A_54 = vector.broadcast %add3A_53 : i32 to vector<16xi32>
      %add3A_55 = arith.addi %add3A_23, %add3A_54 : vector<16xi32>
      %gather3A_56 = tpu.vector_load_idx %arg5[%add3A_55] : memref<12928xi32, #tpu.memory_space<vmem>>[vector<16xi32>], vector<16xi32>,
      %add3A_57 = arith.addi %add3A_37, %gather3A_56 : vector<16xi32>
      %add3A_58 = arith.constant 7 : i32
      %add3A_59 = vector.broadcast %add3A_58 : i32 to vector<16xi32>
      %add3A_60 = arith.addi %add3A_23, %add3A_59 : vector<16xi32>
      %gather3A_61 = tpu.vector_load_idx %arg5[%add3A_60] : memref<12928xi32, #tpu.memory_space<vmem>>[vector<16xi32>], vector<16xi32>,
      %add3A_62 = arith.addi %add3A_42, %gather3A_61 : vector<16xi32>
      %add3A_63 = arith.constant 8 : i32
      %add3A_64 = vector.broadcast %add3A_63 : i32 to vector<16xi32>
      %add3A_65 = arith.addi %add3A_23, %add3A_64 : vector<16xi32>
      %gather3A_66 = tpu.vector_load_idx %arg5[%add3A_65] : memref<12928xi32, #tpu.memory_space<vmem>>[vector<16xi32>], vector<16xi32>,
      %add3A_67 = arith.addi %add3A_47, %gather3A_66 : vector<16xi32>
      %add3A_68 = arith.constant 9 : i32
      %add3A_69 = vector.broadcast %add3A_68 : i32 to vector<16xi32>
      %add3A_70 = arith.addi %add3A_23, %add3A_69 : vector<16xi32>
      %gather3A_71 = tpu.vector_load_idx %arg5[%add3A_70] : memref<12928xi32, #tpu.memory_space<vmem>>[vector<16xi32>], vector<16xi32>,
      %add3A_72 = arith.addi %add3A_52, %gather3A_71 : vector<16xi32>
      %add3A_73 = arith.constant 10 : i32
      %add3A_74 = vector.broadcast %add3A_73 : i32 to vector<16xi32>
      %add3A_75 = arith.addi %add3A_23, %add3A_74 : vector<16xi32>
      %gather3A_76 = tpu.vector_load_idx %arg5[%add3A_75] : memref<12928xi32, #tpu.memory_space<vmem>>[vector<16xi32>], vector<16xi32>,
      %add3A_77 = arith.addi %add3A_57, %gather3A_76 : vector<16xi32>
      %add3A_78 = arith.constant 11 : i32
      %add3A_79 = vector.broadcast %add3A_78 : i32 to vector<16xi32>
      %add3A_80 = arith.addi %add3A_23, %add3A_79 : vector<16xi32>
      %gather3A_81 = tpu.vector_load_idx %arg5[%add3A_80] : memref<12928xi32, #tpu.memory_space<vmem>>[vector<16xi32>], vector<16xi32>,
      %add3A_82 = arith.addi %add3A_62, %gather3A_81 : vector<16xi32>
      %add3A_83 = arith.constant 12 : i32
      %add3A_84 = vector.broadcast %add3A_83 : i32 to vector<16xi32>
      %add3A_85 = arith.addi %add3A_23, %add3A_84 : vector<16xi32>
      %gather3A_86 = tpu.vector_load_idx %arg5[%add3A_85] : memref<12928xi32, #tpu.memory_space<vmem>>[vector<16xi32>], vector<16xi32>,
      %add3A_87 = arith.addi %add3A_67, %gather3A_86 : vector<16xi32>
      %add3A_88 = arith.constant 13 : i32
      %add3A_89 = vector.broadcast %add3A_88 : i32 to vector<16xi32>
      %add3A_90 = arith.addi %add3A_23, %add3A_89 : vector<16xi32>
      %gather3A_91 = tpu.vector_load_idx %arg5[%add3A_90] : memref<12928xi32, #tpu.memory_space<vmem>>[vector<16xi32>], vector<16xi32>,
      %add3A_92 = arith.addi %add3A_72, %gather3A_91 : vector<16xi32>
      %add3A_93 = arith.constant 14 : i32
      %add3A_94 = vector.broadcast %add3A_93 : i32 to vector<16xi32>
      %add3A_95 = arith.addi %add3A_23, %add3A_94 : vector<16xi32>
      %gather3A_96 = tpu.vector_load_idx %arg5[%add3A_95] : memref<12928xi32, #tpu.memory_space<vmem>>[vector<16xi32>], vector<16xi32>,
      %add3A_97 = arith.addi %add3A_77, %gather3A_96 : vector<16xi32>
      %add3A_98 = arith.constant 15 : i32
      %add3A_99 = vector.broadcast %add3A_98 : i32 to vector<16xi32>
      %add3A_100 = arith.addi %add3A_23, %add3A_99 : vector<16xi32>
      %gather3A_101 = tpu.vector_load_idx %arg5[%add3A_100] : memref<12928xi32, #tpu.memory_space<vmem>>[vector<16xi32>], vector<16xi32>,
      %add3A_102 = arith.addi %add3A_82, %gather3A_101 : vector<16xi32>
      %add3A_103 = arith.constant 16 : i32
      %add3A_104 = vector.broadcast %add3A_103 : i32 to vector<16xi32>
      %add3A_105 = arith.addi %add3A_23, %add3A_104 : vector<16xi32>
      %gather3A_106 = tpu.vector_load_idx %arg5[%add3A_105] : memref<12928xi32, #tpu.memory_space<vmem>>[vector<16xi32>], vector<16xi32>,
      %add3A_107 = arith.addi %add3A_87, %gather3A_106 : vector<16xi32>
      %add3A_108 = arith.constant 17 : i32
      %add3A_109 = vector.broadcast %add3A_108 : i32 to vector<16xi32>
      %add3A_110 = arith.addi %add3A_23, %add3A_109 : vector<16xi32>
      %gather3A_111 = tpu.vector_load_idx %arg5[%add3A_110] : memref<12928xi32, #tpu.memory_space<vmem>>[vector<16xi32>], vector<16xi32>,
      %add3A_112 = arith.addi %add3A_92, %gather3A_111 : vector<16xi32>
      %add3A_113 = arith.constant 18 : i32
      %add3A_114 = vector.broadcast %add3A_113 : i32 to vector<16xi32>
      %add3A_115 = arith.addi %add3A_23, %add3A_114 : vector<16xi32>
      %gather3A_116 = tpu.vector_load_idx %arg5[%add3A_115] : memref<12928xi32, #tpu.memory_space<vmem>>[vector<16xi32>], vector<16xi32>,
      %add3A_117 = arith.addi %add3A_97, %gather3A_116 : vector<16xi32>
      %add3A_118 = arith.constant 19 : i32
      %add3A_119 = vector.broadcast %add3A_118 : i32 to vector<16xi32>
      %add3A_120 = arith.addi %add3A_23, %add3A_119 : vector<16xi32>
      %gather3A_121 = tpu.vector_load_idx %arg5[%add3A_120] : memref<12928xi32, #tpu.memory_space<vmem>>[vector<16xi32>], vector<16xi32>,
      %add3A_122 = arith.addi %add3A_102, %gather3A_121 : vector<16xi32>
      %add3A_123 = arith.constant 20 : i32
      %add3A_124 = vector.broadcast %add3A_123 : i32 to vector<16xi32>
      %add3A_125 = arith.addi %add3A_23, %add3A_124 : vector<16xi32>
      %gather3A_126 = tpu.vector_load_idx %arg5[%add3A_125] : memref<12928xi32, #tpu.memory_space<vmem>>[vector<16xi32>], vector<16xi32>,
      %add3A_127 = arith.addi %add3A_107, %gather3A_126 : vector<16xi32>
      %add3A_128 = arith.constant 21 : i32
      %add3A_129 = vector.broadcast %add3A_128 : i32 to vector<16xi32>
      %add3A_130 = arith.addi %add3A_23, %add3A_129 : vector<16xi32>
      %gather3A_131 = tpu.vector_load_idx %arg5[%add3A_130] : memref<12928xi32, #tpu.memory_space<vmem>>[vector<16xi32>], vector<16xi32>,
      %add3A_132 = arith.addi %add3A_112, %gather3A_131 : vector<16xi32>
      %add3A_133 = arith.constant 22 : i32
      %add3A_134 = vector.broadcast %add3A_133 : i32 to vector<16xi32>
      %add3A_135 = arith.addi %add3A_23, %add3A_134 : vector<16xi32>
      %gather3A_136 = tpu.vector_load_idx %arg5[%add3A_135] : memref<12928xi32, #tpu.memory_space<vmem>>[vector<16xi32>], vector<16xi32>,
      %add3A_137 = arith.addi %add3A_117, %gather3A_136 : vector<16xi32>
      %add3A_138 = arith.constant 23 : i32
      %add3A_139 = vector.broadcast %add3A_138 : i32 to vector<16xi32>
      %add3A_140 = arith.addi %add3A_23, %add3A_139 : vector<16xi32>
      %gather3A_141 = tpu.vector_load_idx %arg5[%add3A_140] : memref<12928xi32, #tpu.memory_space<vmem>>[vector<16xi32>], vector<16xi32>,
      %add3A_142 = arith.addi %add3A_122, %gather3A_141 : vector<16xi32>
      %add3A_143 = arith.constant 24 : i32
      %add3A_144 = vector.broadcast %add3A_143 : i32 to vector<16xi32>
      %add3A_145 = arith.addi %add3A_23, %add3A_144 : vector<16xi32>
      %gather3A_146 = tpu.vector_load_idx %arg5[%add3A_145] : memref<12928xi32, #tpu.memory_space<vmem>>[vector<16xi32>], vector<16xi32>,
      %add3A_147 = arith.addi %add3A_127, %gather3A_146 : vector<16xi32>
      %add3A_148 = arith.constant 25 : i32
      %add3A_149 = vector.broadcast %add3A_148 : i32 to vector<16xi32>
      %add3A_150 = arith.addi %add3A_23, %add3A_149 : vector<16xi32>
      %gather3A_151 = tpu.vector_load_idx %arg5[%add3A_150] : memref<12928xi32, #tpu.memory_space<vmem>>[vector<16xi32>], vector<16xi32>,
      %add3A_152 = arith.addi %add3A_132, %gather3A_151 : vector<16xi32>
      %add3A_153 = arith.constant 26 : i32
      %add3A_154 = vector.broadcast %add3A_153 : i32 to vector<16xi32>
      %add3A_155 = arith.addi %add3A_23, %add3A_154 : vector<16xi32>
      %gather3A_156 = tpu.vector_load_idx %arg5[%add3A_155] : memref<12928xi32, #tpu.memory_space<vmem>>[vector<16xi32>], vector<16xi32>,
      %add3A_157 = arith.addi %add3A_137, %gather3A_156 : vector<16xi32>
      %add3A_158 = arith.constant 27 : i32
      %add3A_159 = vector.broadcast %add3A_158 : i32 to vector<16xi32>
      %add3A_160 = arith.addi %add3A_23, %add3A_159 : vector<16xi32>
      %gather3A_161 = tpu.vector_load_idx %arg5[%add3A_160] : memref<12928xi32, #tpu.memory_space<vmem>>[vector<16xi32>], vector<16xi32>,
      %add3A_162 = arith.addi %add3A_142, %gather3A_161 : vector<16xi32>
      %add3A_163 = arith.constant 28 : i32
      %add3A_164 = vector.broadcast %add3A_163 : i32 to vector<16xi32>
      %add3A_165 = arith.addi %add3A_23, %add3A_164 : vector<16xi32>
      %gather3A_166 = tpu.vector_load_idx %arg5[%add3A_165] : memref<12928xi32, #tpu.memory_space<vmem>>[vector<16xi32>], vector<16xi32>,
      %add3A_167 = arith.addi %add3A_147, %gather3A_166 : vector<16xi32>
      %add3A_168 = arith.constant 29 : i32
      %add3A_169 = vector.broadcast %add3A_168 : i32 to vector<16xi32>
      %add3A_170 = arith.addi %add3A_23, %add3A_169 : vector<16xi32>
      %gather3A_171 = tpu.vector_load_idx %arg5[%add3A_170] : memref<12928xi32, #tpu.memory_space<vmem>>[vector<16xi32>], vector<16xi32>,
      %add3A_172 = arith.addi %add3A_152, %gather3A_171 : vector<16xi32>
      %add3A_173 = arith.constant 30 : i32
      %add3A_174 = vector.broadcast %add3A_173 : i32 to vector<16xi32>
      %add3A_175 = arith.addi %add3A_23, %add3A_174 : vector<16xi32>
      %gather3A_176 = tpu.vector_load_idx %arg5[%add3A_175] : memref<12928xi32, #tpu.memory_space<vmem>>[vector<16xi32>], vector<16xi32>,
      %add3A_177 = arith.addi %add3A_157, %gather3A_176 : vector<16xi32>
      %add3A_178 = arith.constant 31 : i32
      %add3A_179 = vector.broadcast %add3A_178 : i32 to vector<16xi32>
      %add3A_180 = arith.addi %add3A_23, %add3A_179 : vector<16xi32>
      %gather3A_181 = tpu.vector_load_idx %arg5[%add3A_180] : memref<12928xi32, #tpu.memory_space<vmem>>[vector<16xi32>], vector<16xi32>,
      %add3A_182 = arith.addi %add3A_162, %gather3A_181 : vector<16xi32>
      %add3A_183 = arith.constant 32 : i32
      %add3A_184 = vector.broadcast %add3A_183 : i32 to vector<16xi32>
      %add3A_185 = arith.addi %add3A_23, %add3A_184 : vector<16xi32>
      %gather3A_186 = tpu.vector_load_idx %arg5[%add3A_185] : memref<12928xi32, #tpu.memory_space<vmem>>[vector<16xi32>], vector<16xi32>,
      %add3A_187 = arith.addi %add3A_167, %gather3A_186 : vector<16xi32>
      %add3A_188 = arith.constant 33 : i32
      %add3A_189 = vector.broadcast %add3A_188 : i32 to vector<16xi32>
      %add3A_190 = arith.addi %add3A_23, %add3A_189 : vector<16xi32>
      %gather3A_191 = tpu.vector_load_idx %arg5[%add3A_190] : memref<12928xi32, #tpu.memory_space<vmem>>[vector<16xi32>], vector<16xi32>,
      %add3A_192 = arith.addi %add3A_172, %gather3A_191 : vector<16xi32>
      %add3A_193 = arith.constant 34 : i32
      %add3A_194 = vector.broadcast %add3A_193 : i32 to vector<16xi32>
      %add3A_195 = arith.addi %add3A_23, %add3A_194 : vector<16xi32>
      %gather3A_196 = tpu.vector_load_idx %arg5[%add3A_195] : memref<12928xi32, #tpu.memory_space<vmem>>[vector<16xi32>], vector<16xi32>,
      %add3A_197 = arith.addi %add3A_177, %gather3A_196 : vector<16xi32>
      %add3A_198 = arith.constant 35 : i32
      %add3A_199 = vector.broadcast %add3A_198 : i32 to vector<16xi32>
      %add3A_200 = arith.addi %add3A_23, %add3A_199 : vector<16xi32>
      %gather3A_201 = tpu.vector_load_idx %arg5[%add3A_200] : memref<12928xi32, #tpu.memory_space<vmem>>[vector<16xi32>], vector<16xi32>,
      %add3A_202 = arith.addi %add3A_182, %gather3A_201 : vector<16xi32>
      %add3A_203 = arith.constant 36 : i32
      %add3A_204 = vector.broadcast %add3A_203 : i32 to vector<16xi32>
      %add3A_205 = arith.addi %add3A_23, %add3A_204 : vector<16xi32>
      %gather3A_206 = tpu.vector_load_idx %arg5[%add3A_205] : memref<12928xi32, #tpu.memory_space<vmem>>[vector<16xi32>], vector<16xi32>,
      %add3A_207 = arith.addi %add3A_187, %gather3A_206 : vector<16xi32>
      %add3A_208 = arith.constant 37 : i32
      %add3A_209 = vector.broadcast %add3A_208 : i32 to vector<16xi32>
      %add3A_210 = arith.addi %add3A_23, %add3A_209 : vector<16xi32>
      %gather3A_211 = tpu.vector_load_idx %arg5[%add3A_210] : memref<12928xi32, #tpu.memory_space<vmem>>[vector<16xi32>], vector<16xi32>,
      %add3A_212 = arith.addi %add3A_192, %gather3A_211 : vector<16xi32>
      %add3A_213 = arith.constant 38 : i32
      %add3A_214 = vector.broadcast %add3A_213 : i32 to vector<16xi32>
      %add3A_215 = arith.addi %add3A_23, %add3A_214 : vector<16xi32>
      %gather3A_216 = tpu.vector_load_idx %arg5[%add3A_215] : memref<12928xi32, #tpu.memory_space<vmem>>[vector<16xi32>], vector<16xi32>,
      %add3A_217 = arith.addi %add3A_197, %gather3A_216 : vector<16xi32>
      %add3A_218 = arith.constant 39 : i32
      %add3A_219 = vector.broadcast %add3A_218 : i32 to vector<16xi32>
      %add3A_220 = arith.addi %add3A_23, %add3A_219 : vector<16xi32>
      %gather3A_221 = tpu.vector_load_idx %arg5[%add3A_220] : memref<12928xi32, #tpu.memory_space<vmem>>[vector<16xi32>], vector<16xi32>,
      %add3A_222 = arith.addi %add3A_202, %gather3A_221 : vector<16xi32>
      %add3A_223 = arith.constant 40 : i32
      %add3A_224 = vector.broadcast %add3A_223 : i32 to vector<16xi32>
      %add3A_225 = arith.addi %add3A_23, %add3A_224 : vector<16xi32>
      %gather3A_226 = tpu.vector_load_idx %arg5[%add3A_225] : memref<12928xi32, #tpu.memory_space<vmem>>[vector<16xi32>], vector<16xi32>,
      %add3A_227 = arith.addi %add3A_207, %gather3A_226 : vector<16xi32>
      %add3A_228 = arith.constant 41 : i32
      %add3A_229 = vector.broadcast %add3A_228 : i32 to vector<16xi32>
      %add3A_230 = arith.addi %add3A_23, %add3A_229 : vector<16xi32>
      %gather3A_231 = tpu.vector_load_idx %arg5[%add3A_230] : memref<12928xi32, #tpu.memory_space<vmem>>[vector<16xi32>], vector<16xi32>,
      %add3A_232 = arith.addi %add3A_212, %gather3A_231 : vector<16xi32>
      %add3A_233 = arith.constant 42 : i32
      %add3A_234 = vector.broadcast %add3A_233 : i32 to vector<16xi32>
      %add3A_235 = arith.addi %add3A_23, %add3A_234 : vector<16xi32>
      %gather3A_236 = tpu.vector_load_idx %arg5[%add3A_235] : memref<12928xi32, #tpu.memory_space<vmem>>[vector<16xi32>], vector<16xi32>,
      %add3A_237 = arith.addi %add3A_217, %gather3A_236 : vector<16xi32>
      %add3A_238 = arith.constant 43 : i32
      %add3A_239 = vector.broadcast %add3A_238 : i32 to vector<16xi32>
      %add3A_240 = arith.addi %add3A_23, %add3A_239 : vector<16xi32>
      %gather3A_241 = tpu.vector_load_idx %arg5[%add3A_240] : memref<12928xi32, #tpu.memory_space<vmem>>[vector<16xi32>], vector<16xi32>,
      %add3A_242 = arith.addi %add3A_222, %gather3A_241 : vector<16xi32>
      %add3A_243 = arith.constant 44 : i32
      %add3A_244 = vector.broadcast %add3A_243 : i32 to vector<16xi32>
      %add3A_245 = arith.addi %add3A_23, %add3A_244 : vector<16xi32>
      %gather3A_246 = tpu.vector_load_idx %arg5[%add3A_245] : memref<12928xi32, #tpu.memory_space<vmem>>[vector<16xi32>], vector<16xi32>,
      %add3A_247 = arith.addi %add3A_227, %gather3A_246 : vector<16xi32>
      %add3A_248 = arith.constant 45 : i32
      %add3A_249 = vector.broadcast %add3A_248 : i32 to vector<16xi32>
      %add3A_250 = arith.addi %add3A_23, %add3A_249 : vector<16xi32>
      %gather3A_251 = tpu.vector_load_idx %arg5[%add3A_250] : memref<12928xi32, #tpu.memory_space<vmem>>[vector<16xi32>], vector<16xi32>,
      %add3A_252 = arith.addi %add3A_232, %gather3A_251 : vector<16xi32>
      %add3A_253 = arith.constant 46 : i32
      %add3A_254 = vector.broadcast %add3A_253 : i32 to vector<16xi32>
      %add3A_255 = arith.addi %add3A_23, %add3A_254 : vector<16xi32>
      %gather3A_256 = tpu.vector_load_idx %arg5[%add3A_255] : memref<12928xi32, #tpu.memory_space<vmem>>[vector<16xi32>], vector<16xi32>,
      %add3A_257 = arith.addi %add3A_237, %gather3A_256 : vector<16xi32>
      %add3A_258 = arith.constant 47 : i32
      %add3A_259 = vector.broadcast %add3A_258 : i32 to vector<16xi32>
      %add3A_260 = arith.addi %add3A_23, %add3A_259 : vector<16xi32>
      %gather3A_261 = tpu.vector_load_idx %arg5[%add3A_260] : memref<12928xi32, #tpu.memory_space<vmem>>[vector<16xi32>], vector<16xi32>,
      %add3A_262 = arith.addi %add3A_242, %gather3A_261 : vector<16xi32>
      %add3A_263 = arith.constant 48 : i32
      %add3A_264 = vector.broadcast %add3A_263 : i32 to vector<16xi32>
      %add3A_265 = arith.addi %add3A_23, %add3A_264 : vector<16xi32>
      %gather3A_266 = tpu.vector_load_idx %arg5[%add3A_265] : memref<12928xi32, #tpu.memory_space<vmem>>[vector<16xi32>], vector<16xi32>,
      %add3A_267 = arith.addi %add3A_247, %gather3A_266 : vector<16xi32>
      %add3A_268 = arith.constant 49 : i32
      %add3A_269 = vector.broadcast %add3A_268 : i32 to vector<16xi32>
      %add3A_270 = arith.addi %add3A_23, %add3A_269 : vector<16xi32>
      %gather3A_271 = tpu.vector_load_idx %arg5[%add3A_270] : memref<12928xi32, #tpu.memory_space<vmem>>[vector<16xi32>], vector<16xi32>,
      %add3A_272 = arith.addi %add3A_252, %gather3A_271 : vector<16xi32>
      %add3A_273 = arith.constant 50 : i32
      %add3A_274 = vector.broadcast %add3A_273 : i32 to vector<16xi32>
      %add3A_275 = arith.addi %add3A_23, %add3A_274 : vector<16xi32>
      %gather3A_276 = tpu.vector_load_idx %arg5[%add3A_275] : memref<12928xi32, #tpu.memory_space<vmem>>[vector<16xi32>], vector<16xi32>,
      %add3A_277 = arith.addi %add3A_257, %gather3A_276 : vector<16xi32>
      %add3A_278 = arith.constant 51 : i32
      %add3A_279 = vector.broadcast %add3A_278 : i32 to vector<16xi32>
      %add3A_280 = arith.addi %add3A_23, %add3A_279 : vector<16xi32>
      %gather3A_281 = tpu.vector_load_idx %arg5[%add3A_280] : memref<12928xi32, #tpu.memory_space<vmem>>[vector<16xi32>], vector<16xi32>,
      %add3A_282 = arith.addi %add3A_262, %gather3A_281 : vector<16xi32>
      %add3A_283 = arith.constant 52 : i32
      %add3A_284 = vector.broadcast %add3A_283 : i32 to vector<16xi32>
      %add3A_285 = arith.addi %add3A_23, %add3A_284 : vector<16xi32>
      %gather3A_286 = tpu.vector_load_idx %arg5[%add3A_285] : memref<12928xi32, #tpu.memory_space<vmem>>[vector<16xi32>], vector<16xi32>,
      %add3A_287 = arith.addi %add3A_267, %gather3A_286 : vector<16xi32>
      %add3A_288 = arith.constant 53 : i32
      %add3A_289 = vector.broadcast %add3A_288 : i32 to vector<16xi32>
      %add3A_290 = arith.addi %add3A_23, %add3A_289 : vector<16xi32>
      %gather3A_291 = tpu.vector_load_idx %arg5[%add3A_290] : memref<12928xi32, #tpu.memory_space<vmem>>[vector<16xi32>], vector<16xi32>,
      %add3A_292 = arith.addi %add3A_272, %gather3A_291 : vector<16xi32>
      %add3A_293 = arith.constant 54 : i32
      %add3A_294 = vector.broadcast %add3A_293 : i32 to vector<16xi32>
      %add3A_295 = arith.addi %add3A_23, %add3A_294 : vector<16xi32>
      %gather3A_296 = tpu.vector_load_idx %arg5[%add3A_295] : memref<12928xi32, #tpu.memory_space<vmem>>[vector<16xi32>], vector<16xi32>,
      %add3A_297 = arith.addi %add3A_277, %gather3A_296 : vector<16xi32>
      %add3A_298 = arith.constant 55 : i32
      %add3A_299 = vector.broadcast %add3A_298 : i32 to vector<16xi32>
      %add3A_300 = arith.addi %add3A_23, %add3A_299 : vector<16xi32>
      %gather3A_301 = tpu.vector_load_idx %arg5[%add3A_300] : memref<12928xi32, #tpu.memory_space<vmem>>[vector<16xi32>], vector<16xi32>,
      %add3A_302 = arith.addi %add3A_282, %gather3A_301 : vector<16xi32>
      %add3A_303 = arith.constant 56 : i32
      %add3A_304 = vector.broadcast %add3A_303 : i32 to vector<16xi32>
      %add3A_305 = arith.addi %add3A_23, %add3A_304 : vector<16xi32>
      %gather3A_306 = tpu.vector_load_idx %arg5[%add3A_305] : memref<12928xi32, #tpu.memory_space<vmem>>[vector<16xi32>], vector<16xi32>,
      %add3A_307 = arith.addi %add3A_287, %gather3A_306 : vector<16xi32>
      %add3A_308 = arith.constant 57 : i32
      %add3A_309 = vector.broadcast %add3A_308 : i32 to vector<16xi32>
      %add3A_310 = arith.addi %add3A_23, %add3A_309 : vector<16xi32>
      %gather3A_311 = tpu.vector_load_idx %arg5[%add3A_310] : memref<12928xi32, #tpu.memory_space<vmem>>[vector<16xi32>], vector<16xi32>,
      %add3A_312 = arith.addi %add3A_292, %gather3A_311 : vector<16xi32>
      %add3A_313 = arith.constant 58 : i32
      %add3A_314 = vector.broadcast %add3A_313 : i32 to vector<16xi32>
      %add3A_315 = arith.addi %add3A_23, %add3A_314 : vector<16xi32>
      %gather3A_316 = tpu.vector_load_idx %arg5[%add3A_315] : memref<12928xi32, #tpu.memory_space<vmem>>[vector<16xi32>], vector<16xi32>,
      %add3A_317 = arith.addi %add3A_297, %gather3A_316 : vector<16xi32>
      %add3A_318 = arith.constant 59 : i32
      %add3A_319 = vector.broadcast %add3A_318 : i32 to vector<16xi32>
      %add3A_320 = arith.addi %add3A_23, %add3A_319 : vector<16xi32>
      %gather3A_321 = tpu.vector_load_idx %arg5[%add3A_320] : memref<12928xi32, #tpu.memory_space<vmem>>[vector<16xi32>], vector<16xi32>,
      %add3A_322 = arith.addi %add3A_302, %gather3A_321 : vector<16xi32>
      %add3A_323 = arith.constant 60 : i32
      %add3A_324 = vector.broadcast %add3A_323 : i32 to vector<16xi32>
      %add3A_325 = arith.addi %add3A_23, %add3A_324 : vector<16xi32>
      %gather3A_326 = tpu.vector_load_idx %arg5[%add3A_325] : memref<12928xi32, #tpu.memory_space<vmem>>[vector<16xi32>], vector<16xi32>,
      %add3A_327 = arith.addi %add3A_307, %gather3A_326 : vector<16xi32>
      %add3A_328 = arith.constant 61 : i32
      %add3A_329 = vector.broadcast %add3A_328 : i32 to vector<16xi32>
      %add3A_330 = arith.addi %add3A_23, %add3A_329 : vector<16xi32>
      %gather3A_331 = tpu.vector_load_idx %arg5[%add3A_330] : memref<12928xi32, #tpu.memory_space<vmem>>[vector<16xi32>], vector<16xi32>,
      %add3A_332 = arith.addi %add3A_312, %gather3A_331 : vector<16xi32>
      %add3A_333 = arith.constant 62 : i32
      %add3A_334 = vector.broadcast %add3A_333 : i32 to vector<16xi32>
      %add3A_335 = arith.addi %add3A_23, %add3A_334 : vector<16xi32>
      %gather3A_336 = tpu.vector_load_idx %arg5[%add3A_335] : memref<12928xi32, #tpu.memory_space<vmem>>[vector<16xi32>], vector<16xi32>,
      %add3A_337 = arith.addi %add3A_317, %gather3A_336 : vector<16xi32>
      %add3A_338 = arith.constant 63 : i32
      %add3A_339 = vector.broadcast %add3A_338 : i32 to vector<16xi32>
      %add3A_340 = arith.addi %add3A_23, %add3A_339 : vector<16xi32>
      %gather3A_341 = tpu.vector_load_idx %arg5[%add3A_340] : memref<12928xi32, #tpu.memory_space<vmem>>[vector<16xi32>], vector<16xi32>,
      %add3A_342 = arith.addi %add3A_322, %gather3A_341 : vector<16xi32>
      %add3A_343 = arith.constant 64 : i32
      %add3A_344 = vector.broadcast %add3A_343 : i32 to vector<16xi32>
      %add3A_345 = arith.addi %add3A_23, %add3A_344 : vector<16xi32>
      %gather3A_346 = tpu.vector_load_idx %arg5[%add3A_345] : memref<12928xi32, #tpu.memory_space<vmem>>[vector<16xi32>], vector<16xi32>,
      %add3A_347 = arith.addi %add3A_327, %gather3A_346 : vector<16xi32>
      %add3A_348 = arith.constant 65 : i32
      %add3A_349 = vector.broadcast %add3A_348 : i32 to vector<16xi32>
      %add3A_350 = arith.addi %add3A_23, %add3A_349 : vector<16xi32>
      %gather3A_351 = tpu.vector_load_idx %arg5[%add3A_350] : memref<12928xi32, #tpu.memory_space<vmem>>[vector<16xi32>], vector<16xi32>,
      %add3A_352 = arith.addi %add3A_332, %gather3A_351 : vector<16xi32>
      %add3A_353 = arith.constant 66 : i32
      %add3A_354 = vector.broadcast %add3A_353 : i32 to vector<16xi32>
      %add3A_355 = arith.addi %add3A_23, %add3A_354 : vector<16xi32>
      %gather3A_356 = tpu.vector_load_idx %arg5[%add3A_355] : memref<12928xi32, #tpu.memory_space<vmem>>[vector<16xi32>], vector<16xi32>,
      %add3A_357 = arith.addi %add3A_337, %gather3A_356 : vector<16xi32>
      %add3A_358 = arith.constant 67 : i32
      %add3A_359 = vector.broadcast %add3A_358 : i32 to vector<16xi32>
      %add3A_360 = arith.addi %add3A_23, %add3A_359 : vector<16xi32>
      %gather3A_361 = tpu.vector_load_idx %arg5[%add3A_360] : memref<12928xi32, #tpu.memory_space<vmem>>[vector<16xi32>], vector<16xi32>,
      %add3A_362 = arith.addi %add3A_342, %gather3A_361 : vector<16xi32>
      %add3A_363 = arith.constant 68 : i32
      %add3A_364 = vector.broadcast %add3A_363 : i32 to vector<16xi32>
      %add3A_365 = arith.addi %add3A_23, %add3A_364 : vector<16xi32>
      %gather3A_366 = tpu.vector_load_idx %arg5[%add3A_365] : memref<12928xi32, #tpu.memory_space<vmem>>[vector<16xi32>], vector<16xi32>,
      %add3A_367 = arith.addi %add3A_347, %gather3A_366 : vector<16xi32>
      %add3A_368 = arith.constant 69 : i32
      %add3A_369 = vector.broadcast %add3A_368 : i32 to vector<16xi32>
      %add3A_370 = arith.addi %add3A_23, %add3A_369 : vector<16xi32>
      %gather3A_371 = tpu.vector_load_idx %arg5[%add3A_370] : memref<12928xi32, #tpu.memory_space<vmem>>[vector<16xi32>], vector<16xi32>,
      %add3A_372 = arith.addi %add3A_352, %gather3A_371 : vector<16xi32>
      %add3A_373 = arith.constant 70 : i32
      %add3A_374 = vector.broadcast %add3A_373 : i32 to vector<16xi32>
      %add3A_375 = arith.addi %add3A_23, %add3A_374 : vector<16xi32>
      %gather3A_376 = tpu.vector_load_idx %arg5[%add3A_375] : memref<12928xi32, #tpu.memory_space<vmem>>[vector<16xi32>], vector<16xi32>,
      %add3A_377 = arith.addi %add3A_357, %gather3A_376 : vector<16xi32>
      %add3A_378 = arith.constant 71 : i32
      %add3A_379 = vector.broadcast %add3A_378 : i32 to vector<16xi32>
      %add3A_380 = arith.addi %add3A_23, %add3A_379 : vector<16xi32>
      %gather3A_381 = tpu.vector_load_idx %arg5[%add3A_380] : memref<12928xi32, #tpu.memory_space<vmem>>[vector<16xi32>], vector<16xi32>,
      %add3A_382 = arith.addi %add3A_362, %gather3A_381 : vector<16xi32>
      %add3A_383 = arith.constant 72 : i32
      %add3A_384 = vector.broadcast %add3A_383 : i32 to vector<16xi32>
      %add3A_385 = arith.addi %add3A_23, %add3A_384 : vector<16xi32>
      %gather3A_386 = tpu.vector_load_idx %arg5[%add3A_385] : memref<12928xi32, #tpu.memory_space<vmem>>[vector<16xi32>], vector<16xi32>,
      %add3A_387 = arith.addi %add3A_367, %gather3A_386 : vector<16xi32>
      %add3A_388 = arith.constant 73 : i32
      %add3A_389 = vector.broadcast %add3A_388 : i32 to vector<16xi32>
      %add3A_390 = arith.addi %add3A_23, %add3A_389 : vector<16xi32>
      %gather3A_391 = tpu.vector_load_idx %arg5[%add3A_390] : memref<12928xi32, #tpu.memory_space<vmem>>[vector<16xi32>], vector<16xi32>,
      %add3A_392 = arith.addi %add3A_372, %gather3A_391 : vector<16xi32>
      %add3A_393 = arith.constant 74 : i32
      %add3A_394 = vector.broadcast %add3A_393 : i32 to vector<16xi32>
      %add3A_395 = arith.addi %add3A_23, %add3A_394 : vector<16xi32>
      %gather3A_396 = tpu.vector_load_idx %arg5[%add3A_395] : memref<12928xi32, #tpu.memory_space<vmem>>[vector<16xi32>], vector<16xi32>,
      %add3A_397 = arith.addi %add3A_377, %gather3A_396 : vector<16xi32>
      %add3A_398 = arith.constant 75 : i32
      %add3A_399 = vector.broadcast %add3A_398 : i32 to vector<16xi32>
      %add3A_400 = arith.addi %add3A_23, %add3A_399 : vector<16xi32>
      %gather3A_401 = tpu.vector_load_idx %arg5[%add3A_400] : memref<12928xi32, #tpu.memory_space<vmem>>[vector<16xi32>], vector<16xi32>,
      %add3A_402 = arith.addi %add3A_382, %gather3A_401 : vector<16xi32>
      %add3A_403 = arith.constant 76 : i32
      %add3A_404 = vector.broadcast %add3A_403 : i32 to vector<16xi32>
      %add3A_405 = arith.addi %add3A_23, %add3A_404 : vector<16xi32>
      %gather3A_406 = tpu.vector_load_idx %arg5[%add3A_405] : memref<12928xi32, #tpu.memory_space<vmem>>[vector<16xi32>], vector<16xi32>,
      %add3A_407 = arith.addi %add3A_387, %gather3A_406 : vector<16xi32>
      %add3A_408 = arith.constant 77 : i32
      %add3A_409 = vector.broadcast %add3A_408 : i32 to vector<16xi32>
      %add3A_410 = arith.addi %add3A_23, %add3A_409 : vector<16xi32>
      %gather3A_411 = tpu.vector_load_idx %arg5[%add3A_410] : memref<12928xi32, #tpu.memory_space<vmem>>[vector<16xi32>], vector<16xi32>,
      %add3A_412 = arith.addi %add3A_392, %gather3A_411 : vector<16xi32>
      %add3A_413 = arith.constant 78 : i32
      %add3A_414 = vector.broadcast %add3A_413 : i32 to vector<16xi32>
      %add3A_415 = arith.addi %add3A_23, %add3A_414 : vector<16xi32>
      %gather3A_416 = tpu.vector_load_idx %arg5[%add3A_415] : memref<12928xi32, #tpu.memory_space<vmem>>[vector<16xi32>], vector<16xi32>,
      %add3A_417 = arith.addi %add3A_397, %gather3A_416 : vector<16xi32>
      %add3A_418 = arith.constant 79 : i32
      %add3A_419 = vector.broadcast %add3A_418 : i32 to vector<16xi32>
      %add3A_420 = arith.addi %add3A_23, %add3A_419 : vector<16xi32>
      %gather3A_421 = tpu.vector_load_idx %arg5[%add3A_420] : memref<12928xi32, #tpu.memory_space<vmem>>[vector<16xi32>], vector<16xi32>,
      %add3A_422 = arith.addi %add3A_402, %gather3A_421 : vector<16xi32>
      %add3A_423 = arith.constant 80 : i32
      %add3A_424 = vector.broadcast %add3A_423 : i32 to vector<16xi32>
      %add3A_425 = arith.addi %add3A_23, %add3A_424 : vector<16xi32>
      %gather3A_426 = tpu.vector_load_idx %arg5[%add3A_425] : memref<12928xi32, #tpu.memory_space<vmem>>[vector<16xi32>], vector<16xi32>,
      %add3A_427 = arith.addi %add3A_407, %gather3A_426 : vector<16xi32>
      %add3A_428 = arith.constant 81 : i32
      %add3A_429 = vector.broadcast %add3A_428 : i32 to vector<16xi32>
      %add3A_430 = arith.addi %add3A_23, %add3A_429 : vector<16xi32>
      %gather3A_431 = tpu.vector_load_idx %arg5[%add3A_430] : memref<12928xi32, #tpu.memory_space<vmem>>[vector<16xi32>], vector<16xi32>,
      %add3A_432 = arith.addi %add3A_412, %gather3A_431 : vector<16xi32>
      %add3A_433 = arith.constant 82 : i32
      %add3A_434 = vector.broadcast %add3A_433 : i32 to vector<16xi32>
      %add3A_435 = arith.addi %add3A_23, %add3A_434 : vector<16xi32>
      %gather3A_436 = tpu.vector_load_idx %arg5[%add3A_435] : memref<12928xi32, #tpu.memory_space<vmem>>[vector<16xi32>], vector<16xi32>,
      %add3A_437 = arith.addi %add3A_417, %gather3A_436 : vector<16xi32>
      %add3A_438 = arith.constant 83 : i32
      %add3A_439 = vector.broadcast %add3A_438 : i32 to vector<16xi32>
      %add3A_440 = arith.addi %add3A_23, %add3A_439 : vector<16xi32>
      %gather3A_441 = tpu.vector_load_idx %arg5[%add3A_440] : memref<12928xi32, #tpu.memory_space<vmem>>[vector<16xi32>], vector<16xi32>,
      %add3A_442 = arith.addi %add3A_422, %gather3A_441 : vector<16xi32>
      %add3A_443 = arith.constant 84 : i32
      %add3A_444 = vector.broadcast %add3A_443 : i32 to vector<16xi32>
      %add3A_445 = arith.addi %add3A_23, %add3A_444 : vector<16xi32>
      %gather3A_446 = tpu.vector_load_idx %arg5[%add3A_445] : memref<12928xi32, #tpu.memory_space<vmem>>[vector<16xi32>], vector<16xi32>,
      %add3A_447 = arith.addi %add3A_427, %gather3A_446 : vector<16xi32>
      %add3A_448 = arith.constant 85 : i32
      %add3A_449 = vector.broadcast %add3A_448 : i32 to vector<16xi32>
      %add3A_450 = arith.addi %add3A_23, %add3A_449 : vector<16xi32>
      %gather3A_451 = tpu.vector_load_idx %arg5[%add3A_450] : memref<12928xi32, #tpu.memory_space<vmem>>[vector<16xi32>], vector<16xi32>,
      %add3A_452 = arith.addi %add3A_432, %gather3A_451 : vector<16xi32>
      %add3A_453 = arith.constant 86 : i32
      %add3A_454 = vector.broadcast %add3A_453 : i32 to vector<16xi32>
      %add3A_455 = arith.addi %add3A_23, %add3A_454 : vector<16xi32>
      %gather3A_456 = tpu.vector_load_idx %arg5[%add3A_455] : memref<12928xi32, #tpu.memory_space<vmem>>[vector<16xi32>], vector<16xi32>,
      %add3A_457 = arith.addi %add3A_437, %gather3A_456 : vector<16xi32>
      %add3A_458 = arith.constant 87 : i32
      %add3A_459 = vector.broadcast %add3A_458 : i32 to vector<16xi32>
      %add3A_460 = arith.addi %add3A_23, %add3A_459 : vector<16xi32>
      %gather3A_461 = tpu.vector_load_idx %arg5[%add3A_460] : memref<12928xi32, #tpu.memory_space<vmem>>[vector<16xi32>], vector<16xi32>,
      %add3A_462 = arith.addi %add3A_442, %gather3A_461 : vector<16xi32>
      %add3A_463 = arith.constant 88 : i32
      %add3A_464 = vector.broadcast %add3A_463 : i32 to vector<16xi32>
      %add3A_465 = arith.addi %add3A_23, %add3A_464 : vector<16xi32>
      %gather3A_466 = tpu.vector_load_idx %arg5[%add3A_465] : memref<12928xi32, #tpu.memory_space<vmem>>[vector<16xi32>], vector<16xi32>,
      %add3A_467 = arith.addi %add3A_447, %gather3A_466 : vector<16xi32>
      %add3A_468 = arith.constant 89 : i32
      %add3A_469 = vector.broadcast %add3A_468 : i32 to vector<16xi32>
      %add3A_470 = arith.addi %add3A_23, %add3A_469 : vector<16xi32>
      %gather3A_471 = tpu.vector_load_idx %arg5[%add3A_470] : memref<12928xi32, #tpu.memory_space<vmem>>[vector<16xi32>], vector<16xi32>,
      %add3A_472 = arith.addi %add3A_452, %gather3A_471 : vector<16xi32>
      %add3A_473 = arith.constant 90 : i32
      %add3A_474 = vector.broadcast %add3A_473 : i32 to vector<16xi32>
      %add3A_475 = arith.addi %add3A_23, %add3A_474 : vector<16xi32>
      %gather3A_476 = tpu.vector_load_idx %arg5[%add3A_475] : memref<12928xi32, #tpu.memory_space<vmem>>[vector<16xi32>], vector<16xi32>,
      %add3A_477 = arith.addi %add3A_457, %gather3A_476 : vector<16xi32>
      %add3A_478 = arith.constant 91 : i32
      %add3A_479 = vector.broadcast %add3A_478 : i32 to vector<16xi32>
      %add3A_480 = arith.addi %add3A_23, %add3A_479 : vector<16xi32>
      %gather3A_481 = tpu.vector_load_idx %arg5[%add3A_480] : memref<12928xi32, #tpu.memory_space<vmem>>[vector<16xi32>], vector<16xi32>,
      %add3A_482 = arith.addi %add3A_462, %gather3A_481 : vector<16xi32>
      %add3A_483 = arith.constant 92 : i32
      %add3A_484 = vector.broadcast %add3A_483 : i32 to vector<16xi32>
      %add3A_485 = arith.addi %add3A_23, %add3A_484 : vector<16xi32>
      %gather3A_486 = tpu.vector_load_idx %arg5[%add3A_485] : memref<12928xi32, #tpu.memory_space<vmem>>[vector<16xi32>], vector<16xi32>,
      %add3A_487 = arith.addi %add3A_467, %gather3A_486 : vector<16xi32>
      %add3A_488 = arith.constant 93 : i32
      %add3A_489 = vector.broadcast %add3A_488 : i32 to vector<16xi32>
      %add3A_490 = arith.addi %add3A_23, %add3A_489 : vector<16xi32>
      %gather3A_491 = tpu.vector_load_idx %arg5[%add3A_490] : memref<12928xi32, #tpu.memory_space<vmem>>[vector<16xi32>], vector<16xi32>,
      %add3A_492 = arith.addi %add3A_472, %gather3A_491 : vector<16xi32>
      %add3A_493 = arith.constant 94 : i32
      %add3A_494 = vector.broadcast %add3A_493 : i32 to vector<16xi32>
      %add3A_495 = arith.addi %add3A_23, %add3A_494 : vector<16xi32>
      %gather3A_496 = tpu.vector_load_idx %arg5[%add3A_495] : memref<12928xi32, #tpu.memory_space<vmem>>[vector<16xi32>], vector<16xi32>,
      %add3A_497 = arith.addi %add3A_477, %gather3A_496 : vector<16xi32>
      %add3A_498 = arith.constant 95 : i32
      %add3A_499 = vector.broadcast %add3A_498 : i32 to vector<16xi32>
      %add3A_500 = arith.addi %add3A_23, %add3A_499 : vector<16xi32>
      %gather3A_501 = tpu.vector_load_idx %arg5[%add3A_500] : memref<12928xi32, #tpu.memory_space<vmem>>[vector<16xi32>], vector<16xi32>,
      %add3A_502 = arith.addi %add3A_482, %gather3A_501 : vector<16xi32>
      %add3A_503 = arith.constant 96 : i32
      %add3A_504 = vector.broadcast %add3A_503 : i32 to vector<16xi32>
      %add3A_505 = arith.addi %add3A_23, %add3A_504 : vector<16xi32>
      %gather3A_506 = tpu.vector_load_idx %arg5[%add3A_505] : memref<12928xi32, #tpu.memory_space<vmem>>[vector<16xi32>], vector<16xi32>,
      %add3A_507 = arith.addi %add3A_487, %gather3A_506 : vector<16xi32>
      %add3A_508 = arith.constant 97 : i32
      %add3A_509 = vector.broadcast %add3A_508 : i32 to vector<16xi32>
      %add3A_510 = arith.addi %add3A_23, %add3A_509 : vector<16xi32>
      %gather3A_511 = tpu.vector_load_idx %arg5[%add3A_510] : memref<12928xi32, #tpu.memory_space<vmem>>[vector<16xi32>], vector<16xi32>,
      %add3A_512 = arith.addi %add3A_492, %gather3A_511 : vector<16xi32>
      %add3A_513 = arith.constant 98 : i32
      %add3A_514 = vector.broadcast %add3A_513 : i32 to vector<16xi32>
      %add3A_515 = arith.addi %add3A_23, %add3A_514 : vector<16xi32>
      %gather3A_516 = tpu.vector_load_idx %arg5[%add3A_515] : memref<12928xi32, #tpu.memory_space<vmem>>[vector<16xi32>], vector<16xi32>,
      %add3A_517 = arith.addi %add3A_497, %gather3A_516 : vector<16xi32>
      %add3A_518 = arith.constant 99 : i32
      %add3A_519 = vector.broadcast %add3A_518 : i32 to vector<16xi32>
      %add3A_520 = arith.addi %add3A_23, %add3A_519 : vector<16xi32>
      %gather3A_521 = tpu.vector_load_idx %arg5[%add3A_520] : memref<12928xi32, #tpu.memory_space<vmem>>[vector<16xi32>], vector<16xi32>,
      %add3A_522 = arith.addi %add3A_502, %gather3A_521 : vector<16xi32>
      %add3A_523 = arith.addi %add3A_507, %add3A_512 : vector<16xi32>
      %add3A_524 = arith.addi %add3A_517, %add3A_522 : vector<16xi32>
      %add3A_525 = arith.addi %add3A_523, %add3A_524 : vector<16xi32>
      %mul3A_526 = arith.constant 128 : i32
      %mul3A_527 = vector.broadcast %mul3A_526 : i32 to vector<16xi32>
      %mul3A_528 = arith.muli %add3A_525, %mul3A_527 : vector<16xi32>
      %mul3A_529 = arith.constant 16 : i32
      %mul3A_530 = arith.muli %scan3A_18, %mul3A_529 : i32
      %add3A_531 = arith.constant 0 : i32
      %add3A_532 = arith.addi %mul3A_530, %add3A_531 : i32
      %slice3A = vector.extract_strided_slice %mul3A_528 {offsets = [0], sizes = [1], strides = [1]} : vector<16xi32> to vector<1xi32>
      %squeeze3A = vector.extract %slice3A[0] : i32 from vector<1xi32>
      %broadcast_in_dim3A_533 = vector.broadcast %squeeze3A : i32 to vector<16xi32>
      %add3A_534 = arith.addi %iota3A, %broadcast_in_dim3A_533 : vector<16xi32>
      %add3A_535 = arith.constant 0 : i32
      %add3A_536 = vector.broadcast %add3A_535 : i32 to vector<16xi32>
      %add3A_537 = arith.addi %add3A_534, %add3A_536 : vector<16xi32>
      %gather3A_538 = tpu.vector_load_idx %arg6[%add3A_537] : memref<12800xf32, #tpu.memory_space<vmem>>[vector<16xi32>], vector<16xf32>,
      %swap3A = arith.index_cast %add3A_532 : i32 to index
      %swap3A_539 = arith.constant 0 : index
      %swap3A_540 = tpu.vector_load %arg7[%swap3A, %swap3A_539] {strides = array<i32>} : memref<128x128xf32, #tpu.memory_space<vmem>>, vector<16xf32>,
      tpu.vector_store %arg7[%swap3A, %swap3A_539], %gather3A_538 {strides = array<i32>} : memref<128x128xf32, #tpu.memory_space<vmem>>, vector<16xf32>,
      %add3A_541 = arith.constant 16 : i32
      %add3A_542 = vector.broadcast %add3A_541 : i32 to vector<16xi32>
      %add3A_543 = arith.addi %add3A_534, %add3A_542 : vector<16xi32>
      %gather3A_544 = tpu.vector_load_idx %arg6[%add3A_543] : memref<12800xf32, #tpu.memory_space<vmem>>[vector<16xi32>], vector<16xf32>,
      %swap3A_545 = arith.index_cast %add3A_532 : i32 to index
      %swap3A_546 = arith.constant 16 : index
      %swap3A_547 = tpu.vector_load %arg7[%swap3A_545, %swap3A_546] {strides = array<i32>} : memref<128x128xf32, #tpu.memory_space<vmem>>, vector<16xf32>,
      tpu.vector_store %arg7[%swap3A_545, %swap3A_546], %gather3A_544 {strides = array<i32>} : memref<128x128xf32, #tpu.memory_space<vmem>>, vector<16xf32>,
      %add3A_548 = arith.constant 32 : i32
      %add3A_549 = vector.broadcast %add3A_548 : i32 to vector<16xi32>
      %add3A_550 = arith.addi %add3A_534, %add3A_549 : vector<16xi32>
      %gather3A_551 = tpu.vector_load_idx %arg6[%add3A_550] : memref<12800xf32, #tpu.memory_space<vmem>>[vector<16xi32>], vector<16xf32>,
      %swap3A_552 = arith.index_cast %add3A_532 : i32 to index
      %swap3A_553 = arith.constant 32 : index
      %swap3A_554 = tpu.vector_load %arg7[%swap3A_552, %swap3A_553] {strides = array<i32>} : memref<128x128xf32, #tpu.memory_space<vmem>>, vector<16xf32>,
      tpu.vector_store %arg7[%swap3A_552, %swap3A_553], %gather3A_551 {strides = array<i32>} : memref<128x128xf32, #tpu.memory_space<vmem>>, vector<16xf32>,
      %add3A_555 = arith.constant 48 : i32
      %add3A_556 = vector.broadcast %add3A_555 : i32 to vector<16xi32>
      %add3A_557 = arith.addi %add3A_534, %add3A_556 : vector<16xi32>
      %gather3A_558 = tpu.vector_load_idx %arg6[%add3A_557] : memref<12800xf32, #tpu.memory_space<vmem>>[vector<16xi32>], vector<16xf32>,
      %swap3A_559 = arith.index_cast %add3A_532 : i32 to index
      %swap3A_560 = arith.constant 48 : index
      %swap3A_561 = tpu.vector_load %arg7[%swap3A_559, %swap3A_560] {strides = array<i32>} : memref<128x128xf32, #tpu.memory_space<vmem>>, vector<16xf32>,
      tpu.vector_store %arg7[%swap3A_559, %swap3A_560], %gather3A_558 {strides = array<i32>} : memref<128x128xf32, #tpu.memory_space<vmem>>, vector<16xf32>,
      %add3A_562 = arith.constant 64 : i32
      %add3A_563 = vector.broadcast %add3A_562 : i32 to vector<16xi32>
      %add3A_564 = arith.addi %add3A_534, %add3A_563 : vector<16xi32>
      %gather3A_565 = tpu.vector_load_idx %arg6[%add3A_564] : memref<12800xf32, #tpu.memory_space<vmem>>[vector<16xi32>], vector<16xf32>,
      %swap3A_566 = arith.index_cast %add3A_532 : i32 to index
      %swap3A_567 = arith.constant 64 : index
      %swap3A_568 = tpu.vector_load %arg7[%swap3A_566, %swap3A_567] {strides = array<i32>} : memref<128x128xf32, #tpu.memory_space<vmem>>, vector<16xf32>,
      tpu.vector_store %arg7[%swap3A_566, %swap3A_567], %gather3A_565 {strides = array<i32>} : memref<128x128xf32, #tpu.memory_space<vmem>>, vector<16xf32>,
      %add3A_569 = arith.constant 80 : i32
      %add3A_570 = vector.broadcast %add3A_569 : i32 to vector<16xi32>
      %add3A_571 = arith.addi %add3A_534, %add3A_570 : vector<16xi32>
      %gather3A_572 = tpu.vector_load_idx %arg6[%add3A_571] : memref<12800xf32, #tpu.memory_space<vmem>>[vector<16xi32>], vector<16xf32>,
      %swap3A_573 = arith.index_cast %add3A_532 : i32 to index
      %swap3A_574 = arith.constant 80 : index
      %swap3A_575 = tpu.vector_load %arg7[%swap3A_573, %swap3A_574] {strides = array<i32>} : memref<128x128xf32, #tpu.memory_space<vmem>>, vector<16xf32>,
      tpu.vector_store %arg7[%swap3A_573, %swap3A_574], %gather3A_572 {strides = array<i32>} : memref<128x128xf32, #tpu.memory_space<vmem>>, vector<16xf32>,
      %add3A_576 = arith.constant 96 : i32
      %add3A_577 = vector.broadcast %add3A_576 : i32 to vector<16xi32>
      %add3A_578 = arith.addi %add3A_534, %add3A_577 : vector<16xi32>
      %gather3A_579 = tpu.vector_load_idx %arg6[%add3A_578] : memref<12800xf32, #tpu.memory_space<vmem>>[vector<16xi32>], vector<16xf32>,
      %swap3A_580 = arith.index_cast %add3A_532 : i32 to index
      %swap3A_581 = arith.constant 96 : index
      %swap3A_582 = tpu.vector_load %arg7[%swap3A_580, %swap3A_581] {strides = array<i32>} : memref<128x128xf32, #tpu.memory_space<vmem>>, vector<16xf32>,
      tpu.vector_store %arg7[%swap3A_580, %swap3A_581], %gather3A_579 {strides = array<i32>} : memref<128x128xf32, #tpu.memory_space<vmem>>, vector<16xf32>,
      %add3A_583 = arith.constant 112 : i32
      %add3A_584 = vector.broadcast %add3A_583 : i32 to vector<16xi32>
      %add3A_585 = arith.addi %add3A_534, %add3A_584 : vector<16xi32>
      %gather3A_586 = tpu.vector_load_idx %arg6[%add3A_585] : memref<12800xf32, #tpu.memory_space<vmem>>[vector<16xi32>], vector<16xf32>,
      %swap3A_587 = arith.index_cast %add3A_532 : i32 to index
      %swap3A_588 = arith.constant 112 : index
      %swap3A_589 = tpu.vector_load %arg7[%swap3A_587, %swap3A_588] {strides = array<i32>} : memref<128x128xf32, #tpu.memory_space<vmem>>, vector<16xf32>,
      tpu.vector_store %arg7[%swap3A_587, %swap3A_588], %gather3A_586 {strides = array<i32>} : memref<128x128xf32, #tpu.memory_space<vmem>>, vector<16xf32>,
      %mul3A_590 = arith.constant 16 : i32
      %mul3A_591 = arith.muli %scan3A_18, %mul3A_590 : i32
      %add3A_592 = arith.constant 1 : i32
      %add3A_593 = arith.addi %mul3A_591, %add3A_592 : i32
      %slice3A_594 = vector.extract_strided_slice %mul3A_528 {offsets = [1], sizes = [1], strides = [1]} : vector<16xi32> to vector<1xi32>
      %squeeze3A_595 = vector.extract %slice3A_594[0] : i32 from vector<1xi32>
      %broadcast_in_dim3A_596 = vector.broadcast %squeeze3A_595 : i32 to vector<16xi32>
      %add3A_597 = arith.addi %iota3A, %broadcast_in_dim3A_596 : vector<16xi32>
      %add3A_598 = arith.constant 0 : i32
      %add3A_599 = vector.broadcast %add3A_598 : i32 to vector<16xi32>
      %add3A_600 = arith.addi %add3A_597, %add3A_599 : vector<16xi32>
      %gather3A_601 = tpu.vector_load_idx %arg6[%add3A_600] : memref<12800xf32, #tpu.memory_space<vmem>>[vector<16xi32>], vector<16xf32>,
      %swap3A_602 = arith.index_cast %add3A_593 : i32 to index
      %swap3A_603 = arith.constant 0 : index
      %swap3A_604 = tpu.vector_load %arg7[%swap3A_602, %swap3A_603] {strides = array<i32>} : memref<128x128xf32, #tpu.memory_space<vmem>>, vector<16xf32>,
      tpu.vector_store %arg7[%swap3A_602, %swap3A_603], %gather3A_601 {strides = array<i32>} : memref<128x128xf32, #tpu.memory_space<vmem>>, vector<16xf32>,
      %add3A_605 = arith.constant 16 : i32
      %add3A_606 = vector.broadcast %add3A_605 : i32 to vector<16xi32>
      %add3A_607 = arith.addi %add3A_597, %add3A_606 : vector<16xi32>
      %gather3A_608 = tpu.vector_load_idx %arg6[%add3A_607] : memref<12800xf32, #tpu.memory_space<vmem>>[vector<16xi32>], vector<16xf32>,
      %swap3A_609 = arith.index_cast %add3A_593 : i32 to index
      %swap3A_610 = arith.constant 16 : index
      %swap3A_611 = tpu.vector_load %arg7[%swap3A_609, %swap3A_610] {strides = array<i32>} : memref<128x128xf32, #tpu.memory_space<vmem>>, vector<16xf32>,
      tpu.vector_store %arg7[%swap3A_609, %swap3A_610], %gather3A_608 {strides = array<i32>} : memref<128x128xf32, #tpu.memory_space<vmem>>, vector<16xf32>,
      %add3A_612 = arith.constant 32 : i32
      %add3A_613 = vector.broadcast %add3A_612 : i32 to vector<16xi32>
      %add3A_614 = arith.addi %add3A_597, %add3A_613 : vector<16xi32>
      %gather3A_615 = tpu.vector_load_idx %arg6[%add3A_614] : memref<12800xf32, #tpu.memory_space<vmem>>[vector<16xi32>], vector<16xf32>,
      %swap3A_616 = arith.index_cast %add3A_593 : i32 to index
      %swap3A_617 = arith.constant 32 : index
      %swap3A_618 = tpu.vector_load %arg7[%swap3A_616, %swap3A_617] {strides = array<i32>} : memref<128x128xf32, #tpu.memory_space<vmem>>, vector<16xf32>,
      tpu.vector_store %arg7[%swap3A_616, %swap3A_617], %gather3A_615 {strides = array<i32>} : memref<128x128xf32, #tpu.memory_space<vmem>>, vector<16xf32>,
      %add3A_619 = arith.constant 48 : i32
      %add3A_620 = vector.broadcast %add3A_619 : i32 to vector<16xi32>
      %add3A_621 = arith.addi %add3A_597, %add3A_620 : vector<16xi32>
      %gather3A_622 = tpu.vector_load_idx %arg6[%add3A_621] : memref<12800xf32, #tpu.memory_space<vmem>>[vector<16xi32>], vector<16xf32>,
      %swap3A_623 = arith.index_cast %add3A_593 : i32 to index
      %swap3A_624 = arith.constant 48 : index
      %swap3A_625 = tpu.vector_load %arg7[%swap3A_623, %swap3A_624] {strides = array<i32>} : memref<128x128xf32, #tpu.memory_space<vmem>>, vector<16xf32>,
      tpu.vector_store %arg7[%swap3A_623, %swap3A_624], %gather3A_622 {strides = array<i32>} : memref<128x128xf32, #tpu.memory_space<vmem>>, vector<16xf32>,
      %add3A_626 = arith.constant 64 : i32
      %add3A_627 = vector.broadcast %add3A_626 : i32 to vector<16xi32>
      %add3A_628 = arith.addi %add3A_597, %add3A_627 : vector<16xi32>
      %gather3A_629 = tpu.vector_load_idx %arg6[%add3A_628] : memref<12800xf32, #tpu.memory_space<vmem>>[vector<16xi32>], vector<16xf32>,
      %swap3A_630 = arith.index_cast %add3A_593 : i32 to index
      %swap3A_631 = arith.constant 64 : index
      %swap3A_632 = tpu.vector_load %arg7[%swap3A_630, %swap3A_631] {strides = array<i32>} : memref<128x128xf32, #tpu.memory_space<vmem>>, vector<16xf32>,
      tpu.vector_store %arg7[%swap3A_630, %swap3A_631], %gather3A_629 {strides = array<i32>} : memref<128x128xf32, #tpu.memory_space<vmem>>, vector<16xf32>,
      %add3A_633 = arith.constant 80 : i32
      %add3A_634 = vector.broadcast %add3A_633 : i32 to vector<16xi32>
      %add3A_635 = arith.addi %add3A_597, %add3A_634 : vector<16xi32>
      %gather3A_636 = tpu.vector_load_idx %arg6[%add3A_635] : memref<12800xf32, #tpu.memory_space<vmem>>[vector<16xi32>], vector<16xf32>,
      %swap3A_637 = arith.index_cast %add3A_593 : i32 to index
      %swap3A_638 = arith.constant 80 : index
      %swap3A_639 = tpu.vector_load %arg7[%swap3A_637, %swap3A_638] {strides = array<i32>} : memref<128x128xf32, #tpu.memory_space<vmem>>, vector<16xf32>,
      tpu.vector_store %arg7[%swap3A_637, %swap3A_638], %gather3A_636 {strides = array<i32>} : memref<128x128xf32, #tpu.memory_space<vmem>>, vector<16xf32>,
      %add3A_640 = arith.constant 96 : i32
      %add3A_641 = vector.broadcast %add3A_640 : i32 to vector<16xi32>
      %add3A_642 = arith.addi %add3A_597, %add3A_641 : vector<16xi32>
      %gather3A_643 = tpu.vector_load_idx %arg6[%add3A_642] : memref<12800xf32, #tpu.memory_space<vmem>>[vector<16xi32>], vector<16xf32>,
      %swap3A_644 = arith.index_cast %add3A_593 : i32 to index
      %swap3A_645 = arith.constant 96 : index
      %swap3A_646 = tpu.vector_load %arg7[%swap3A_644, %swap3A_645] {strides = array<i32>} : memref<128x128xf32, #tpu.memory_space<vmem>>, vector<16xf32>,
      tpu.vector_store %arg7[%swap3A_644, %swap3A_645], %gather3A_643 {strides = array<i32>} : memref<128x128xf32, #tpu.memory_space<vmem>>, vector<16xf32>,
      %add3A_647 = arith.constant 112 : i32
      %add3A_648 = vector.broadcast %add3A_647 : i32 to vector<16xi32>
      %add3A_649 = arith.addi %add3A_597, %add3A_648 : vector<16xi32>
      %gather3A_650 = tpu.vector_load_idx %arg6[%add3A_649] : memref<12800xf32, #tpu.memory_space<vmem>>[vector<16xi32>], vector<16xf32>,
      %swap3A_651 = arith.index_cast %add3A_593 : i32 to index
      %swap3A_652 = arith.constant 112 : index
      %swap3A_653 = tpu.vector_load %arg7[%swap3A_651, %swap3A_652] {strides = array<i32>} : memref<128x128xf32, #tpu.memory_space<vmem>>, vector<16xf32>,
      tpu.vector_store %arg7[%swap3A_651, %swap3A_652], %gather3A_650 {strides = array<i32>} : memref<128x128xf32, #tpu.memory_space<vmem>>, vector<16xf32>,
      %mul3A_654 = arith.constant 16 : i32
      %mul3A_655 = arith.muli %scan3A_18, %mul3A_654 : i32
      %add3A_656 = arith.constant 2 : i32
      %add3A_657 = arith.addi %mul3A_655, %add3A_656 : i32
      %slice3A_658 = vector.extract_strided_slice %mul3A_528 {offsets = [2], sizes = [1], strides = [1]} : vector<16xi32> to vector<1xi32>
      %squeeze3A_659 = vector.extract %slice3A_658[0] : i32 from vector<1xi32>
      %broadcast_in_dim3A_660 = vector.broadcast %squeeze3A_659 : i32 to vector<16xi32>
      %add3A_661 = arith.addi %iota3A, %broadcast_in_dim3A_660 : vector<16xi32>
      %add3A_662 = arith.constant 0 : i32
      %add3A_663 = vector.broadcast %add3A_662 : i32 to vector<16xi32>
      %add3A_664 = arith.addi %add3A_661, %add3A_663 : vector<16xi32>
      %gather3A_665 = tpu.vector_load_idx %arg6[%add3A_664] : memref<12800xf32, #tpu.memory_space<vmem>>[vector<16xi32>], vector<16xf32>,
      %swap3A_666 = arith.index_cast %add3A_657 : i32 to index
      %swap3A_667 = arith.constant 0 : index
      %swap3A_668 = tpu.vector_load %arg7[%swap3A_666, %swap3A_667] {strides = array<i32>} : memref<128x128xf32, #tpu.memory_space<vmem>>, vector<16xf32>,
      tpu.vector_store %arg7[%swap3A_666, %swap3A_667], %gather3A_665 {strides = array<i32>} : memref<128x128xf32, #tpu.memory_space<vmem>>, vector<16xf32>,
      %add3A_669 = arith.constant 16 : i32
      %add3A_670 = vector.broadcast %add3A_669 : i32 to vector<16xi32>
      %add3A_671 = arith.addi %add3A_661, %add3A_670 : vector<16xi32>
      %gather3A_672 = tpu.vector_load_idx %arg6[%add3A_671] : memref<12800xf32, #tpu.memory_space<vmem>>[vector<16xi32>], vector<16xf32>,
      %swap3A_673 = arith.index_cast %add3A_657 : i32 to index
      %swap3A_674 = arith.constant 16 : index
      %swap3A_675 = tpu.vector_load %arg7[%swap3A_673, %swap3A_674] {strides = array<i32>} : memref<128x128xf32, #tpu.memory_space<vmem>>, vector<16xf32>,
      tpu.vector_store %arg7[%swap3A_673, %swap3A_674], %gather3A_672 {strides = array<i32>} : memref<128x128xf32, #tpu.memory_space<vmem>>, vector<16xf32>,
      %add3A_676 = arith.constant 32 : i32
      %add3A_677 = vector.broadcast %add3A_676 : i32 to vector<16xi32>
      %add3A_678 = arith.addi %add3A_661, %add3A_677 : vector<16xi32>
      %gather3A_679 = tpu.vector_load_idx %arg6[%add3A_678] : memref<12800xf32, #tpu.memory_space<vmem>>[vector<16xi32>], vector<16xf32>,
      %swap3A_680 = arith.index_cast %add3A_657 : i32 to index
      %swap3A_681 = arith.constant 32 : index
      %swap3A_682 = tpu.vector_load %arg7[%swap3A_680, %swap3A_681] {strides = array<i32>} : memref<128x128xf32, #tpu.memory_space<vmem>>, vector<16xf32>,
      tpu.vector_store %arg7[%swap3A_680, %swap3A_681], %gather3A_679 {strides = array<i32>} : memref<128x128xf32, #tpu.memory_space<vmem>>, vector<16xf32>,
      %add3A_683 = arith.constant 48 : i32
      %add3A_684 = vector.broadcast %add3A_683 : i32 to vector<16xi32>
      %add3A_685 = arith.addi %add3A_661, %add3A_684 : vector<16xi32>
      %gather3A_686 = tpu.vector_load_idx %arg6[%add3A_685] : memref<12800xf32, #tpu.memory_space<vmem>>[vector<16xi32>], vector<16xf32>,
      %swap3A_687 = arith.index_cast %add3A_657 : i32 to index
      %swap3A_688 = arith.constant 48 : index
      %swap3A_689 = tpu.vector_load %arg7[%swap3A_687, %swap3A_688] {strides = array<i32>} : memref<128x128xf32, #tpu.memory_space<vmem>>, vector<16xf32>,
      tpu.vector_store %arg7[%swap3A_687, %swap3A_688], %gather3A_686 {strides = array<i32>} : memref<128x128xf32, #tpu.memory_space<vmem>>, vector<16xf32>,
      %add3A_690 = arith.constant 64 : i32
      %add3A_691 = vector.broadcast %add3A_690 : i32 to vector<16xi32>
      %add3A_692 = arith.addi %add3A_661, %add3A_691 : vector<16xi32>
      %gather3A_693 = tpu.vector_load_idx %arg6[%add3A_692] : memref<12800xf32, #tpu.memory_space<vmem>>[vector<16xi32>], vector<16xf32>,
      %swap3A_694 = arith.index_cast %add3A_657 : i32 to index
      %swap3A_695 = arith.constant 64 : index
      %swap3A_696 = tpu.vector_load %arg7[%swap3A_694, %swap3A_695] {strides = array<i32>} : memref<128x128xf32, #tpu.memory_space<vmem>>, vector<16xf32>,
      tpu.vector_store %arg7[%swap3A_694, %swap3A_695], %gather3A_693 {strides = array<i32>} : memref<128x128xf32, #tpu.memory_space<vmem>>, vector<16xf32>,
      %add3A_697 = arith.constant 80 : i32
      %add3A_698 = vector.broadcast %add3A_697 : i32 to vector<16xi32>
      %add3A_699 = arith.addi %add3A_661, %add3A_698 : vector<16xi32>
      %gather3A_700 = tpu.vector_load_idx %arg6[%add3A_699] : memref<12800xf32, #tpu.memory_space<vmem>>[vector<16xi32>], vector<16xf32>,
      %swap3A_701 = arith.index_cast %add3A_657 : i32 to index
      %swap3A_702 = arith.constant 80 : index
      %swap3A_703 = tpu.vector_load %arg7[%swap3A_701, %swap3A_702] {strides = array<i32>} : memref<128x128xf32, #tpu.memory_space<vmem>>, vector<16xf32>,
      tpu.vector_store %arg7[%swap3A_701, %swap3A_702], %gather3A_700 {strides = array<i32>} : memref<128x128xf32, #tpu.memory_space<vmem>>, vector<16xf32>,
      %add3A_704 = arith.constant 96 : i32
      %add3A_705 = vector.broadcast %add3A_704 : i32 to vector<16xi32>
      %add3A_706 = arith.addi %add3A_661, %add3A_705 : vector<16xi32>
      %gather3A_707 = tpu.vector_load_idx %arg6[%add3A_706] : memref<12800xf32, #tpu.memory_space<vmem>>[vector<16xi32>], vector<16xf32>,
      %swap3A_708 = arith.index_cast %add3A_657 : i32 to index
      %swap3A_709 = arith.constant 96 : index
      %swap3A_710 = tpu.vector_load %arg7[%swap3A_708, %swap3A_709] {strides = array<i32>} : memref<128x128xf32, #tpu.memory_space<vmem>>, vector<16xf32>,
      tpu.vector_store %arg7[%swap3A_708, %swap3A_709], %gather3A_707 {strides = array<i32>} : memref<128x128xf32, #tpu.memory_space<vmem>>, vector<16xf32>,
      %add3A_711 = arith.constant 112 : i32
      %add3A_712 = vector.broadcast %add3A_711 : i32 to vector<16xi32>
      %add3A_713 = arith.addi %add3A_661, %add3A_712 : vector<16xi32>
      %gather3A_714 = tpu.vector_load_idx %arg6[%add3A_713] : memref<12800xf32, #tpu.memory_space<vmem>>[vector<16xi32>], vector<16xf32>,
      %swap3A_715 = arith.index_cast %add3A_657 : i32 to index
      %swap3A_716 = arith.constant 112 : index
      %swap3A_717 = tpu.vector_load %arg7[%swap3A_715, %swap3A_716] {strides = array<i32>} : memref<128x128xf32, #tpu.memory_space<vmem>>, vector<16xf32>,
      tpu.vector_store %arg7[%swap3A_715, %swap3A_716], %gather3A_714 {strides = array<i32>} : memref<128x128xf32, #tpu.memory_space<vmem>>, vector<16xf32>,
      %mul3A_718 = arith.constant 16 : i32
      %mul3A_719 = arith.muli %scan3A_18, %mul3A_718 : i32
      %add3A_720 = arith.constant 3 : i32
      %add3A_721 = arith.addi %mul3A_719, %add3A_720 : i32
      %slice3A_722 = vector.extract_strided_slice %mul3A_528 {offsets = [3], sizes = [1], strides = [1]} : vector<16xi32> to vector<1xi32>
      %squeeze3A_723 = vector.extract %slice3A_722[0] : i32 from vector<1xi32>
      %broadcast_in_dim3A_724 = vector.broadcast %squeeze3A_723 : i32 to vector<16xi32>
      %add3A_725 = arith.addi %iota3A, %broadcast_in_dim3A_724 : vector<16xi32>
      %add3A_726 = arith.constant 0 : i32
      %add3A_727 = vector.broadcast %add3A_726 : i32 to vector<16xi32>
      %add3A_728 = arith.addi %add3A_725, %add3A_727 : vector<16xi32>
      %gather3A_729 = tpu.vector_load_idx %arg6[%add3A_728] : memref<12800xf32, #tpu.memory_space<vmem>>[vector<16xi32>], vector<16xf32>,
      %swap3A_730 = arith.index_cast %add3A_721 : i32 to index
      %swap3A_731 = arith.constant 0 : index
      %swap3A_732 = tpu.vector_load %arg7[%swap3A_730, %swap3A_731] {strides = array<i32>} : memref<128x128xf32, #tpu.memory_space<vmem>>, vector<16xf32>,
      tpu.vector_store %arg7[%swap3A_730, %swap3A_731], %gather3A_729 {strides = array<i32>} : memref<128x128xf32, #tpu.memory_space<vmem>>, vector<16xf32>,
      %add3A_733 = arith.constant 16 : i32
      %add3A_734 = vector.broadcast %add3A_733 : i32 to vector<16xi32>
      %add3A_735 = arith.addi %add3A_725, %add3A_734 : vector<16xi32>
      %gather3A_736 = tpu.vector_load_idx %arg6[%add3A_735] : memref<12800xf32, #tpu.memory_space<vmem>>[vector<16xi32>], vector<16xf32>,
      %swap3A_737 = arith.index_cast %add3A_721 : i32 to index
      %swap3A_738 = arith.constant 16 : index
      %swap3A_739 = tpu.vector_load %arg7[%swap3A_737, %swap3A_738] {strides = array<i32>} : memref<128x128xf32, #tpu.memory_space<vmem>>, vector<16xf32>,
      tpu.vector_store %arg7[%swap3A_737, %swap3A_738], %gather3A_736 {strides = array<i32>} : memref<128x128xf32, #tpu.memory_space<vmem>>, vector<16xf32>,
      %add3A_740 = arith.constant 32 : i32
      %add3A_741 = vector.broadcast %add3A_740 : i32 to vector<16xi32>
      %add3A_742 = arith.addi %add3A_725, %add3A_741 : vector<16xi32>
      %gather3A_743 = tpu.vector_load_idx %arg6[%add3A_742] : memref<12800xf32, #tpu.memory_space<vmem>>[vector<16xi32>], vector<16xf32>,
      %swap3A_744 = arith.index_cast %add3A_721 : i32 to index
      %swap3A_745 = arith.constant 32 : index
      %swap3A_746 = tpu.vector_load %arg7[%swap3A_744, %swap3A_745] {strides = array<i32>} : memref<128x128xf32, #tpu.memory_space<vmem>>, vector<16xf32>,
      tpu.vector_store %arg7[%swap3A_744, %swap3A_745], %gather3A_743 {strides = array<i32>} : memref<128x128xf32, #tpu.memory_space<vmem>>, vector<16xf32>,
      %add3A_747 = arith.constant 48 : i32
      %add3A_748 = vector.broadcast %add3A_747 : i32 to vector<16xi32>
      %add3A_749 = arith.addi %add3A_725, %add3A_748 : vector<16xi32>
      %gather3A_750 = tpu.vector_load_idx %arg6[%add3A_749] : memref<12800xf32, #tpu.memory_space<vmem>>[vector<16xi32>], vector<16xf32>,
      %swap3A_751 = arith.index_cast %add3A_721 : i32 to index
      %swap3A_752 = arith.constant 48 : index
      %swap3A_753 = tpu.vector_load %arg7[%swap3A_751, %swap3A_752] {strides = array<i32>} : memref<128x128xf32, #tpu.memory_space<vmem>>, vector<16xf32>,
      tpu.vector_store %arg7[%swap3A_751, %swap3A_752], %gather3A_750 {strides = array<i32>} : memref<128x128xf32, #tpu.memory_space<vmem>>, vector<16xf32>,
      %add3A_754 = arith.constant 64 : i32
      %add3A_755 = vector.broadcast %add3A_754 : i32 to vector<16xi32>
      %add3A_756 = arith.addi %add3A_725, %add3A_755 : vector<16xi32>
      %gather3A_757 = tpu.vector_load_idx %arg6[%add3A_756] : memref<12800xf32, #tpu.memory_space<vmem>>[vector<16xi32>], vector<16xf32>,
      %swap3A_758 = arith.index_cast %add3A_721 : i32 to index
      %swap3A_759 = arith.constant 64 : index
      %swap3A_760 = tpu.vector_load %arg7[%swap3A_758, %swap3A_759] {strides = array<i32>} : memref<128x128xf32, #tpu.memory_space<vmem>>, vector<16xf32>,
      tpu.vector_store %arg7[%swap3A_758, %swap3A_759], %gather3A_757 {strides = array<i32>} : memref<128x128xf32, #tpu.memory_space<vmem>>, vector<16xf32>,
      %add3A_761 = arith.constant 80 : i32
      %add3A_762 = vector.broadcast %add3A_761 : i32 to vector<16xi32>
      %add3A_763 = arith.addi %add3A_725, %add3A_762 : vector<16xi32>
      %gather3A_764 = tpu.vector_load_idx %arg6[%add3A_763] : memref<12800xf32, #tpu.memory_space<vmem>>[vector<16xi32>], vector<16xf32>,
      %swap3A_765 = arith.index_cast %add3A_721 : i32 to index
      %swap3A_766 = arith.constant 80 : index
      %swap3A_767 = tpu.vector_load %arg7[%swap3A_765, %swap3A_766] {strides = array<i32>} : memref<128x128xf32, #tpu.memory_space<vmem>>, vector<16xf32>,
      tpu.vector_store %arg7[%swap3A_765, %swap3A_766], %gather3A_764 {strides = array<i32>} : memref<128x128xf32, #tpu.memory_space<vmem>>, vector<16xf32>,
      %add3A_768 = arith.constant 96 : i32
      %add3A_769 = vector.broadcast %add3A_768 : i32 to vector<16xi32>
      %add3A_770 = arith.addi %add3A_725, %add3A_769 : vector<16xi32>
      %gather3A_771 = tpu.vector_load_idx %arg6[%add3A_770] : memref<12800xf32, #tpu.memory_space<vmem>>[vector<16xi32>], vector<16xf32>,
      %swap3A_772 = arith.index_cast %add3A_721 : i32 to index
      %swap3A_773 = arith.constant 96 : index
      %swap3A_774 = tpu.vector_load %arg7[%swap3A_772, %swap3A_773] {strides = array<i32>} : memref<128x128xf32, #tpu.memory_space<vmem>>, vector<16xf32>,
      tpu.vector_store %arg7[%swap3A_772, %swap3A_773], %gather3A_771 {strides = array<i32>} : memref<128x128xf32, #tpu.memory_space<vmem>>, vector<16xf32>,
      %add3A_775 = arith.constant 112 : i32
      %add3A_776 = vector.broadcast %add3A_775 : i32 to vector<16xi32>
      %add3A_777 = arith.addi %add3A_725, %add3A_776 : vector<16xi32>
      %gather3A_778 = tpu.vector_load_idx %arg6[%add3A_777] : memref<12800xf32, #tpu.memory_space<vmem>>[vector<16xi32>], vector<16xf32>,
      %swap3A_779 = arith.index_cast %add3A_721 : i32 to index
      %swap3A_780 = arith.constant 112 : index
      %swap3A_781 = tpu.vector_load %arg7[%swap3A_779, %swap3A_780] {strides = array<i32>} : memref<128x128xf32, #tpu.memory_space<vmem>>, vector<16xf32>,
      tpu.vector_store %arg7[%swap3A_779, %swap3A_780], %gather3A_778 {strides = array<i32>} : memref<128x128xf32, #tpu.memory_space<vmem>>, vector<16xf32>,
      %mul3A_782 = arith.constant 16 : i32
      %mul3A_783 = arith.muli %scan3A_18, %mul3A_782 : i32
      %add3A_784 = arith.constant 4 : i32
      %add3A_785 = arith.addi %mul3A_783, %add3A_784 : i32
      %slice3A_786 = vector.extract_strided_slice %mul3A_528 {offsets = [4], sizes = [1], strides = [1]} : vector<16xi32> to vector<1xi32>
      %squeeze3A_787 = vector.extract %slice3A_786[0] : i32 from vector<1xi32>
      %broadcast_in_dim3A_788 = vector.broadcast %squeeze3A_787 : i32 to vector<16xi32>
      %add3A_789 = arith.addi %iota3A, %broadcast_in_dim3A_788 : vector<16xi32>
      %add3A_790 = arith.constant 0 : i32
      %add3A_791 = vector.broadcast %add3A_790 : i32 to vector<16xi32>
      %add3A_792 = arith.addi %add3A_789, %add3A_791 : vector<16xi32>
      %gather3A_793 = tpu.vector_load_idx %arg6[%add3A_792] : memref<12800xf32, #tpu.memory_space<vmem>>[vector<16xi32>], vector<16xf32>,
      %swap3A_794 = arith.index_cast %add3A_785 : i32 to index
      %swap3A_795 = arith.constant 0 : index
      %swap3A_796 = tpu.vector_load %arg7[%swap3A_794, %swap3A_795] {strides = array<i32>} : memref<128x128xf32, #tpu.memory_space<vmem>>, vector<16xf32>,
      tpu.vector_store %arg7[%swap3A_794, %swap3A_795], %gather3A_793 {strides = array<i32>} : memref<128x128xf32, #tpu.memory_space<vmem>>, vector<16xf32>,
      %add3A_797 = arith.constant 16 : i32
      %add3A_798 = vector.broadcast %add3A_797 : i32 to vector<16xi32>
      %add3A_799 = arith.addi %add3A_789, %add3A_798 : vector<16xi32>
      %gather3A_800 = tpu.vector_load_idx %arg6[%add3A_799] : memref<12800xf32, #tpu.memory_space<vmem>>[vector<16xi32>], vector<16xf32>,
      %swap3A_801 = arith.index_cast %add3A_785 : i32 to index
      %swap3A_802 = arith.constant 16 : index
      %swap3A_803 = tpu.vector_load %arg7[%swap3A_801, %swap3A_802] {strides = array<i32>} : memref<128x128xf32, #tpu.memory_space<vmem>>, vector<16xf32>,
      tpu.vector_store %arg7[%swap3A_801, %swap3A_802], %gather3A_800 {strides = array<i32>} : memref<128x128xf32, #tpu.memory_space<vmem>>, vector<16xf32>,
      %add3A_804 = arith.constant 32 : i32
      %add3A_805 = vector.broadcast %add3A_804 : i32 to vector<16xi32>
      %add3A_806 = arith.addi %add3A_789, %add3A_805 : vector<16xi32>
      %gather3A_807 = tpu.vector_load_idx %arg6[%add3A_806] : memref<12800xf32, #tpu.memory_space<vmem>>[vector<16xi32>], vector<16xf32>,
      %swap3A_808 = arith.index_cast %add3A_785 : i32 to index
      %swap3A_809 = arith.constant 32 : index
      %swap3A_810 = tpu.vector_load %arg7[%swap3A_808, %swap3A_809] {strides = array<i32>} : memref<128x128xf32, #tpu.memory_space<vmem>>, vector<16xf32>,
      tpu.vector_store %arg7[%swap3A_808, %swap3A_809], %gather3A_807 {strides = array<i32>} : memref<128x128xf32, #tpu.memory_space<vmem>>, vector<16xf32>,
      %add3A_811 = arith.constant 48 : i32
      %add3A_812 = vector.broadcast %add3A_811 : i32 to vector<16xi32>
      %add3A_813 = arith.addi %add3A_789, %add3A_812 : vector<16xi32>
      %gather3A_814 = tpu.vector_load_idx %arg6[%add3A_813] : memref<12800xf32, #tpu.memory_space<vmem>>[vector<16xi32>], vector<16xf32>,
      %swap3A_815 = arith.index_cast %add3A_785 : i32 to index
      %swap3A_816 = arith.constant 48 : index
      %swap3A_817 = tpu.vector_load %arg7[%swap3A_815, %swap3A_816] {strides = array<i32>} : memref<128x128xf32, #tpu.memory_space<vmem>>, vector<16xf32>,
      tpu.vector_store %arg7[%swap3A_815, %swap3A_816], %gather3A_814 {strides = array<i32>} : memref<128x128xf32, #tpu.memory_space<vmem>>, vector<16xf32>,
      %add3A_818 = arith.constant 64 : i32
      %add3A_819 = vector.broadcast %add3A_818 : i32 to vector<16xi32>
      %add3A_820 = arith.addi %add3A_789, %add3A_819 : vector<16xi32>
      %gather3A_821 = tpu.vector_load_idx %arg6[%add3A_820] : memref<12800xf32, #tpu.memory_space<vmem>>[vector<16xi32>], vector<16xf32>,
      %swap3A_822 = arith.index_cast %add3A_785 : i32 to index
      %swap3A_823 = arith.constant 64 : index
      %swap3A_824 = tpu.vector_load %arg7[%swap3A_822, %swap3A_823] {strides = array<i32>} : memref<128x128xf32, #tpu.memory_space<vmem>>, vector<16xf32>,
      tpu.vector_store %arg7[%swap3A_822, %swap3A_823], %gather3A_821 {strides = array<i32>} : memref<128x128xf32, #tpu.memory_space<vmem>>, vector<16xf32>,
      %add3A_825 = arith.constant 80 : i32
      %add3A_826 = vector.broadcast %add3A_825 : i32 to vector<16xi32>
      %add3A_827 = arith.addi %add3A_789, %add3A_826 : vector<16xi32>
      %gather3A_828 = tpu.vector_load_idx %arg6[%add3A_827] : memref<12800xf32, #tpu.memory_space<vmem>>[vector<16xi32>], vector<16xf32>,
      %swap3A_829 = arith.index_cast %add3A_785 : i32 to index
      %swap3A_830 = arith.constant 80 : index
      %swap3A_831 = tpu.vector_load %arg7[%swap3A_829, %swap3A_830] {strides = array<i32>} : memref<128x128xf32, #tpu.memory_space<vmem>>, vector<16xf32>,
      tpu.vector_store %arg7[%swap3A_829, %swap3A_830], %gather3A_828 {strides = array<i32>} : memref<128x128xf32, #tpu.memory_space<vmem>>, vector<16xf32>,
      %add3A_832 = arith.constant 96 : i32
      %add3A_833 = vector.broadcast %add3A_832 : i32 to vector<16xi32>
      %add3A_834 = arith.addi %add3A_789, %add3A_833 : vector<16xi32>
      %gather3A_835 = tpu.vector_load_idx %arg6[%add3A_834] : memref<12800xf32, #tpu.memory_space<vmem>>[vector<16xi32>], vector<16xf32>,
      %swap3A_836 = arith.index_cast %add3A_785 : i32 to index
      %swap3A_837 = arith.constant 96 : index
      %swap3A_838 = tpu.vector_load %arg7[%swap3A_836, %swap3A_837] {strides = array<i32>} : memref<128x128xf32, #tpu.memory_space<vmem>>, vector<16xf32>,
      tpu.vector_store %arg7[%swap3A_836, %swap3A_837], %gather3A_835 {strides = array<i32>} : memref<128x128xf32, #tpu.memory_space<vmem>>, vector<16xf32>,
      %add3A_839 = arith.constant 112 : i32
      %add3A_840 = vector.broadcast %add3A_839 : i32 to vector<16xi32>
      %add3A_841 = arith.addi %add3A_789, %add3A_840 : vector<16xi32>
      %gather3A_842 = tpu.vector_load_idx %arg6[%add3A_841] : memref<12800xf32, #tpu.memory_space<vmem>>[vector<16xi32>], vector<16xf32>,
      %swap3A_843 = arith.index_cast %add3A_785 : i32 to index
      %swap3A_844 = arith.constant 112 : index
      %swap3A_845 = tpu.vector_load %arg7[%swap3A_843, %swap3A_844] {strides = array<i32>} : memref<128x128xf32, #tpu.memory_space<vmem>>, vector<16xf32>,
      tpu.vector_store %arg7[%swap3A_843, %swap3A_844], %gather3A_842 {strides = array<i32>} : memref<128x128xf32, #tpu.memory_space<vmem>>, vector<16xf32>,
      %mul3A_846 = arith.constant 16 : i32
      %mul3A_847 = arith.muli %scan3A_18, %mul3A_846 : i32
      %add3A_848 = arith.constant 5 : i32
      %add3A_849 = arith.addi %mul3A_847, %add3A_848 : i32
      %slice3A_850 = vector.extract_strided_slice %mul3A_528 {offsets = [5], sizes = [1], strides = [1]} : vector<16xi32> to vector<1xi32>
      %squeeze3A_851 = vector.extract %slice3A_850[0] : i32 from vector<1xi32>
      %broadcast_in_dim3A_852 = vector.broadcast %squeeze3A_851 : i32 to vector<16xi32>
      %add3A_853 = arith.addi %iota3A, %broadcast_in_dim3A_852 : vector<16xi32>
      %add3A_854 = arith.constant 0 : i32
      %add3A_855 = vector.broadcast %add3A_854 : i32 to vector<16xi32>
      %add3A_856 = arith.addi %add3A_853, %add3A_855 : vector<16xi32>
      %gather3A_857 = tpu.vector_load_idx %arg6[%add3A_856] : memref<12800xf32, #tpu.memory_space<vmem>>[vector<16xi32>], vector<16xf32>,
      %swap3A_858 = arith.index_cast %add3A_849 : i32 to index
      %swap3A_859 = arith.constant 0 : index
      %swap3A_860 = tpu.vector_load %arg7[%swap3A_858, %swap3A_859] {strides = array<i32>} : memref<128x128xf32, #tpu.memory_space<vmem>>, vector<16xf32>,
      tpu.vector_store %arg7[%swap3A_858, %swap3A_859], %gather3A_857 {strides = array<i32>} : memref<128x128xf32, #tpu.memory_space<vmem>>, vector<16xf32>,
      %add3A_861 = arith.constant 16 : i32
      %add3A_862 = vector.broadcast %add3A_861 : i32 to vector<16xi32>
      %add3A_863 = arith.addi %add3A_853, %add3A_862 : vector<16xi32>
      %gather3A_864 = tpu.vector_load_idx %arg6[%add3A_863] : memref<12800xf32, #tpu.memory_space<vmem>>[vector<16xi32>], vector<16xf32>,
      %swap3A_865 = arith.index_cast %add3A_849 : i32 to index
      %swap3A_866 = arith.constant 16 : index
      %swap3A_867 = tpu.vector_load %arg7[%swap3A_865, %swap3A_866] {strides = array<i32>} : memref<128x128xf32, #tpu.memory_space<vmem>>, vector<16xf32>,
      tpu.vector_store %arg7[%swap3A_865, %swap3A_866], %gather3A_864 {strides = array<i32>} : memref<128x128xf32, #tpu.memory_space<vmem>>, vector<16xf32>,
      %add3A_868 = arith.constant 32 : i32
      %add3A_869 = vector.broadcast %add3A_868 : i32 to vector<16xi32>
      %add3A_870 = arith.addi %add3A_853, %add3A_869 : vector<16xi32>
      %gather3A_871 = tpu.vector_load_idx %arg6[%add3A_870] : memref<12800xf32, #tpu.memory_space<vmem>>[vector<16xi32>], vector<16xf32>,
      %swap3A_872 = arith.index_cast %add3A_849 : i32 to index
      %swap3A_873 = arith.constant 32 : index
      %swap3A_874 = tpu.vector_load %arg7[%swap3A_872, %swap3A_873] {strides = array<i32>} : memref<128x128xf32, #tpu.memory_space<vmem>>, vector<16xf32>,
      tpu.vector_store %arg7[%swap3A_872, %swap3A_873], %gather3A_871 {strides = array<i32>} : memref<128x128xf32, #tpu.memory_space<vmem>>, vector<16xf32>,
      %add3A_875 = arith.constant 48 : i32
      %add3A_876 = vector.broadcast %add3A_875 : i32 to vector<16xi32>
      %add3A_877 = arith.addi %add3A_853, %add3A_876 : vector<16xi32>
      %gather3A_878 = tpu.vector_load_idx %arg6[%add3A_877] : memref<12800xf32, #tpu.memory_space<vmem>>[vector<16xi32>], vector<16xf32>,
      %swap3A_879 = arith.index_cast %add3A_849 : i32 to index
      %swap3A_880 = arith.constant 48 : index
      %swap3A_881 = tpu.vector_load %arg7[%swap3A_879, %swap3A_880] {strides = array<i32>} : memref<128x128xf32, #tpu.memory_space<vmem>>, vector<16xf32>,
      tpu.vector_store %arg7[%swap3A_879, %swap3A_880], %gather3A_878 {strides = array<i32>} : memref<128x128xf32, #tpu.memory_space<vmem>>, vector<16xf32>,
      %add3A_882 = arith.constant 64 : i32
      %add3A_883 = vector.broadcast %add3A_882 : i32 to vector<16xi32>
      %add3A_884 = arith.addi %add3A_853, %add3A_883 : vector<16xi32>
      %gather3A_885 = tpu.vector_load_idx %arg6[%add3A_884] : memref<12800xf32, #tpu.memory_space<vmem>>[vector<16xi32>], vector<16xf32>,
      %swap3A_886 = arith.index_cast %add3A_849 : i32 to index
      %swap3A_887 = arith.constant 64 : index
      %swap3A_888 = tpu.vector_load %arg7[%swap3A_886, %swap3A_887] {strides = array<i32>} : memref<128x128xf32, #tpu.memory_space<vmem>>, vector<16xf32>,
      tpu.vector_store %arg7[%swap3A_886, %swap3A_887], %gather3A_885 {strides = array<i32>} : memref<128x128xf32, #tpu.memory_space<vmem>>, vector<16xf32>,
      %add3A_889 = arith.constant 80 : i32
      %add3A_890 = vector.broadcast %add3A_889 : i32 to vector<16xi32>
      %add3A_891 = arith.addi %add3A_853, %add3A_890 : vector<16xi32>
      %gather3A_892 = tpu.vector_load_idx %arg6[%add3A_891] : memref<12800xf32, #tpu.memory_space<vmem>>[vector<16xi32>], vector<16xf32>,
      %swap3A_893 = arith.index_cast %add3A_849 : i32 to index
      %swap3A_894 = arith.constant 80 : index
      %swap3A_895 = tpu.vector_load %arg7[%swap3A_893, %swap3A_894] {strides = array<i32>} : memref<128x128xf32, #tpu.memory_space<vmem>>, vector<16xf32>,
      tpu.vector_store %arg7[%swap3A_893, %swap3A_894], %gather3A_892 {strides = array<i32>} : memref<128x128xf32, #tpu.memory_space<vmem>>, vector<16xf32>,
      %add3A_896 = arith.constant 96 : i32
      %add3A_897 = vector.broadcast %add3A_896 : i32 to vector<16xi32>
      %add3A_898 = arith.addi %add3A_853, %add3A_897 : vector<16xi32>
      %gather3A_899 = tpu.vector_load_idx %arg6[%add3A_898] : memref<12800xf32, #tpu.memory_space<vmem>>[vector<16xi32>], vector<16xf32>,
      %swap3A_900 = arith.index_cast %add3A_849 : i32 to index
      %swap3A_901 = arith.constant 96 : index
      %swap3A_902 = tpu.vector_load %arg7[%swap3A_900, %swap3A_901] {strides = array<i32>} : memref<128x128xf32, #tpu.memory_space<vmem>>, vector<16xf32>,
      tpu.vector_store %arg7[%swap3A_900, %swap3A_901], %gather3A_899 {strides = array<i32>} : memref<128x128xf32, #tpu.memory_space<vmem>>, vector<16xf32>,
      %add3A_903 = arith.constant 112 : i32
      %add3A_904 = vector.broadcast %add3A_903 : i32 to vector<16xi32>
      %add3A_905 = arith.addi %add3A_853, %add3A_904 : vector<16xi32>
      %gather3A_906 = tpu.vector_load_idx %arg6[%add3A_905] : memref<12800xf32, #tpu.memory_space<vmem>>[vector<16xi32>], vector<16xf32>,
      %swap3A_907 = arith.index_cast %add3A_849 : i32 to index
      %swap3A_908 = arith.constant 112 : index
      %swap3A_909 = tpu.vector_load %arg7[%swap3A_907, %swap3A_908] {strides = array<i32>} : memref<128x128xf32, #tpu.memory_space<vmem>>, vector<16xf32>,
      tpu.vector_store %arg7[%swap3A_907, %swap3A_908], %gather3A_906 {strides = array<i32>} : memref<128x128xf32, #tpu.memory_space<vmem>>, vector<16xf32>,
      %mul3A_910 = arith.constant 16 : i32
      %mul3A_911 = arith.muli %scan3A_18, %mul3A_910 : i32
      %add3A_912 = arith.constant 6 : i32
      %add3A_913 = arith.addi %mul3A_911, %add3A_912 : i32
      %slice3A_914 = vector.extract_strided_slice %mul3A_528 {offsets = [6], sizes = [1], strides = [1]} : vector<16xi32> to vector<1xi32>
      %squeeze3A_915 = vector.extract %slice3A_914[0] : i32 from vector<1xi32>
      %broadcast_in_dim3A_916 = vector.broadcast %squeeze3A_915 : i32 to vector<16xi32>
      %add3A_917 = arith.addi %iota3A, %broadcast_in_dim3A_916 : vector<16xi32>
      %add3A_918 = arith.constant 0 : i32
      %add3A_919 = vector.broadcast %add3A_918 : i32 to vector<16xi32>
      %add3A_920 = arith.addi %add3A_917, %add3A_919 : vector<16xi32>
      %gather3A_921 = tpu.vector_load_idx %arg6[%add3A_920] : memref<12800xf32, #tpu.memory_space<vmem>>[vector<16xi32>], vector<16xf32>,
      %swap3A_922 = arith.index_cast %add3A_913 : i32 to index
      %swap3A_923 = arith.constant 0 : index
      %swap3A_924 = tpu.vector_load %arg7[%swap3A_922, %swap3A_923] {strides = array<i32>} : memref<128x128xf32, #tpu.memory_space<vmem>>, vector<16xf32>,
      tpu.vector_store %arg7[%swap3A_922, %swap3A_923], %gather3A_921 {strides = array<i32>} : memref<128x128xf32, #tpu.memory_space<vmem>>, vector<16xf32>,
      %add3A_925 = arith.constant 16 : i32
      %add3A_926 = vector.broadcast %add3A_925 : i32 to vector<16xi32>
      %add3A_927 = arith.addi %add3A_917, %add3A_926 : vector<16xi32>
      %gather3A_928 = tpu.vector_load_idx %arg6[%add3A_927] : memref<12800xf32, #tpu.memory_space<vmem>>[vector<16xi32>], vector<16xf32>,
      %swap3A_929 = arith.index_cast %add3A_913 : i32 to index
      %swap3A_930 = arith.constant 16 : index
      %swap3A_931 = tpu.vector_load %arg7[%swap3A_929, %swap3A_930] {strides = array<i32>} : memref<128x128xf32, #tpu.memory_space<vmem>>, vector<16xf32>,
      tpu.vector_store %arg7[%swap3A_929, %swap3A_930], %gather3A_928 {strides = array<i32>} : memref<128x128xf32, #tpu.memory_space<vmem>>, vector<16xf32>,
      %add3A_932 = arith.constant 32 : i32
      %add3A_933 = vector.broadcast %add3A_932 : i32 to vector<16xi32>
      %add3A_934 = arith.addi %add3A_917, %add3A_933 : vector<16xi32>
      %gather3A_935 = tpu.vector_load_idx %arg6[%add3A_934] : memref<12800xf32, #tpu.memory_space<vmem>>[vector<16xi32>], vector<16xf32>,
      %swap3A_936 = arith.index_cast %add3A_913 : i32 to index
      %swap3A_937 = arith.constant 32 : index
      %swap3A_938 = tpu.vector_load %arg7[%swap3A_936, %swap3A_937] {strides = array<i32>} : memref<128x128xf32, #tpu.memory_space<vmem>>, vector<16xf32>,
      tpu.vector_store %arg7[%swap3A_936, %swap3A_937], %gather3A_935 {strides = array<i32>} : memref<128x128xf32, #tpu.memory_space<vmem>>, vector<16xf32>,
      %add3A_939 = arith.constant 48 : i32
      %add3A_940 = vector.broadcast %add3A_939 : i32 to vector<16xi32>
      %add3A_941 = arith.addi %add3A_917, %add3A_940 : vector<16xi32>
      %gather3A_942 = tpu.vector_load_idx %arg6[%add3A_941] : memref<12800xf32, #tpu.memory_space<vmem>>[vector<16xi32>], vector<16xf32>,
      %swap3A_943 = arith.index_cast %add3A_913 : i32 to index
      %swap3A_944 = arith.constant 48 : index
      %swap3A_945 = tpu.vector_load %arg7[%swap3A_943, %swap3A_944] {strides = array<i32>} : memref<128x128xf32, #tpu.memory_space<vmem>>, vector<16xf32>,
      tpu.vector_store %arg7[%swap3A_943, %swap3A_944], %gather3A_942 {strides = array<i32>} : memref<128x128xf32, #tpu.memory_space<vmem>>, vector<16xf32>,
      %add3A_946 = arith.constant 64 : i32
      %add3A_947 = vector.broadcast %add3A_946 : i32 to vector<16xi32>
      %add3A_948 = arith.addi %add3A_917, %add3A_947 : vector<16xi32>
      %gather3A_949 = tpu.vector_load_idx %arg6[%add3A_948] : memref<12800xf32, #tpu.memory_space<vmem>>[vector<16xi32>], vector<16xf32>,
      %swap3A_950 = arith.index_cast %add3A_913 : i32 to index
      %swap3A_951 = arith.constant 64 : index
      %swap3A_952 = tpu.vector_load %arg7[%swap3A_950, %swap3A_951] {strides = array<i32>} : memref<128x128xf32, #tpu.memory_space<vmem>>, vector<16xf32>,
      tpu.vector_store %arg7[%swap3A_950, %swap3A_951], %gather3A_949 {strides = array<i32>} : memref<128x128xf32, #tpu.memory_space<vmem>>, vector<16xf32>,
      %add3A_953 = arith.constant 80 : i32
      %add3A_954 = vector.broadcast %add3A_953 : i32 to vector<16xi32>
      %add3A_955 = arith.addi %add3A_917, %add3A_954 : vector<16xi32>
      %gather3A_956 = tpu.vector_load_idx %arg6[%add3A_955] : memref<12800xf32, #tpu.memory_space<vmem>>[vector<16xi32>], vector<16xf32>,
      %swap3A_957 = arith.index_cast %add3A_913 : i32 to index
      %swap3A_958 = arith.constant 80 : index
      %swap3A_959 = tpu.vector_load %arg7[%swap3A_957, %swap3A_958] {strides = array<i32>} : memref<128x128xf32, #tpu.memory_space<vmem>>, vector<16xf32>,
      tpu.vector_store %arg7[%swap3A_957, %swap3A_958], %gather3A_956 {strides = array<i32>} : memref<128x128xf32, #tpu.memory_space<vmem>>, vector<16xf32>,
      %add3A_960 = arith.constant 96 : i32
      %add3A_961 = vector.broadcast %add3A_960 : i32 to vector<16xi32>
      %add3A_962 = arith.addi %add3A_917, %add3A_961 : vector<16xi32>
      %gather3A_963 = tpu.vector_load_idx %arg6[%add3A_962] : memref<12800xf32, #tpu.memory_space<vmem>>[vector<16xi32>], vector<16xf32>,
      %swap3A_964 = arith.index_cast %add3A_913 : i32 to index
      %swap3A_965 = arith.constant 96 : index
      %swap3A_966 = tpu.vector_load %arg7[%swap3A_964, %swap3A_965] {strides = array<i32>} : memref<128x128xf32, #tpu.memory_space<vmem>>, vector<16xf32>,
      tpu.vector_store %arg7[%swap3A_964, %swap3A_965], %gather3A_963 {strides = array<i32>} : memref<128x128xf32, #tpu.memory_space<vmem>>, vector<16xf32>,
      %add3A_967 = arith.constant 112 : i32
      %add3A_968 = vector.broadcast %add3A_967 : i32 to vector<16xi32>
      %add3A_969 = arith.addi %add3A_917, %add3A_968 : vector<16xi32>
      %gather3A_970 = tpu.vector_load_idx %arg6[%add3A_969] : memref<12800xf32, #tpu.memory_space<vmem>>[vector<16xi32>], vector<16xf32>,
      %swap3A_971 = arith.index_cast %add3A_913 : i32 to index
      %swap3A_972 = arith.constant 112 : index
      %swap3A_973 = tpu.vector_load %arg7[%swap3A_971, %swap3A_972] {strides = array<i32>} : memref<128x128xf32, #tpu.memory_space<vmem>>, vector<16xf32>,
      tpu.vector_store %arg7[%swap3A_971, %swap3A_972], %gather3A_970 {strides = array<i32>} : memref<128x128xf32, #tpu.memory_space<vmem>>, vector<16xf32>,
      %mul3A_974 = arith.constant 16 : i32
      %mul3A_975 = arith.muli %scan3A_18, %mul3A_974 : i32
      %add3A_976 = arith.constant 7 : i32
      %add3A_977 = arith.addi %mul3A_975, %add3A_976 : i32
      %slice3A_978 = vector.extract_strided_slice %mul3A_528 {offsets = [7], sizes = [1], strides = [1]} : vector<16xi32> to vector<1xi32>
      %squeeze3A_979 = vector.extract %slice3A_978[0] : i32 from vector<1xi32>
      %broadcast_in_dim3A_980 = vector.broadcast %squeeze3A_979 : i32 to vector<16xi32>
      %add3A_981 = arith.addi %iota3A, %broadcast_in_dim3A_980 : vector<16xi32>
      %add3A_982 = arith.constant 0 : i32
      %add3A_983 = vector.broadcast %add3A_982 : i32 to vector<16xi32>
      %add3A_984 = arith.addi %add3A_981, %add3A_983 : vector<16xi32>
      %gather3A_985 = tpu.vector_load_idx %arg6[%add3A_984] : memref<12800xf32, #tpu.memory_space<vmem>>[vector<16xi32>], vector<16xf32>,
      %swap3A_986 = arith.index_cast %add3A_977 : i32 to index
      %swap3A_987 = arith.constant 0 : index
      %swap3A_988 = tpu.vector_load %arg7[%swap3A_986, %swap3A_987] {strides = array<i32>} : memref<128x128xf32, #tpu.memory_space<vmem>>, vector<16xf32>,
      tpu.vector_store %arg7[%swap3A_986, %swap3A_987], %gather3A_985 {strides = array<i32>} : memref<128x128xf32, #tpu.memory_space<vmem>>, vector<16xf32>,
      %add3A_989 = arith.constant 16 : i32
      %add3A_990 = vector.broadcast %add3A_989 : i32 to vector<16xi32>
      %add3A_991 = arith.addi %add3A_981, %add3A_990 : vector<16xi32>
      %gather3A_992 = tpu.vector_load_idx %arg6[%add3A_991] : memref<12800xf32, #tpu.memory_space<vmem>>[vector<16xi32>], vector<16xf32>,
      %swap3A_993 = arith.index_cast %add3A_977 : i32 to index
      %swap3A_994 = arith.constant 16 : index
      %swap3A_995 = tpu.vector_load %arg7[%swap3A_993, %swap3A_994] {strides = array<i32>} : memref<128x128xf32, #tpu.memory_space<vmem>>, vector<16xf32>,
      tpu.vector_store %arg7[%swap3A_993, %swap3A_994], %gather3A_992 {strides = array<i32>} : memref<128x128xf32, #tpu.memory_space<vmem>>, vector<16xf32>,
      %add3A_996 = arith.constant 32 : i32
      %add3A_997 = vector.broadcast %add3A_996 : i32 to vector<16xi32>
      %add3A_998 = arith.addi %add3A_981, %add3A_997 : vector<16xi32>
      %gather3A_999 = tpu.vector_load_idx %arg6[%add3A_998] : memref<12800xf32, #tpu.memory_space<vmem>>[vector<16xi32>], vector<16xf32>,
      %swap3A_1000 = arith.index_cast %add3A_977 : i32 to index
      %swap3A_1001 = arith.constant 32 : index
      %swap3A_1002 = tpu.vector_load %arg7[%swap3A_1000, %swap3A_1001] {strides = array<i32>} : memref<128x128xf32, #tpu.memory_space<vmem>>, vector<16xf32>,
      tpu.vector_store %arg7[%swap3A_1000, %swap3A_1001], %gather3A_999 {strides = array<i32>} : memref<128x128xf32, #tpu.memory_space<vmem>>, vector<16xf32>,
      %add3A_1003 = arith.constant 48 : i32
      %add3A_1004 = vector.broadcast %add3A_1003 : i32 to vector<16xi32>
      %add3A_1005 = arith.addi %add3A_981, %add3A_1004 : vector<16xi32>
      %gather3A_1006 = tpu.vector_load_idx %arg6[%add3A_1005] : memref<12800xf32, #tpu.memory_space<vmem>>[vector<16xi32>], vector<16xf32>,
      %swap3A_1007 = arith.index_cast %add3A_977 : i32 to index
      %swap3A_1008 = arith.constant 48 : index
      %swap3A_1009 = tpu.vector_load %arg7[%swap3A_1007, %swap3A_1008] {strides = array<i32>} : memref<128x128xf32, #tpu.memory_space<vmem>>, vector<16xf32>,
      tpu.vector_store %arg7[%swap3A_1007, %swap3A_1008], %gather3A_1006 {strides = array<i32>} : memref<128x128xf32, #tpu.memory_space<vmem>>, vector<16xf32>,
      %add3A_1010 = arith.constant 64 : i32
      %add3A_1011 = vector.broadcast %add3A_1010 : i32 to vector<16xi32>
      %add3A_1012 = arith.addi %add3A_981, %add3A_1011 : vector<16xi32>
      %gather3A_1013 = tpu.vector_load_idx %arg6[%add3A_1012] : memref<12800xf32, #tpu.memory_space<vmem>>[vector<16xi32>], vector<16xf32>,
      %swap3A_1014 = arith.index_cast %add3A_977 : i32 to index
      %swap3A_1015 = arith.constant 64 : index
      %swap3A_1016 = tpu.vector_load %arg7[%swap3A_1014, %swap3A_1015] {strides = array<i32>} : memref<128x128xf32, #tpu.memory_space<vmem>>, vector<16xf32>,
      tpu.vector_store %arg7[%swap3A_1014, %swap3A_1015], %gather3A_1013 {strides = array<i32>} : memref<128x128xf32, #tpu.memory_space<vmem>>, vector<16xf32>,
      %add3A_1017 = arith.constant 80 : i32
      %add3A_1018 = vector.broadcast %add3A_1017 : i32 to vector<16xi32>
      %add3A_1019 = arith.addi %add3A_981, %add3A_1018 : vector<16xi32>
      %gather3A_1020 = tpu.vector_load_idx %arg6[%add3A_1019] : memref<12800xf32, #tpu.memory_space<vmem>>[vector<16xi32>], vector<16xf32>,
      %swap3A_1021 = arith.index_cast %add3A_977 : i32 to index
      %swap3A_1022 = arith.constant 80 : index
      %swap3A_1023 = tpu.vector_load %arg7[%swap3A_1021, %swap3A_1022] {strides = array<i32>} : memref<128x128xf32, #tpu.memory_space<vmem>>, vector<16xf32>,
      tpu.vector_store %arg7[%swap3A_1021, %swap3A_1022], %gather3A_1020 {strides = array<i32>} : memref<128x128xf32, #tpu.memory_space<vmem>>, vector<16xf32>,
      %add3A_1024 = arith.constant 96 : i32
      %add3A_1025 = vector.broadcast %add3A_1024 : i32 to vector<16xi32>
      %add3A_1026 = arith.addi %add3A_981, %add3A_1025 : vector<16xi32>
      %gather3A_1027 = tpu.vector_load_idx %arg6[%add3A_1026] : memref<12800xf32, #tpu.memory_space<vmem>>[vector<16xi32>], vector<16xf32>,
      %swap3A_1028 = arith.index_cast %add3A_977 : i32 to index
      %swap3A_1029 = arith.constant 96 : index
      %swap3A_1030 = tpu.vector_load %arg7[%swap3A_1028, %swap3A_1029] {strides = array<i32>} : memref<128x128xf32, #tpu.memory_space<vmem>>, vector<16xf32>,
      tpu.vector_store %arg7[%swap3A_1028, %swap3A_1029], %gather3A_1027 {strides = array<i32>} : memref<128x128xf32, #tpu.memory_space<vmem>>, vector<16xf32>,
      %add3A_1031 = arith.constant 112 : i32
      %add3A_1032 = vector.broadcast %add3A_1031 : i32 to vector<16xi32>
      %add3A_1033 = arith.addi %add3A_981, %add3A_1032 : vector<16xi32>
      %gather3A_1034 = tpu.vector_load_idx %arg6[%add3A_1033] : memref<12800xf32, #tpu.memory_space<vmem>>[vector<16xi32>], vector<16xf32>,
      %swap3A_1035 = arith.index_cast %add3A_977 : i32 to index
      %swap3A_1036 = arith.constant 112 : index
      %swap3A_1037 = tpu.vector_load %arg7[%swap3A_1035, %swap3A_1036] {strides = array<i32>} : memref<128x128xf32, #tpu.memory_space<vmem>>, vector<16xf32>,
      tpu.vector_store %arg7[%swap3A_1035, %swap3A_1036], %gather3A_1034 {strides = array<i32>} : memref<128x128xf32, #tpu.memory_space<vmem>>, vector<16xf32>,
      %mul3A_1038 = arith.constant 16 : i32
      %mul3A_1039 = arith.muli %scan3A_18, %mul3A_1038 : i32
      %add3A_1040 = arith.constant 8 : i32
      %add3A_1041 = arith.addi %mul3A_1039, %add3A_1040 : i32
      %slice3A_1042 = vector.extract_strided_slice %mul3A_528 {offsets = [8], sizes = [1], strides = [1]} : vector<16xi32> to vector<1xi32>
      %squeeze3A_1043 = vector.extract %slice3A_1042[0] : i32 from vector<1xi32>
      %broadcast_in_dim3A_1044 = vector.broadcast %squeeze3A_1043 : i32 to vector<16xi32>
      %add3A_1045 = arith.addi %iota3A, %broadcast_in_dim3A_1044 : vector<16xi32>
      %add3A_1046 = arith.constant 0 : i32
      %add3A_1047 = vector.broadcast %add3A_1046 : i32 to vector<16xi32>
      %add3A_1048 = arith.addi %add3A_1045, %add3A_1047 : vector<16xi32>
      %gather3A_1049 = tpu.vector_load_idx %arg6[%add3A_1048] : memref<12800xf32, #tpu.memory_space<vmem>>[vector<16xi32>], vector<16xf32>,
      %swap3A_1050 = arith.index_cast %add3A_1041 : i32 to index
      %swap3A_1051 = arith.constant 0 : index
      %swap3A_1052 = tpu.vector_load %arg7[%swap3A_1050, %swap3A_1051] {strides = array<i32>} : memref<128x128xf32, #tpu.memory_space<vmem>>, vector<16xf32>,
      tpu.vector_store %arg7[%swap3A_1050, %swap3A_1051], %gather3A_1049 {strides = array<i32>} : memref<128x128xf32, #tpu.memory_space<vmem>>, vector<16xf32>,
      %add3A_1053 = arith.constant 16 : i32
      %add3A_1054 = vector.broadcast %add3A_1053 : i32 to vector<16xi32>
      %add3A_1055 = arith.addi %add3A_1045, %add3A_1054 : vector<16xi32>
      %gather3A_1056 = tpu.vector_load_idx %arg6[%add3A_1055] : memref<12800xf32, #tpu.memory_space<vmem>>[vector<16xi32>], vector<16xf32>,
      %swap3A_1057 = arith.index_cast %add3A_1041 : i32 to index
      %swap3A_1058 = arith.constant 16 : index
      %swap3A_1059 = tpu.vector_load %arg7[%swap3A_1057, %swap3A_1058] {strides = array<i32>} : memref<128x128xf32, #tpu.memory_space<vmem>>, vector<16xf32>,
      tpu.vector_store %arg7[%swap3A_1057, %swap3A_1058], %gather3A_1056 {strides = array<i32>} : memref<128x128xf32, #tpu.memory_space<vmem>>, vector<16xf32>,
      %add3A_1060 = arith.constant 32 : i32
      %add3A_1061 = vector.broadcast %add3A_1060 : i32 to vector<16xi32>
      %add3A_1062 = arith.addi %add3A_1045, %add3A_1061 : vector<16xi32>
      %gather3A_1063 = tpu.vector_load_idx %arg6[%add3A_1062] : memref<12800xf32, #tpu.memory_space<vmem>>[vector<16xi32>], vector<16xf32>,
      %swap3A_1064 = arith.index_cast %add3A_1041 : i32 to index
      %swap3A_1065 = arith.constant 32 : index
      %swap3A_1066 = tpu.vector_load %arg7[%swap3A_1064, %swap3A_1065] {strides = array<i32>} : memref<128x128xf32, #tpu.memory_space<vmem>>, vector<16xf32>,
      tpu.vector_store %arg7[%swap3A_1064, %swap3A_1065], %gather3A_1063 {strides = array<i32>} : memref<128x128xf32, #tpu.memory_space<vmem>>, vector<16xf32>,
      %add3A_1067 = arith.constant 48 : i32
      %add3A_1068 = vector.broadcast %add3A_1067 : i32 to vector<16xi32>
      %add3A_1069 = arith.addi %add3A_1045, %add3A_1068 : vector<16xi32>
      %gather3A_1070 = tpu.vector_load_idx %arg6[%add3A_1069] : memref<12800xf32, #tpu.memory_space<vmem>>[vector<16xi32>], vector<16xf32>,
      %swap3A_1071 = arith.index_cast %add3A_1041 : i32 to index
      %swap3A_1072 = arith.constant 48 : index
      %swap3A_1073 = tpu.vector_load %arg7[%swap3A_1071, %swap3A_1072] {strides = array<i32>} : memref<128x128xf32, #tpu.memory_space<vmem>>, vector<16xf32>,
      tpu.vector_store %arg7[%swap3A_1071, %swap3A_1072], %gather3A_1070 {strides = array<i32>} : memref<128x128xf32, #tpu.memory_space<vmem>>, vector<16xf32>,
      %add3A_1074 = arith.constant 64 : i32
      %add3A_1075 = vector.broadcast %add3A_1074 : i32 to vector<16xi32>
      %add3A_1076 = arith.addi %add3A_1045, %add3A_1075 : vector<16xi32>
      %gather3A_1077 = tpu.vector_load_idx %arg6[%add3A_1076] : memref<12800xf32, #tpu.memory_space<vmem>>[vector<16xi32>], vector<16xf32>,
      %swap3A_1078 = arith.index_cast %add3A_1041 : i32 to index
      %swap3A_1079 = arith.constant 64 : index
      %swap3A_1080 = tpu.vector_load %arg7[%swap3A_1078, %swap3A_1079] {strides = array<i32>} : memref<128x128xf32, #tpu.memory_space<vmem>>, vector<16xf32>,
      tpu.vector_store %arg7[%swap3A_1078, %swap3A_1079], %gather3A_1077 {strides = array<i32>} : memref<128x128xf32, #tpu.memory_space<vmem>>, vector<16xf32>,
      %add3A_1081 = arith.constant 80 : i32
      %add3A_1082 = vector.broadcast %add3A_1081 : i32 to vector<16xi32>
      %add3A_1083 = arith.addi %add3A_1045, %add3A_1082 : vector<16xi32>
      %gather3A_1084 = tpu.vector_load_idx %arg6[%add3A_1083] : memref<12800xf32, #tpu.memory_space<vmem>>[vector<16xi32>], vector<16xf32>,
      %swap3A_1085 = arith.index_cast %add3A_1041 : i32 to index
      %swap3A_1086 = arith.constant 80 : index
      %swap3A_1087 = tpu.vector_load %arg7[%swap3A_1085, %swap3A_1086] {strides = array<i32>} : memref<128x128xf32, #tpu.memory_space<vmem>>, vector<16xf32>,
      tpu.vector_store %arg7[%swap3A_1085, %swap3A_1086], %gather3A_1084 {strides = array<i32>} : memref<128x128xf32, #tpu.memory_space<vmem>>, vector<16xf32>,
      %add3A_1088 = arith.constant 96 : i32
      %add3A_1089 = vector.broadcast %add3A_1088 : i32 to vector<16xi32>
      %add3A_1090 = arith.addi %add3A_1045, %add3A_1089 : vector<16xi32>
      %gather3A_1091 = tpu.vector_load_idx %arg6[%add3A_1090] : memref<12800xf32, #tpu.memory_space<vmem>>[vector<16xi32>], vector<16xf32>,
      %swap3A_1092 = arith.index_cast %add3A_1041 : i32 to index
      %swap3A_1093 = arith.constant 96 : index
      %swap3A_1094 = tpu.vector_load %arg7[%swap3A_1092, %swap3A_1093] {strides = array<i32>} : memref<128x128xf32, #tpu.memory_space<vmem>>, vector<16xf32>,
      tpu.vector_store %arg7[%swap3A_1092, %swap3A_1093], %gather3A_1091 {strides = array<i32>} : memref<128x128xf32, #tpu.memory_space<vmem>>, vector<16xf32>,
      %add3A_1095 = arith.constant 112 : i32
      %add3A_1096 = vector.broadcast %add3A_1095 : i32 to vector<16xi32>
      %add3A_1097 = arith.addi %add3A_1045, %add3A_1096 : vector<16xi32>
      %gather3A_1098 = tpu.vector_load_idx %arg6[%add3A_1097] : memref<12800xf32, #tpu.memory_space<vmem>>[vector<16xi32>], vector<16xf32>,
      %swap3A_1099 = arith.index_cast %add3A_1041 : i32 to index
      %swap3A_1100 = arith.constant 112 : index
      %swap3A_1101 = tpu.vector_load %arg7[%swap3A_1099, %swap3A_1100] {strides = array<i32>} : memref<128x128xf32, #tpu.memory_space<vmem>>, vector<16xf32>,
      tpu.vector_store %arg7[%swap3A_1099, %swap3A_1100], %gather3A_1098 {strides = array<i32>} : memref<128x128xf32, #tpu.memory_space<vmem>>, vector<16xf32>,
      %mul3A_1102 = arith.constant 16 : i32
      %mul3A_1103 = arith.muli %scan3A_18, %mul3A_1102 : i32
      %add3A_1104 = arith.constant 9 : i32
      %add3A_1105 = arith.addi %mul3A_1103, %add3A_1104 : i32
      %slice3A_1106 = vector.extract_strided_slice %mul3A_528 {offsets = [9], sizes = [1], strides = [1]} : vector<16xi32> to vector<1xi32>
      %squeeze3A_1107 = vector.extract %slice3A_1106[0] : i32 from vector<1xi32>
      %broadcast_in_dim3A_1108 = vector.broadcast %squeeze3A_1107 : i32 to vector<16xi32>
      %add3A_1109 = arith.addi %iota3A, %broadcast_in_dim3A_1108 : vector<16xi32>
      %add3A_1110 = arith.constant 0 : i32
      %add3A_1111 = vector.broadcast %add3A_1110 : i32 to vector<16xi32>
      %add3A_1112 = arith.addi %add3A_1109, %add3A_1111 : vector<16xi32>
      %gather3A_1113 = tpu.vector_load_idx %arg6[%add3A_1112] : memref<12800xf32, #tpu.memory_space<vmem>>[vector<16xi32>], vector<16xf32>,
      %swap3A_1114 = arith.index_cast %add3A_1105 : i32 to index
      %swap3A_1115 = arith.constant 0 : index
      %swap3A_1116 = tpu.vector_load %arg7[%swap3A_1114, %swap3A_1115] {strides = array<i32>} : memref<128x128xf32, #tpu.memory_space<vmem>>, vector<16xf32>,
      tpu.vector_store %arg7[%swap3A_1114, %swap3A_1115], %gather3A_1113 {strides = array<i32>} : memref<128x128xf32, #tpu.memory_space<vmem>>, vector<16xf32>,
      %add3A_1117 = arith.constant 16 : i32
      %add3A_1118 = vector.broadcast %add3A_1117 : i32 to vector<16xi32>
      %add3A_1119 = arith.addi %add3A_1109, %add3A_1118 : vector<16xi32>
      %gather3A_1120 = tpu.vector_load_idx %arg6[%add3A_1119] : memref<12800xf32, #tpu.memory_space<vmem>>[vector<16xi32>], vector<16xf32>,
      %swap3A_1121 = arith.index_cast %add3A_1105 : i32 to index
      %swap3A_1122 = arith.constant 16 : index
      %swap3A_1123 = tpu.vector_load %arg7[%swap3A_1121, %swap3A_1122] {strides = array<i32>} : memref<128x128xf32, #tpu.memory_space<vmem>>, vector<16xf32>,
      tpu.vector_store %arg7[%swap3A_1121, %swap3A_1122], %gather3A_1120 {strides = array<i32>} : memref<128x128xf32, #tpu.memory_space<vmem>>, vector<16xf32>,
      %add3A_1124 = arith.constant 32 : i32
      %add3A_1125 = vector.broadcast %add3A_1124 : i32 to vector<16xi32>
      %add3A_1126 = arith.addi %add3A_1109, %add3A_1125 : vector<16xi32>
      %gather3A_1127 = tpu.vector_load_idx %arg6[%add3A_1126] : memref<12800xf32, #tpu.memory_space<vmem>>[vector<16xi32>], vector<16xf32>,
      %swap3A_1128 = arith.index_cast %add3A_1105 : i32 to index
      %swap3A_1129 = arith.constant 32 : index
      %swap3A_1130 = tpu.vector_load %arg7[%swap3A_1128, %swap3A_1129] {strides = array<i32>} : memref<128x128xf32, #tpu.memory_space<vmem>>, vector<16xf32>,
      tpu.vector_store %arg7[%swap3A_1128, %swap3A_1129], %gather3A_1127 {strides = array<i32>} : memref<128x128xf32, #tpu.memory_space<vmem>>, vector<16xf32>,
      %add3A_1131 = arith.constant 48 : i32
      %add3A_1132 = vector.broadcast %add3A_1131 : i32 to vector<16xi32>
      %add3A_1133 = arith.addi %add3A_1109, %add3A_1132 : vector<16xi32>
      %gather3A_1134 = tpu.vector_load_idx %arg6[%add3A_1133] : memref<12800xf32, #tpu.memory_space<vmem>>[vector<16xi32>], vector<16xf32>,
      %swap3A_1135 = arith.index_cast %add3A_1105 : i32 to index
      %swap3A_1136 = arith.constant 48 : index
      %swap3A_1137 = tpu.vector_load %arg7[%swap3A_1135, %swap3A_1136] {strides = array<i32>} : memref<128x128xf32, #tpu.memory_space<vmem>>, vector<16xf32>,
      tpu.vector_store %arg7[%swap3A_1135, %swap3A_1136], %gather3A_1134 {strides = array<i32>} : memref<128x128xf32, #tpu.memory_space<vmem>>, vector<16xf32>,
      %add3A_1138 = arith.constant 64 : i32
      %add3A_1139 = vector.broadcast %add3A_1138 : i32 to vector<16xi32>
      %add3A_1140 = arith.addi %add3A_1109, %add3A_1139 : vector<16xi32>
      %gather3A_1141 = tpu.vector_load_idx %arg6[%add3A_1140] : memref<12800xf32, #tpu.memory_space<vmem>>[vector<16xi32>], vector<16xf32>,
      %swap3A_1142 = arith.index_cast %add3A_1105 : i32 to index
      %swap3A_1143 = arith.constant 64 : index
      %swap3A_1144 = tpu.vector_load %arg7[%swap3A_1142, %swap3A_1143] {strides = array<i32>} : memref<128x128xf32, #tpu.memory_space<vmem>>, vector<16xf32>,
      tpu.vector_store %arg7[%swap3A_1142, %swap3A_1143], %gather3A_1141 {strides = array<i32>} : memref<128x128xf32, #tpu.memory_space<vmem>>, vector<16xf32>,
      %add3A_1145 = arith.constant 80 : i32
      %add3A_1146 = vector.broadcast %add3A_1145 : i32 to vector<16xi32>
      %add3A_1147 = arith.addi %add3A_1109, %add3A_1146 : vector<16xi32>
      %gather3A_1148 = tpu.vector_load_idx %arg6[%add3A_1147] : memref<12800xf32, #tpu.memory_space<vmem>>[vector<16xi32>], vector<16xf32>,
      %swap3A_1149 = arith.index_cast %add3A_1105 : i32 to index
      %swap3A_1150 = arith.constant 80 : index
      %swap3A_1151 = tpu.vector_load %arg7[%swap3A_1149, %swap3A_1150] {strides = array<i32>} : memref<128x128xf32, #tpu.memory_space<vmem>>, vector<16xf32>,
      tpu.vector_store %arg7[%swap3A_1149, %swap3A_1150], %gather3A_1148 {strides = array<i32>} : memref<128x128xf32, #tpu.memory_space<vmem>>, vector<16xf32>,
      %add3A_1152 = arith.constant 96 : i32
      %add3A_1153 = vector.broadcast %add3A_1152 : i32 to vector<16xi32>
      %add3A_1154 = arith.addi %add3A_1109, %add3A_1153 : vector<16xi32>
      %gather3A_1155 = tpu.vector_load_idx %arg6[%add3A_1154] : memref<12800xf32, #tpu.memory_space<vmem>>[vector<16xi32>], vector<16xf32>,
      %swap3A_1156 = arith.index_cast %add3A_1105 : i32 to index
      %swap3A_1157 = arith.constant 96 : index
      %swap3A_1158 = tpu.vector_load %arg7[%swap3A_1156, %swap3A_1157] {strides = array<i32>} : memref<128x128xf32, #tpu.memory_space<vmem>>, vector<16xf32>,
      tpu.vector_store %arg7[%swap3A_1156, %swap3A_1157], %gather3A_1155 {strides = array<i32>} : memref<128x128xf32, #tpu.memory_space<vmem>>, vector<16xf32>,
      %add3A_1159 = arith.constant 112 : i32
      %add3A_1160 = vector.broadcast %add3A_1159 : i32 to vector<16xi32>
      %add3A_1161 = arith.addi %add3A_1109, %add3A_1160 : vector<16xi32>
      %gather3A_1162 = tpu.vector_load_idx %arg6[%add3A_1161] : memref<12800xf32, #tpu.memory_space<vmem>>[vector<16xi32>], vector<16xf32>,
      %swap3A_1163 = arith.index_cast %add3A_1105 : i32 to index
      %swap3A_1164 = arith.constant 112 : index
      %swap3A_1165 = tpu.vector_load %arg7[%swap3A_1163, %swap3A_1164] {strides = array<i32>} : memref<128x128xf32, #tpu.memory_space<vmem>>, vector<16xf32>,
      tpu.vector_store %arg7[%swap3A_1163, %swap3A_1164], %gather3A_1162 {strides = array<i32>} : memref<128x128xf32, #tpu.memory_space<vmem>>, vector<16xf32>,
      %mul3A_1166 = arith.constant 16 : i32
      %mul3A_1167 = arith.muli %scan3A_18, %mul3A_1166 : i32
      %add3A_1168 = arith.constant 10 : i32
      %add3A_1169 = arith.addi %mul3A_1167, %add3A_1168 : i32
      %slice3A_1170 = vector.extract_strided_slice %mul3A_528 {offsets = [10], sizes = [1], strides = [1]} : vector<16xi32> to vector<1xi32>
      %squeeze3A_1171 = vector.extract %slice3A_1170[0] : i32 from vector<1xi32>
      %broadcast_in_dim3A_1172 = vector.broadcast %squeeze3A_1171 : i32 to vector<16xi32>
      %add3A_1173 = arith.addi %iota3A, %broadcast_in_dim3A_1172 : vector<16xi32>
      %add3A_1174 = arith.constant 0 : i32
      %add3A_1175 = vector.broadcast %add3A_1174 : i32 to vector<16xi32>
      %add3A_1176 = arith.addi %add3A_1173, %add3A_1175 : vector<16xi32>
      %gather3A_1177 = tpu.vector_load_idx %arg6[%add3A_1176] : memref<12800xf32, #tpu.memory_space<vmem>>[vector<16xi32>], vector<16xf32>,
      %swap3A_1178 = arith.index_cast %add3A_1169 : i32 to index
      %swap3A_1179 = arith.constant 0 : index
      %swap3A_1180 = tpu.vector_load %arg7[%swap3A_1178, %swap3A_1179] {strides = array<i32>} : memref<128x128xf32, #tpu.memory_space<vmem>>, vector<16xf32>,
      tpu.vector_store %arg7[%swap3A_1178, %swap3A_1179], %gather3A_1177 {strides = array<i32>} : memref<128x128xf32, #tpu.memory_space<vmem>>, vector<16xf32>,
      %add3A_1181 = arith.constant 16 : i32
      %add3A_1182 = vector.broadcast %add3A_1181 : i32 to vector<16xi32>
      %add3A_1183 = arith.addi %add3A_1173, %add3A_1182 : vector<16xi32>
      %gather3A_1184 = tpu.vector_load_idx %arg6[%add3A_1183] : memref<12800xf32, #tpu.memory_space<vmem>>[vector<16xi32>], vector<16xf32>,
      %swap3A_1185 = arith.index_cast %add3A_1169 : i32 to index
      %swap3A_1186 = arith.constant 16 : index
      %swap3A_1187 = tpu.vector_load %arg7[%swap3A_1185, %swap3A_1186] {strides = array<i32>} : memref<128x128xf32, #tpu.memory_space<vmem>>, vector<16xf32>,
      tpu.vector_store %arg7[%swap3A_1185, %swap3A_1186], %gather3A_1184 {strides = array<i32>} : memref<128x128xf32, #tpu.memory_space<vmem>>, vector<16xf32>,
      %add3A_1188 = arith.constant 32 : i32
      %add3A_1189 = vector.broadcast %add3A_1188 : i32 to vector<16xi32>
      %add3A_1190 = arith.addi %add3A_1173, %add3A_1189 : vector<16xi32>
      %gather3A_1191 = tpu.vector_load_idx %arg6[%add3A_1190] : memref<12800xf32, #tpu.memory_space<vmem>>[vector<16xi32>], vector<16xf32>,
      %swap3A_1192 = arith.index_cast %add3A_1169 : i32 to index
      %swap3A_1193 = arith.constant 32 : index
      %swap3A_1194 = tpu.vector_load %arg7[%swap3A_1192, %swap3A_1193] {strides = array<i32>} : memref<128x128xf32, #tpu.memory_space<vmem>>, vector<16xf32>,
      tpu.vector_store %arg7[%swap3A_1192, %swap3A_1193], %gather3A_1191 {strides = array<i32>} : memref<128x128xf32, #tpu.memory_space<vmem>>, vector<16xf32>,
      %add3A_1195 = arith.constant 48 : i32
      %add3A_1196 = vector.broadcast %add3A_1195 : i32 to vector<16xi32>
      %add3A_1197 = arith.addi %add3A_1173, %add3A_1196 : vector<16xi32>
      %gather3A_1198 = tpu.vector_load_idx %arg6[%add3A_1197] : memref<12800xf32, #tpu.memory_space<vmem>>[vector<16xi32>], vector<16xf32>,
      %swap3A_1199 = arith.index_cast %add3A_1169 : i32 to index
      %swap3A_1200 = arith.constant 48 : index
      %swap3A_1201 = tpu.vector_load %arg7[%swap3A_1199, %swap3A_1200] {strides = array<i32>} : memref<128x128xf32, #tpu.memory_space<vmem>>, vector<16xf32>,
      tpu.vector_store %arg7[%swap3A_1199, %swap3A_1200], %gather3A_1198 {strides = array<i32>} : memref<128x128xf32, #tpu.memory_space<vmem>>, vector<16xf32>,
      %add3A_1202 = arith.constant 64 : i32
      %add3A_1203 = vector.broadcast %add3A_1202 : i32 to vector<16xi32>
      %add3A_1204 = arith.addi %add3A_1173, %add3A_1203 : vector<16xi32>
      %gather3A_1205 = tpu.vector_load_idx %arg6[%add3A_1204] : memref<12800xf32, #tpu.memory_space<vmem>>[vector<16xi32>], vector<16xf32>,
      %swap3A_1206 = arith.index_cast %add3A_1169 : i32 to index
      %swap3A_1207 = arith.constant 64 : index
      %swap3A_1208 = tpu.vector_load %arg7[%swap3A_1206, %swap3A_1207] {strides = array<i32>} : memref<128x128xf32, #tpu.memory_space<vmem>>, vector<16xf32>,
      tpu.vector_store %arg7[%swap3A_1206, %swap3A_1207], %gather3A_1205 {strides = array<i32>} : memref<128x128xf32, #tpu.memory_space<vmem>>, vector<16xf32>,
      %add3A_1209 = arith.constant 80 : i32
      %add3A_1210 = vector.broadcast %add3A_1209 : i32 to vector<16xi32>
      %add3A_1211 = arith.addi %add3A_1173, %add3A_1210 : vector<16xi32>
      %gather3A_1212 = tpu.vector_load_idx %arg6[%add3A_1211] : memref<12800xf32, #tpu.memory_space<vmem>>[vector<16xi32>], vector<16xf32>,
      %swap3A_1213 = arith.index_cast %add3A_1169 : i32 to index
      %swap3A_1214 = arith.constant 80 : index
      %swap3A_1215 = tpu.vector_load %arg7[%swap3A_1213, %swap3A_1214] {strides = array<i32>} : memref<128x128xf32, #tpu.memory_space<vmem>>, vector<16xf32>,
      tpu.vector_store %arg7[%swap3A_1213, %swap3A_1214], %gather3A_1212 {strides = array<i32>} : memref<128x128xf32, #tpu.memory_space<vmem>>, vector<16xf32>,
      %add3A_1216 = arith.constant 96 : i32
      %add3A_1217 = vector.broadcast %add3A_1216 : i32 to vector<16xi32>
      %add3A_1218 = arith.addi %add3A_1173, %add3A_1217 : vector<16xi32>
      %gather3A_1219 = tpu.vector_load_idx %arg6[%add3A_1218] : memref<12800xf32, #tpu.memory_space<vmem>>[vector<16xi32>], vector<16xf32>,
      %swap3A_1220 = arith.index_cast %add3A_1169 : i32 to index
      %swap3A_1221 = arith.constant 96 : index
      %swap3A_1222 = tpu.vector_load %arg7[%swap3A_1220, %swap3A_1221] {strides = array<i32>} : memref<128x128xf32, #tpu.memory_space<vmem>>, vector<16xf32>,
      tpu.vector_store %arg7[%swap3A_1220, %swap3A_1221], %gather3A_1219 {strides = array<i32>} : memref<128x128xf32, #tpu.memory_space<vmem>>, vector<16xf32>,
      %add3A_1223 = arith.constant 112 : i32
      %add3A_1224 = vector.broadcast %add3A_1223 : i32 to vector<16xi32>
      %add3A_1225 = arith.addi %add3A_1173, %add3A_1224 : vector<16xi32>
      %gather3A_1226 = tpu.vector_load_idx %arg6[%add3A_1225] : memref<12800xf32, #tpu.memory_space<vmem>>[vector<16xi32>], vector<16xf32>,
      %swap3A_1227 = arith.index_cast %add3A_1169 : i32 to index
      %swap3A_1228 = arith.constant 112 : index
      %swap3A_1229 = tpu.vector_load %arg7[%swap3A_1227, %swap3A_1228] {strides = array<i32>} : memref<128x128xf32, #tpu.memory_space<vmem>>, vector<16xf32>,
      tpu.vector_store %arg7[%swap3A_1227, %swap3A_1228], %gather3A_1226 {strides = array<i32>} : memref<128x128xf32, #tpu.memory_space<vmem>>, vector<16xf32>,
      %mul3A_1230 = arith.constant 16 : i32
      %mul3A_1231 = arith.muli %scan3A_18, %mul3A_1230 : i32
      %add3A_1232 = arith.constant 11 : i32
      %add3A_1233 = arith.addi %mul3A_1231, %add3A_1232 : i32
      %slice3A_1234 = vector.extract_strided_slice %mul3A_528 {offsets = [11], sizes = [1], strides = [1]} : vector<16xi32> to vector<1xi32>
      %squeeze3A_1235 = vector.extract %slice3A_1234[0] : i32 from vector<1xi32>
      %broadcast_in_dim3A_1236 = vector.broadcast %squeeze3A_1235 : i32 to vector<16xi32>
      %add3A_1237 = arith.addi %iota3A, %broadcast_in_dim3A_1236 : vector<16xi32>
      %add3A_1238 = arith.constant 0 : i32
      %add3A_1239 = vector.broadcast %add3A_1238 : i32 to vector<16xi32>
      %add3A_1240 = arith.addi %add3A_1237, %add3A_1239 : vector<16xi32>
      %gather3A_1241 = tpu.vector_load_idx %arg6[%add3A_1240] : memref<12800xf32, #tpu.memory_space<vmem>>[vector<16xi32>], vector<16xf32>,
      %swap3A_1242 = arith.index_cast %add3A_1233 : i32 to index
      %swap3A_1243 = arith.constant 0 : index
      %swap3A_1244 = tpu.vector_load %arg7[%swap3A_1242, %swap3A_1243] {strides = array<i32>} : memref<128x128xf32, #tpu.memory_space<vmem>>, vector<16xf32>,
      tpu.vector_store %arg7[%swap3A_1242, %swap3A_1243], %gather3A_1241 {strides = array<i32>} : memref<128x128xf32, #tpu.memory_space<vmem>>, vector<16xf32>,
      %add3A_1245 = arith.constant 16 : i32
      %add3A_1246 = vector.broadcast %add3A_1245 : i32 to vector<16xi32>
      %add3A_1247 = arith.addi %add3A_1237, %add3A_1246 : vector<16xi32>
      %gather3A_1248 = tpu.vector_load_idx %arg6[%add3A_1247] : memref<12800xf32, #tpu.memory_space<vmem>>[vector<16xi32>], vector<16xf32>,
      %swap3A_1249 = arith.index_cast %add3A_1233 : i32 to index
      %swap3A_1250 = arith.constant 16 : index
      %swap3A_1251 = tpu.vector_load %arg7[%swap3A_1249, %swap3A_1250] {strides = array<i32>} : memref<128x128xf32, #tpu.memory_space<vmem>>, vector<16xf32>,
      tpu.vector_store %arg7[%swap3A_1249, %swap3A_1250], %gather3A_1248 {strides = array<i32>} : memref<128x128xf32, #tpu.memory_space<vmem>>, vector<16xf32>,
      %add3A_1252 = arith.constant 32 : i32
      %add3A_1253 = vector.broadcast %add3A_1252 : i32 to vector<16xi32>
      %add3A_1254 = arith.addi %add3A_1237, %add3A_1253 : vector<16xi32>
      %gather3A_1255 = tpu.vector_load_idx %arg6[%add3A_1254] : memref<12800xf32, #tpu.memory_space<vmem>>[vector<16xi32>], vector<16xf32>,
      %swap3A_1256 = arith.index_cast %add3A_1233 : i32 to index
      %swap3A_1257 = arith.constant 32 : index
      %swap3A_1258 = tpu.vector_load %arg7[%swap3A_1256, %swap3A_1257] {strides = array<i32>} : memref<128x128xf32, #tpu.memory_space<vmem>>, vector<16xf32>,
      tpu.vector_store %arg7[%swap3A_1256, %swap3A_1257], %gather3A_1255 {strides = array<i32>} : memref<128x128xf32, #tpu.memory_space<vmem>>, vector<16xf32>,
      %add3A_1259 = arith.constant 48 : i32
      %add3A_1260 = vector.broadcast %add3A_1259 : i32 to vector<16xi32>
      %add3A_1261 = arith.addi %add3A_1237, %add3A_1260 : vector<16xi32>
      %gather3A_1262 = tpu.vector_load_idx %arg6[%add3A_1261] : memref<12800xf32, #tpu.memory_space<vmem>>[vector<16xi32>], vector<16xf32>,
      %swap3A_1263 = arith.index_cast %add3A_1233 : i32 to index
      %swap3A_1264 = arith.constant 48 : index
      %swap3A_1265 = tpu.vector_load %arg7[%swap3A_1263, %swap3A_1264] {strides = array<i32>} : memref<128x128xf32, #tpu.memory_space<vmem>>, vector<16xf32>,
      tpu.vector_store %arg7[%swap3A_1263, %swap3A_1264], %gather3A_1262 {strides = array<i32>} : memref<128x128xf32, #tpu.memory_space<vmem>>, vector<16xf32>,
      %add3A_1266 = arith.constant 64 : i32
      %add3A_1267 = vector.broadcast %add3A_1266 : i32 to vector<16xi32>
      %add3A_1268 = arith.addi %add3A_1237, %add3A_1267 : vector<16xi32>
      %gather3A_1269 = tpu.vector_load_idx %arg6[%add3A_1268] : memref<12800xf32, #tpu.memory_space<vmem>>[vector<16xi32>], vector<16xf32>,
      %swap3A_1270 = arith.index_cast %add3A_1233 : i32 to index
      %swap3A_1271 = arith.constant 64 : index
      %swap3A_1272 = tpu.vector_load %arg7[%swap3A_1270, %swap3A_1271] {strides = array<i32>} : memref<128x128xf32, #tpu.memory_space<vmem>>, vector<16xf32>,
      tpu.vector_store %arg7[%swap3A_1270, %swap3A_1271], %gather3A_1269 {strides = array<i32>} : memref<128x128xf32, #tpu.memory_space<vmem>>, vector<16xf32>,
      %add3A_1273 = arith.constant 80 : i32
      %add3A_1274 = vector.broadcast %add3A_1273 : i32 to vector<16xi32>
      %add3A_1275 = arith.addi %add3A_1237, %add3A_1274 : vector<16xi32>
      %gather3A_1276 = tpu.vector_load_idx %arg6[%add3A_1275] : memref<12800xf32, #tpu.memory_space<vmem>>[vector<16xi32>], vector<16xf32>,
      %swap3A_1277 = arith.index_cast %add3A_1233 : i32 to index
      %swap3A_1278 = arith.constant 80 : index
      %swap3A_1279 = tpu.vector_load %arg7[%swap3A_1277, %swap3A_1278] {strides = array<i32>} : memref<128x128xf32, #tpu.memory_space<vmem>>, vector<16xf32>,
      tpu.vector_store %arg7[%swap3A_1277, %swap3A_1278], %gather3A_1276 {strides = array<i32>} : memref<128x128xf32, #tpu.memory_space<vmem>>, vector<16xf32>,
      %add3A_1280 = arith.constant 96 : i32
      %add3A_1281 = vector.broadcast %add3A_1280 : i32 to vector<16xi32>
      %add3A_1282 = arith.addi %add3A_1237, %add3A_1281 : vector<16xi32>
      %gather3A_1283 = tpu.vector_load_idx %arg6[%add3A_1282] : memref<12800xf32, #tpu.memory_space<vmem>>[vector<16xi32>], vector<16xf32>,
      %swap3A_1284 = arith.index_cast %add3A_1233 : i32 to index
      %swap3A_1285 = arith.constant 96 : index
      %swap3A_1286 = tpu.vector_load %arg7[%swap3A_1284, %swap3A_1285] {strides = array<i32>} : memref<128x128xf32, #tpu.memory_space<vmem>>, vector<16xf32>,
      tpu.vector_store %arg7[%swap3A_1284, %swap3A_1285], %gather3A_1283 {strides = array<i32>} : memref<128x128xf32, #tpu.memory_space<vmem>>, vector<16xf32>,
      %add3A_1287 = arith.constant 112 : i32
      %add3A_1288 = vector.broadcast %add3A_1287 : i32 to vector<16xi32>
      %add3A_1289 = arith.addi %add3A_1237, %add3A_1288 : vector<16xi32>
      %gather3A_1290 = tpu.vector_load_idx %arg6[%add3A_1289] : memref<12800xf32, #tpu.memory_space<vmem>>[vector<16xi32>], vector<16xf32>,
      %swap3A_1291 = arith.index_cast %add3A_1233 : i32 to index
      %swap3A_1292 = arith.constant 112 : index
      %swap3A_1293 = tpu.vector_load %arg7[%swap3A_1291, %swap3A_1292] {strides = array<i32>} : memref<128x128xf32, #tpu.memory_space<vmem>>, vector<16xf32>,
      tpu.vector_store %arg7[%swap3A_1291, %swap3A_1292], %gather3A_1290 {strides = array<i32>} : memref<128x128xf32, #tpu.memory_space<vmem>>, vector<16xf32>,
      %mul3A_1294 = arith.constant 16 : i32
      %mul3A_1295 = arith.muli %scan3A_18, %mul3A_1294 : i32
      %add3A_1296 = arith.constant 12 : i32
      %add3A_1297 = arith.addi %mul3A_1295, %add3A_1296 : i32
      %slice3A_1298 = vector.extract_strided_slice %mul3A_528 {offsets = [12], sizes = [1], strides = [1]} : vector<16xi32> to vector<1xi32>
      %squeeze3A_1299 = vector.extract %slice3A_1298[0] : i32 from vector<1xi32>
      %broadcast_in_dim3A_1300 = vector.broadcast %squeeze3A_1299 : i32 to vector<16xi32>
      %add3A_1301 = arith.addi %iota3A, %broadcast_in_dim3A_1300 : vector<16xi32>
      %add3A_1302 = arith.constant 0 : i32
      %add3A_1303 = vector.broadcast %add3A_1302 : i32 to vector<16xi32>
      %add3A_1304 = arith.addi %add3A_1301, %add3A_1303 : vector<16xi32>
      %gather3A_1305 = tpu.vector_load_idx %arg6[%add3A_1304] : memref<12800xf32, #tpu.memory_space<vmem>>[vector<16xi32>], vector<16xf32>,
      %swap3A_1306 = arith.index_cast %add3A_1297 : i32 to index
      %swap3A_1307 = arith.constant 0 : index
      %swap3A_1308 = tpu.vector_load %arg7[%swap3A_1306, %swap3A_1307] {strides = array<i32>} : memref<128x128xf32, #tpu.memory_space<vmem>>, vector<16xf32>,
      tpu.vector_store %arg7[%swap3A_1306, %swap3A_1307], %gather3A_1305 {strides = array<i32>} : memref<128x128xf32, #tpu.memory_space<vmem>>, vector<16xf32>,
      %add3A_1309 = arith.constant 16 : i32
      %add3A_1310 = vector.broadcast %add3A_1309 : i32 to vector<16xi32>
      %add3A_1311 = arith.addi %add3A_1301, %add3A_1310 : vector<16xi32>
      %gather3A_1312 = tpu.vector_load_idx %arg6[%add3A_1311] : memref<12800xf32, #tpu.memory_space<vmem>>[vector<16xi32>], vector<16xf32>,
      %swap3A_1313 = arith.index_cast %add3A_1297 : i32 to index
      %swap3A_1314 = arith.constant 16 : index
      %swap3A_1315 = tpu.vector_load %arg7[%swap3A_1313, %swap3A_1314] {strides = array<i32>} : memref<128x128xf32, #tpu.memory_space<vmem>>, vector<16xf32>,
      tpu.vector_store %arg7[%swap3A_1313, %swap3A_1314], %gather3A_1312 {strides = array<i32>} : memref<128x128xf32, #tpu.memory_space<vmem>>, vector<16xf32>,
      %add3A_1316 = arith.constant 32 : i32
      %add3A_1317 = vector.broadcast %add3A_1316 : i32 to vector<16xi32>
      %add3A_1318 = arith.addi %add3A_1301, %add3A_1317 : vector<16xi32>
      %gather3A_1319 = tpu.vector_load_idx %arg6[%add3A_1318] : memref<12800xf32, #tpu.memory_space<vmem>>[vector<16xi32>], vector<16xf32>,
      %swap3A_1320 = arith.index_cast %add3A_1297 : i32 to index
      %swap3A_1321 = arith.constant 32 : index
      %swap3A_1322 = tpu.vector_load %arg7[%swap3A_1320, %swap3A_1321] {strides = array<i32>} : memref<128x128xf32, #tpu.memory_space<vmem>>, vector<16xf32>,
      tpu.vector_store %arg7[%swap3A_1320, %swap3A_1321], %gather3A_1319 {strides = array<i32>} : memref<128x128xf32, #tpu.memory_space<vmem>>, vector<16xf32>,
      %add3A_1323 = arith.constant 48 : i32
      %add3A_1324 = vector.broadcast %add3A_1323 : i32 to vector<16xi32>
      %add3A_1325 = arith.addi %add3A_1301, %add3A_1324 : vector<16xi32>
      %gather3A_1326 = tpu.vector_load_idx %arg6[%add3A_1325] : memref<12800xf32, #tpu.memory_space<vmem>>[vector<16xi32>], vector<16xf32>,
      %swap3A_1327 = arith.index_cast %add3A_1297 : i32 to index
      %swap3A_1328 = arith.constant 48 : index
      %swap3A_1329 = tpu.vector_load %arg7[%swap3A_1327, %swap3A_1328] {strides = array<i32>} : memref<128x128xf32, #tpu.memory_space<vmem>>, vector<16xf32>,
      tpu.vector_store %arg7[%swap3A_1327, %swap3A_1328], %gather3A_1326 {strides = array<i32>} : memref<128x128xf32, #tpu.memory_space<vmem>>, vector<16xf32>,
      %add3A_1330 = arith.constant 64 : i32
      %add3A_1331 = vector.broadcast %add3A_1330 : i32 to vector<16xi32>
      %add3A_1332 = arith.addi %add3A_1301, %add3A_1331 : vector<16xi32>
      %gather3A_1333 = tpu.vector_load_idx %arg6[%add3A_1332] : memref<12800xf32, #tpu.memory_space<vmem>>[vector<16xi32>], vector<16xf32>,
      %swap3A_1334 = arith.index_cast %add3A_1297 : i32 to index
      %swap3A_1335 = arith.constant 64 : index
      %swap3A_1336 = tpu.vector_load %arg7[%swap3A_1334, %swap3A_1335] {strides = array<i32>} : memref<128x128xf32, #tpu.memory_space<vmem>>, vector<16xf32>,
      tpu.vector_store %arg7[%swap3A_1334, %swap3A_1335], %gather3A_1333 {strides = array<i32>} : memref<128x128xf32, #tpu.memory_space<vmem>>, vector<16xf32>,
      %add3A_1337 = arith.constant 80 : i32
      %add3A_1338 = vector.broadcast %add3A_1337 : i32 to vector<16xi32>
      %add3A_1339 = arith.addi %add3A_1301, %add3A_1338 : vector<16xi32>
      %gather3A_1340 = tpu.vector_load_idx %arg6[%add3A_1339] : memref<12800xf32, #tpu.memory_space<vmem>>[vector<16xi32>], vector<16xf32>,
      %swap3A_1341 = arith.index_cast %add3A_1297 : i32 to index
      %swap3A_1342 = arith.constant 80 : index
      %swap3A_1343 = tpu.vector_load %arg7[%swap3A_1341, %swap3A_1342] {strides = array<i32>} : memref<128x128xf32, #tpu.memory_space<vmem>>, vector<16xf32>,
      tpu.vector_store %arg7[%swap3A_1341, %swap3A_1342], %gather3A_1340 {strides = array<i32>} : memref<128x128xf32, #tpu.memory_space<vmem>>, vector<16xf32>,
      %add3A_1344 = arith.constant 96 : i32
      %add3A_1345 = vector.broadcast %add3A_1344 : i32 to vector<16xi32>
      %add3A_1346 = arith.addi %add3A_1301, %add3A_1345 : vector<16xi32>
      %gather3A_1347 = tpu.vector_load_idx %arg6[%add3A_1346] : memref<12800xf32, #tpu.memory_space<vmem>>[vector<16xi32>], vector<16xf32>,
      %swap3A_1348 = arith.index_cast %add3A_1297 : i32 to index
      %swap3A_1349 = arith.constant 96 : index
      %swap3A_1350 = tpu.vector_load %arg7[%swap3A_1348, %swap3A_1349] {strides = array<i32>} : memref<128x128xf32, #tpu.memory_space<vmem>>, vector<16xf32>,
      tpu.vector_store %arg7[%swap3A_1348, %swap3A_1349], %gather3A_1347 {strides = array<i32>} : memref<128x128xf32, #tpu.memory_space<vmem>>, vector<16xf32>,
      %add3A_1351 = arith.constant 112 : i32
      %add3A_1352 = vector.broadcast %add3A_1351 : i32 to vector<16xi32>
      %add3A_1353 = arith.addi %add3A_1301, %add3A_1352 : vector<16xi32>
      %gather3A_1354 = tpu.vector_load_idx %arg6[%add3A_1353] : memref<12800xf32, #tpu.memory_space<vmem>>[vector<16xi32>], vector<16xf32>,
      %swap3A_1355 = arith.index_cast %add3A_1297 : i32 to index
      %swap3A_1356 = arith.constant 112 : index
      %swap3A_1357 = tpu.vector_load %arg7[%swap3A_1355, %swap3A_1356] {strides = array<i32>} : memref<128x128xf32, #tpu.memory_space<vmem>>, vector<16xf32>,
      tpu.vector_store %arg7[%swap3A_1355, %swap3A_1356], %gather3A_1354 {strides = array<i32>} : memref<128x128xf32, #tpu.memory_space<vmem>>, vector<16xf32>,
      %mul3A_1358 = arith.constant 16 : i32
      %mul3A_1359 = arith.muli %scan3A_18, %mul3A_1358 : i32
      %add3A_1360 = arith.constant 13 : i32
      %add3A_1361 = arith.addi %mul3A_1359, %add3A_1360 : i32
      %slice3A_1362 = vector.extract_strided_slice %mul3A_528 {offsets = [13], sizes = [1], strides = [1]} : vector<16xi32> to vector<1xi32>
      %squeeze3A_1363 = vector.extract %slice3A_1362[0] : i32 from vector<1xi32>
      %broadcast_in_dim3A_1364 = vector.broadcast %squeeze3A_1363 : i32 to vector<16xi32>
      %add3A_1365 = arith.addi %iota3A, %broadcast_in_dim3A_1364 : vector<16xi32>
      %add3A_1366 = arith.constant 0 : i32
      %add3A_1367 = vector.broadcast %add3A_1366 : i32 to vector<16xi32>
      %add3A_1368 = arith.addi %add3A_1365, %add3A_1367 : vector<16xi32>
      %gather3A_1369 = tpu.vector_load_idx %arg6[%add3A_1368] : memref<12800xf32, #tpu.memory_space<vmem>>[vector<16xi32>], vector<16xf32>,
      %swap3A_1370 = arith.index_cast %add3A_1361 : i32 to index
      %swap3A_1371 = arith.constant 0 : index
      %swap3A_1372 = tpu.vector_load %arg7[%swap3A_1370, %swap3A_1371] {strides = array<i32>} : memref<128x128xf32, #tpu.memory_space<vmem>>, vector<16xf32>,
      tpu.vector_store %arg7[%swap3A_1370, %swap3A_1371], %gather3A_1369 {strides = array<i32>} : memref<128x128xf32, #tpu.memory_space<vmem>>, vector<16xf32>,
      %add3A_1373 = arith.constant 16 : i32
      %add3A_1374 = vector.broadcast %add3A_1373 : i32 to vector<16xi32>
      %add3A_1375 = arith.addi %add3A_1365, %add3A_1374 : vector<16xi32>
      %gather3A_1376 = tpu.vector_load_idx %arg6[%add3A_1375] : memref<12800xf32, #tpu.memory_space<vmem>>[vector<16xi32>], vector<16xf32>,
      %swap3A_1377 = arith.index_cast %add3A_1361 : i32 to index
      %swap3A_1378 = arith.constant 16 : index
      %swap3A_1379 = tpu.vector_load %arg7[%swap3A_1377, %swap3A_1378] {strides = array<i32>} : memref<128x128xf32, #tpu.memory_space<vmem>>, vector<16xf32>,
      tpu.vector_store %arg7[%swap3A_1377, %swap3A_1378], %gather3A_1376 {strides = array<i32>} : memref<128x128xf32, #tpu.memory_space<vmem>>, vector<16xf32>,
      %add3A_1380 = arith.constant 32 : i32
      %add3A_1381 = vector.broadcast %add3A_1380 : i32 to vector<16xi32>
      %add3A_1382 = arith.addi %add3A_1365, %add3A_1381 : vector<16xi32>
      %gather3A_1383 = tpu.vector_load_idx %arg6[%add3A_1382] : memref<12800xf32, #tpu.memory_space<vmem>>[vector<16xi32>], vector<16xf32>,
      %swap3A_1384 = arith.index_cast %add3A_1361 : i32 to index
      %swap3A_1385 = arith.constant 32 : index
      %swap3A_1386 = tpu.vector_load %arg7[%swap3A_1384, %swap3A_1385] {strides = array<i32>} : memref<128x128xf32, #tpu.memory_space<vmem>>, vector<16xf32>,
      tpu.vector_store %arg7[%swap3A_1384, %swap3A_1385], %gather3A_1383 {strides = array<i32>} : memref<128x128xf32, #tpu.memory_space<vmem>>, vector<16xf32>,
      %add3A_1387 = arith.constant 48 : i32
      %add3A_1388 = vector.broadcast %add3A_1387 : i32 to vector<16xi32>
      %add3A_1389 = arith.addi %add3A_1365, %add3A_1388 : vector<16xi32>
      %gather3A_1390 = tpu.vector_load_idx %arg6[%add3A_1389] : memref<12800xf32, #tpu.memory_space<vmem>>[vector<16xi32>], vector<16xf32>,
      %swap3A_1391 = arith.index_cast %add3A_1361 : i32 to index
      %swap3A_1392 = arith.constant 48 : index
      %swap3A_1393 = tpu.vector_load %arg7[%swap3A_1391, %swap3A_1392] {strides = array<i32>} : memref<128x128xf32, #tpu.memory_space<vmem>>, vector<16xf32>,
      tpu.vector_store %arg7[%swap3A_1391, %swap3A_1392], %gather3A_1390 {strides = array<i32>} : memref<128x128xf32, #tpu.memory_space<vmem>>, vector<16xf32>,
      %add3A_1394 = arith.constant 64 : i32
      %add3A_1395 = vector.broadcast %add3A_1394 : i32 to vector<16xi32>
      %add3A_1396 = arith.addi %add3A_1365, %add3A_1395 : vector<16xi32>
      %gather3A_1397 = tpu.vector_load_idx %arg6[%add3A_1396] : memref<12800xf32, #tpu.memory_space<vmem>>[vector<16xi32>], vector<16xf32>,
      %swap3A_1398 = arith.index_cast %add3A_1361 : i32 to index
      %swap3A_1399 = arith.constant 64 : index
      %swap3A_1400 = tpu.vector_load %arg7[%swap3A_1398, %swap3A_1399] {strides = array<i32>} : memref<128x128xf32, #tpu.memory_space<vmem>>, vector<16xf32>,
      tpu.vector_store %arg7[%swap3A_1398, %swap3A_1399], %gather3A_1397 {strides = array<i32>} : memref<128x128xf32, #tpu.memory_space<vmem>>, vector<16xf32>,
      %add3A_1401 = arith.constant 80 : i32
      %add3A_1402 = vector.broadcast %add3A_1401 : i32 to vector<16xi32>
      %add3A_1403 = arith.addi %add3A_1365, %add3A_1402 : vector<16xi32>
      %gather3A_1404 = tpu.vector_load_idx %arg6[%add3A_1403] : memref<12800xf32, #tpu.memory_space<vmem>>[vector<16xi32>], vector<16xf32>,
      %swap3A_1405 = arith.index_cast %add3A_1361 : i32 to index
      %swap3A_1406 = arith.constant 80 : index
      %swap3A_1407 = tpu.vector_load %arg7[%swap3A_1405, %swap3A_1406] {strides = array<i32>} : memref<128x128xf32, #tpu.memory_space<vmem>>, vector<16xf32>,
      tpu.vector_store %arg7[%swap3A_1405, %swap3A_1406], %gather3A_1404 {strides = array<i32>} : memref<128x128xf32, #tpu.memory_space<vmem>>, vector<16xf32>,
      %add3A_1408 = arith.constant 96 : i32
      %add3A_1409 = vector.broadcast %add3A_1408 : i32 to vector<16xi32>
      %add3A_1410 = arith.addi %add3A_1365, %add3A_1409 : vector<16xi32>
      %gather3A_1411 = tpu.vector_load_idx %arg6[%add3A_1410] : memref<12800xf32, #tpu.memory_space<vmem>>[vector<16xi32>], vector<16xf32>,
      %swap3A_1412 = arith.index_cast %add3A_1361 : i32 to index
      %swap3A_1413 = arith.constant 96 : index
      %swap3A_1414 = tpu.vector_load %arg7[%swap3A_1412, %swap3A_1413] {strides = array<i32>} : memref<128x128xf32, #tpu.memory_space<vmem>>, vector<16xf32>,
      tpu.vector_store %arg7[%swap3A_1412, %swap3A_1413], %gather3A_1411 {strides = array<i32>} : memref<128x128xf32, #tpu.memory_space<vmem>>, vector<16xf32>,
      %add3A_1415 = arith.constant 112 : i32
      %add3A_1416 = vector.broadcast %add3A_1415 : i32 to vector<16xi32>
      %add3A_1417 = arith.addi %add3A_1365, %add3A_1416 : vector<16xi32>
      %gather3A_1418 = tpu.vector_load_idx %arg6[%add3A_1417] : memref<12800xf32, #tpu.memory_space<vmem>>[vector<16xi32>], vector<16xf32>,
      %swap3A_1419 = arith.index_cast %add3A_1361 : i32 to index
      %swap3A_1420 = arith.constant 112 : index
      %swap3A_1421 = tpu.vector_load %arg7[%swap3A_1419, %swap3A_1420] {strides = array<i32>} : memref<128x128xf32, #tpu.memory_space<vmem>>, vector<16xf32>,
      tpu.vector_store %arg7[%swap3A_1419, %swap3A_1420], %gather3A_1418 {strides = array<i32>} : memref<128x128xf32, #tpu.memory_space<vmem>>, vector<16xf32>,
      %mul3A_1422 = arith.constant 16 : i32
      %mul3A_1423 = arith.muli %scan3A_18, %mul3A_1422 : i32
      %add3A_1424 = arith.constant 14 : i32
      %add3A_1425 = arith.addi %mul3A_1423, %add3A_1424 : i32
      %slice3A_1426 = vector.extract_strided_slice %mul3A_528 {offsets = [14], sizes = [1], strides = [1]} : vector<16xi32> to vector<1xi32>
      %squeeze3A_1427 = vector.extract %slice3A_1426[0] : i32 from vector<1xi32>
      %broadcast_in_dim3A_1428 = vector.broadcast %squeeze3A_1427 : i32 to vector<16xi32>
      %add3A_1429 = arith.addi %iota3A, %broadcast_in_dim3A_1428 : vector<16xi32>
      %add3A_1430 = arith.constant 0 : i32
      %add3A_1431 = vector.broadcast %add3A_1430 : i32 to vector<16xi32>
      %add3A_1432 = arith.addi %add3A_1429, %add3A_1431 : vector<16xi32>
      %gather3A_1433 = tpu.vector_load_idx %arg6[%add3A_1432] : memref<12800xf32, #tpu.memory_space<vmem>>[vector<16xi32>], vector<16xf32>,
      %swap3A_1434 = arith.index_cast %add3A_1425 : i32 to index
      %swap3A_1435 = arith.constant 0 : index
      %swap3A_1436 = tpu.vector_load %arg7[%swap3A_1434, %swap3A_1435] {strides = array<i32>} : memref<128x128xf32, #tpu.memory_space<vmem>>, vector<16xf32>,
      tpu.vector_store %arg7[%swap3A_1434, %swap3A_1435], %gather3A_1433 {strides = array<i32>} : memref<128x128xf32, #tpu.memory_space<vmem>>, vector<16xf32>,
      %add3A_1437 = arith.constant 16 : i32
      %add3A_1438 = vector.broadcast %add3A_1437 : i32 to vector<16xi32>
      %add3A_1439 = arith.addi %add3A_1429, %add3A_1438 : vector<16xi32>
      %gather3A_1440 = tpu.vector_load_idx %arg6[%add3A_1439] : memref<12800xf32, #tpu.memory_space<vmem>>[vector<16xi32>], vector<16xf32>,
      %swap3A_1441 = arith.index_cast %add3A_1425 : i32 to index
      %swap3A_1442 = arith.constant 16 : index
      %swap3A_1443 = tpu.vector_load %arg7[%swap3A_1441, %swap3A_1442] {strides = array<i32>} : memref<128x128xf32, #tpu.memory_space<vmem>>, vector<16xf32>,
      tpu.vector_store %arg7[%swap3A_1441, %swap3A_1442], %gather3A_1440 {strides = array<i32>} : memref<128x128xf32, #tpu.memory_space<vmem>>, vector<16xf32>,
      %add3A_1444 = arith.constant 32 : i32
      %add3A_1445 = vector.broadcast %add3A_1444 : i32 to vector<16xi32>
      %add3A_1446 = arith.addi %add3A_1429, %add3A_1445 : vector<16xi32>
      %gather3A_1447 = tpu.vector_load_idx %arg6[%add3A_1446] : memref<12800xf32, #tpu.memory_space<vmem>>[vector<16xi32>], vector<16xf32>,
      %swap3A_1448 = arith.index_cast %add3A_1425 : i32 to index
      %swap3A_1449 = arith.constant 32 : index
      %swap3A_1450 = tpu.vector_load %arg7[%swap3A_1448, %swap3A_1449] {strides = array<i32>} : memref<128x128xf32, #tpu.memory_space<vmem>>, vector<16xf32>,
      tpu.vector_store %arg7[%swap3A_1448, %swap3A_1449], %gather3A_1447 {strides = array<i32>} : memref<128x128xf32, #tpu.memory_space<vmem>>, vector<16xf32>,
      %add3A_1451 = arith.constant 48 : i32
      %add3A_1452 = vector.broadcast %add3A_1451 : i32 to vector<16xi32>
      %add3A_1453 = arith.addi %add3A_1429, %add3A_1452 : vector<16xi32>
      %gather3A_1454 = tpu.vector_load_idx %arg6[%add3A_1453] : memref<12800xf32, #tpu.memory_space<vmem>>[vector<16xi32>], vector<16xf32>,
      %swap3A_1455 = arith.index_cast %add3A_1425 : i32 to index
      %swap3A_1456 = arith.constant 48 : index
      %swap3A_1457 = tpu.vector_load %arg7[%swap3A_1455, %swap3A_1456] {strides = array<i32>} : memref<128x128xf32, #tpu.memory_space<vmem>>, vector<16xf32>,
      tpu.vector_store %arg7[%swap3A_1455, %swap3A_1456], %gather3A_1454 {strides = array<i32>} : memref<128x128xf32, #tpu.memory_space<vmem>>, vector<16xf32>,
      %add3A_1458 = arith.constant 64 : i32
      %add3A_1459 = vector.broadcast %add3A_1458 : i32 to vector<16xi32>
      %add3A_1460 = arith.addi %add3A_1429, %add3A_1459 : vector<16xi32>
      %gather3A_1461 = tpu.vector_load_idx %arg6[%add3A_1460] : memref<12800xf32, #tpu.memory_space<vmem>>[vector<16xi32>], vector<16xf32>,
      %swap3A_1462 = arith.index_cast %add3A_1425 : i32 to index
      %swap3A_1463 = arith.constant 64 : index
      %swap3A_1464 = tpu.vector_load %arg7[%swap3A_1462, %swap3A_1463] {strides = array<i32>} : memref<128x128xf32, #tpu.memory_space<vmem>>, vector<16xf32>,
      tpu.vector_store %arg7[%swap3A_1462, %swap3A_1463], %gather3A_1461 {strides = array<i32>} : memref<128x128xf32, #tpu.memory_space<vmem>>, vector<16xf32>,
      %add3A_1465 = arith.constant 80 : i32
      %add3A_1466 = vector.broadcast %add3A_1465 : i32 to vector<16xi32>
      %add3A_1467 = arith.addi %add3A_1429, %add3A_1466 : vector<16xi32>
      %gather3A_1468 = tpu.vector_load_idx %arg6[%add3A_1467] : memref<12800xf32, #tpu.memory_space<vmem>>[vector<16xi32>], vector<16xf32>,
      %swap3A_1469 = arith.index_cast %add3A_1425 : i32 to index
      %swap3A_1470 = arith.constant 80 : index
      %swap3A_1471 = tpu.vector_load %arg7[%swap3A_1469, %swap3A_1470] {strides = array<i32>} : memref<128x128xf32, #tpu.memory_space<vmem>>, vector<16xf32>,
      tpu.vector_store %arg7[%swap3A_1469, %swap3A_1470], %gather3A_1468 {strides = array<i32>} : memref<128x128xf32, #tpu.memory_space<vmem>>, vector<16xf32>,
      %add3A_1472 = arith.constant 96 : i32
      %add3A_1473 = vector.broadcast %add3A_1472 : i32 to vector<16xi32>
      %add3A_1474 = arith.addi %add3A_1429, %add3A_1473 : vector<16xi32>
      %gather3A_1475 = tpu.vector_load_idx %arg6[%add3A_1474] : memref<12800xf32, #tpu.memory_space<vmem>>[vector<16xi32>], vector<16xf32>,
      %swap3A_1476 = arith.index_cast %add3A_1425 : i32 to index
      %swap3A_1477 = arith.constant 96 : index
      %swap3A_1478 = tpu.vector_load %arg7[%swap3A_1476, %swap3A_1477] {strides = array<i32>} : memref<128x128xf32, #tpu.memory_space<vmem>>, vector<16xf32>,
      tpu.vector_store %arg7[%swap3A_1476, %swap3A_1477], %gather3A_1475 {strides = array<i32>} : memref<128x128xf32, #tpu.memory_space<vmem>>, vector<16xf32>,
      %add3A_1479 = arith.constant 112 : i32
      %add3A_1480 = vector.broadcast %add3A_1479 : i32 to vector<16xi32>
      %add3A_1481 = arith.addi %add3A_1429, %add3A_1480 : vector<16xi32>
      %gather3A_1482 = tpu.vector_load_idx %arg6[%add3A_1481] : memref<12800xf32, #tpu.memory_space<vmem>>[vector<16xi32>], vector<16xf32>,
      %swap3A_1483 = arith.index_cast %add3A_1425 : i32 to index
      %swap3A_1484 = arith.constant 112 : index
      %swap3A_1485 = tpu.vector_load %arg7[%swap3A_1483, %swap3A_1484] {strides = array<i32>} : memref<128x128xf32, #tpu.memory_space<vmem>>, vector<16xf32>,
      tpu.vector_store %arg7[%swap3A_1483, %swap3A_1484], %gather3A_1482 {strides = array<i32>} : memref<128x128xf32, #tpu.memory_space<vmem>>, vector<16xf32>,
      %mul3A_1486 = arith.constant 16 : i32
      %mul3A_1487 = arith.muli %scan3A_18, %mul3A_1486 : i32
      %add3A_1488 = arith.constant 15 : i32
      %add3A_1489 = arith.addi %mul3A_1487, %add3A_1488 : i32
      %slice3A_1490 = vector.extract_strided_slice %mul3A_528 {offsets = [15], sizes = [1], strides = [1]} : vector<16xi32> to vector<1xi32>
      %squeeze3A_1491 = vector.extract %slice3A_1490[0] : i32 from vector<1xi32>
      %broadcast_in_dim3A_1492 = vector.broadcast %squeeze3A_1491 : i32 to vector<16xi32>
      %add3A_1493 = arith.addi %iota3A, %broadcast_in_dim3A_1492 : vector<16xi32>
      %add3A_1494 = arith.constant 0 : i32
      %add3A_1495 = vector.broadcast %add3A_1494 : i32 to vector<16xi32>
      %add3A_1496 = arith.addi %add3A_1493, %add3A_1495 : vector<16xi32>
      %gather3A_1497 = tpu.vector_load_idx %arg6[%add3A_1496] : memref<12800xf32, #tpu.memory_space<vmem>>[vector<16xi32>], vector<16xf32>,
      %swap3A_1498 = arith.index_cast %add3A_1489 : i32 to index
      %swap3A_1499 = arith.constant 0 : index
      %swap3A_1500 = tpu.vector_load %arg7[%swap3A_1498, %swap3A_1499] {strides = array<i32>} : memref<128x128xf32, #tpu.memory_space<vmem>>, vector<16xf32>,
      tpu.vector_store %arg7[%swap3A_1498, %swap3A_1499], %gather3A_1497 {strides = array<i32>} : memref<128x128xf32, #tpu.memory_space<vmem>>, vector<16xf32>,
      %add3A_1501 = arith.constant 16 : i32
      %add3A_1502 = vector.broadcast %add3A_1501 : i32 to vector<16xi32>
      %add3A_1503 = arith.addi %add3A_1493, %add3A_1502 : vector<16xi32>
      %gather3A_1504 = tpu.vector_load_idx %arg6[%add3A_1503] : memref<12800xf32, #tpu.memory_space<vmem>>[vector<16xi32>], vector<16xf32>,
      %swap3A_1505 = arith.index_cast %add3A_1489 : i32 to index
      %swap3A_1506 = arith.constant 16 : index
      %swap3A_1507 = tpu.vector_load %arg7[%swap3A_1505, %swap3A_1506] {strides = array<i32>} : memref<128x128xf32, #tpu.memory_space<vmem>>, vector<16xf32>,
      tpu.vector_store %arg7[%swap3A_1505, %swap3A_1506], %gather3A_1504 {strides = array<i32>} : memref<128x128xf32, #tpu.memory_space<vmem>>, vector<16xf32>,
      %add3A_1508 = arith.constant 32 : i32
      %add3A_1509 = vector.broadcast %add3A_1508 : i32 to vector<16xi32>
      %add3A_1510 = arith.addi %add3A_1493, %add3A_1509 : vector<16xi32>
      %gather3A_1511 = tpu.vector_load_idx %arg6[%add3A_1510] : memref<12800xf32, #tpu.memory_space<vmem>>[vector<16xi32>], vector<16xf32>,
      %swap3A_1512 = arith.index_cast %add3A_1489 : i32 to index
      %swap3A_1513 = arith.constant 32 : index
      %swap3A_1514 = tpu.vector_load %arg7[%swap3A_1512, %swap3A_1513] {strides = array<i32>} : memref<128x128xf32, #tpu.memory_space<vmem>>, vector<16xf32>,
      tpu.vector_store %arg7[%swap3A_1512, %swap3A_1513], %gather3A_1511 {strides = array<i32>} : memref<128x128xf32, #tpu.memory_space<vmem>>, vector<16xf32>,
      %add3A_1515 = arith.constant 48 : i32
      %add3A_1516 = vector.broadcast %add3A_1515 : i32 to vector<16xi32>
      %add3A_1517 = arith.addi %add3A_1493, %add3A_1516 : vector<16xi32>
      %gather3A_1518 = tpu.vector_load_idx %arg6[%add3A_1517] : memref<12800xf32, #tpu.memory_space<vmem>>[vector<16xi32>], vector<16xf32>,
      %swap3A_1519 = arith.index_cast %add3A_1489 : i32 to index
      %swap3A_1520 = arith.constant 48 : index
      %swap3A_1521 = tpu.vector_load %arg7[%swap3A_1519, %swap3A_1520] {strides = array<i32>} : memref<128x128xf32, #tpu.memory_space<vmem>>, vector<16xf32>,
      tpu.vector_store %arg7[%swap3A_1519, %swap3A_1520], %gather3A_1518 {strides = array<i32>} : memref<128x128xf32, #tpu.memory_space<vmem>>, vector<16xf32>,
      %add3A_1522 = arith.constant 64 : i32
      %add3A_1523 = vector.broadcast %add3A_1522 : i32 to vector<16xi32>
      %add3A_1524 = arith.addi %add3A_1493, %add3A_1523 : vector<16xi32>
      %gather3A_1525 = tpu.vector_load_idx %arg6[%add3A_1524] : memref<12800xf32, #tpu.memory_space<vmem>>[vector<16xi32>], vector<16xf32>,
      %swap3A_1526 = arith.index_cast %add3A_1489 : i32 to index
      %swap3A_1527 = arith.constant 64 : index
      %swap3A_1528 = tpu.vector_load %arg7[%swap3A_1526, %swap3A_1527] {strides = array<i32>} : memref<128x128xf32, #tpu.memory_space<vmem>>, vector<16xf32>,
      tpu.vector_store %arg7[%swap3A_1526, %swap3A_1527], %gather3A_1525 {strides = array<i32>} : memref<128x128xf32, #tpu.memory_space<vmem>>, vector<16xf32>,
      %add3A_1529 = arith.constant 80 : i32
      %add3A_1530 = vector.broadcast %add3A_1529 : i32 to vector<16xi32>
      %add3A_1531 = arith.addi %add3A_1493, %add3A_1530 : vector<16xi32>
      %gather3A_1532 = tpu.vector_load_idx %arg6[%add3A_1531] : memref<12800xf32, #tpu.memory_space<vmem>>[vector<16xi32>], vector<16xf32>,
      %swap3A_1533 = arith.index_cast %add3A_1489 : i32 to index
      %swap3A_1534 = arith.constant 80 : index
      %swap3A_1535 = tpu.vector_load %arg7[%swap3A_1533, %swap3A_1534] {strides = array<i32>} : memref<128x128xf32, #tpu.memory_space<vmem>>, vector<16xf32>,
      tpu.vector_store %arg7[%swap3A_1533, %swap3A_1534], %gather3A_1532 {strides = array<i32>} : memref<128x128xf32, #tpu.memory_space<vmem>>, vector<16xf32>,
      %add3A_1536 = arith.constant 96 : i32
      %add3A_1537 = vector.broadcast %add3A_1536 : i32 to vector<16xi32>
      %add3A_1538 = arith.addi %add3A_1493, %add3A_1537 : vector<16xi32>
      %gather3A_1539 = tpu.vector_load_idx %arg6[%add3A_1538] : memref<12800xf32, #tpu.memory_space<vmem>>[vector<16xi32>], vector<16xf32>,
      %swap3A_1540 = arith.index_cast %add3A_1489 : i32 to index
      %swap3A_1541 = arith.constant 96 : index
      %swap3A_1542 = tpu.vector_load %arg7[%swap3A_1540, %swap3A_1541] {strides = array<i32>} : memref<128x128xf32, #tpu.memory_space<vmem>>, vector<16xf32>,
      tpu.vector_store %arg7[%swap3A_1540, %swap3A_1541], %gather3A_1539 {strides = array<i32>} : memref<128x128xf32, #tpu.memory_space<vmem>>, vector<16xf32>,
      %add3A_1543 = arith.constant 112 : i32
      %add3A_1544 = vector.broadcast %add3A_1543 : i32 to vector<16xi32>
      %add3A_1545 = arith.addi %add3A_1493, %add3A_1544 : vector<16xi32>
      %gather3A_1546 = tpu.vector_load_idx %arg6[%add3A_1545] : memref<12800xf32, #tpu.memory_space<vmem>>[vector<16xi32>], vector<16xf32>,
      %swap3A_1547 = arith.index_cast %add3A_1489 : i32 to index
      %swap3A_1548 = arith.constant 112 : index
      %swap3A_1549 = tpu.vector_load %arg7[%swap3A_1547, %swap3A_1548] {strides = array<i32>} : memref<128x128xf32, #tpu.memory_space<vmem>>, vector<16xf32>,
      tpu.vector_store %arg7[%swap3A_1547, %swap3A_1548], %gather3A_1546 {strides = array<i32>} : memref<128x128xf32, #tpu.memory_space<vmem>>, vector<16xf32>,
      %mul3A_1550 = arith.constant 16 : i32
      %mul3A_1551 = arith.muli %scan3A_18, %mul3A_1550 : i32
      %mul3A_1552 = arith.constant 16 : i32
      %mul3A_1553 = arith.muli %scan3A_18, %mul3A_1552 : i32
      %add3A_1554 = arith.addi %mul3A_2, %mul3A_1553 : i32
      %dma_start3A = arith.constant 0 : i32
      %dma_start3A_1555 = tpu.memref_slice %arg7[%mul3A_1551, %dma_start3A] : memref<128x128xf32, #tpu.memory_space<vmem>> -> memref<16x128xf32, #tpu.memory_space<vmem>>
      %dma_start3A_1556 = arith.constant 0 : i32
      %dma_start3A_1557 = tpu.memref_slice %arg4[%add3A_1554, %dma_start3A_1556] : memref<4096x128xf32, #tpu.memory_space<hbm>> -> memref<16x128xf32, #tpu.memory_space<hbm>>
      %dma_start3A_1558 = arith.constant 0 : i32
      %dma_start3A_1559 = tpu.memref_slice %arg4[%add3A_1554, %dma_start3A_1558] : memref<4096x128xf32, #tpu.memory_space<hbm>> -> memref<16x128xf32, #tpu.memory_space<hbm>>
      %dma_start3A_1560 = arith.constant 0 : i32
      %dma_start3A_1561 = tpu.memref_slice %arg7[%mul3A_1551, %dma_start3A_1560] : memref<128x128xf32, #tpu.memory_space<vmem>> -> memref<16x128xf32, #tpu.memory_space<vmem>>
      tpu.enqueue_dma source(%dma_start3A_1561 : memref<16x128xf32, #tpu.memory_space<vmem>>) target(%dma_start3A_1559 : memref<16x128xf32, #tpu.memory_space<hbm>>) target_semaphore(%arg9 : memref<!tpu.dma_semaphore, #tpu.memory_space<semaphore_mem>>)
      %scan3A_1562 = arith.constant 0 : i32
      scf.yield %scan3A_1562 : i32
    }
    %scan3A_14 = arith.constant 8 : i32
    %dma_wait3A = arith.constant 0 : i32
    %dma_wait3A_15 = tpu.memref_slice %arg4[%mul3A_2, %dma_wait3A] : memref<4096x128xf32, #tpu.memory_space<hbm>> -> memref<128x128xf32, #tpu.memory_space<hbm>>
    %dma_wait3A_16 = arith.constant 0 : i32
    %dma_wait3A_17 = tpu.memref_slice %arg4[%mul3A_2, %dma_wait3A_16] : memref<4096x128xf32, #tpu.memory_space<hbm>> -> memref<128x128xf32, #tpu.memory_space<hbm>>
    tpu.wait_dma2 semaphore(%arg9 : memref<!tpu.dma_semaphore, #tpu.memory_space<semaphore_mem>>) src(%dma_wait3A_17 : memref<128x128xf32, #tpu.memory_space<hbm>>) dst(%arg7 : memref<128x128xf32, #tpu.memory_space<vmem>>)
    return
  }
}

</mosaic_0001>

<sc_bundles>
// kernel: kernel.3.cloned.1.call-start
scs
__scs_entry_jumppad:
0x0: {  	(pc) =	sbr.rel $0x88, $3  }
0x1: {  	(tag) =	ssettag $0x0;
	lr =	simm.s32 $0x1  }
0x2: {  	[smem:$0x3F9F] =	sst lr;
	_ =	strace $0xD0000000  }
0x3: {  	_ = 	snop  }
0x4: {  	_ = 	snop  }
0x5: {  	_ = 	snop  }
0x6: {  	_ = 	snop  }
0x7: {  	_ = 	snop  }
__scs_overlays_trampoline_lowered:
0x8: {  	[smem:$0x3FAE] =	sst s0  }
0x9: {  	[smem:$0x3FAF] =	sst s1  }
0xa: {  	[smem:$0x3FB0] =	sst s2  }
0xb: {  	[smem:$0x3FB1] =	sst s3  }
0xc: {  	[smem:$0x3FB2] =	sst s4  }
0xd: {  	[smem:$0x3FB3] =	sst s5  }
0xe: {  	[smem:$0x3FB4] =	sst s6  }
0xf: {  	[smem:$0x3FB5] =	sst s7  }
0x10: {  	[smem:$0x3FB6] =	sst s8  }
0x11: {  	[smem:$0x3FB7] =	sst s9;
	s0 =	simm.s32 @!p0 $0x0  }
0x12: {  	s1 =	sld [smem:$0x3F9D];
	s0 =	simm.s32 @p0 $0x1  }
0x13: {  	[smem:$0x3FB8] =	sst s0;
	s0 =	simm.s32 @!p1 $0x0  }
0x14: {  	s2 =	sld [smem:$0x3F9C];
	s0 =	simm.s32 @p1 $0x1  }
0x15: {  	[smem:$0x3FB9] =	sst s0;
	s0 =	simm.s32 @!p2 $0x0  }
0x16: {  	s3 =	sld [smem:$0x3FDB];
	s0 =	simm.s32 @p2 $0x1  }
0x17: {  	s4 =	simm.s32 $0x1BF5;
	[smem:$0x3FBB] =	sst s0  }
0x18: {  	s0 =	sld [smem:$0x3F9E];
	_ =	swait.ge [sflag:s4], $0x0  }
0x19: {  	s7 =	sld [smem:$0x3F9F]  }
0x1a: {  	s8 =	sadd.s32 $0xFFFFE003, lr  }
0x1b: {  	s9 =	sadd.s32 $0xFFFFFEF7, lr;
	s5 =	simm.s32 $0xFFFFFFFF;
	p2 =	slt.u32 s8, $0xFFFFF086  }
0x1c: {  	p1 =	slt.u32 s9, $0xF7A;
	s5 =	simm.s32 @!p2 $0x0  }
0x1d: {  	s5 =	simm.s32 @p1 $0x1;
	p0 =	seq.s32 s7, s2  }
0x1e: {  	s7 =	smul.u32 @!p0 $0xF7A, s2;
	p2 =	seq.s32 @!p0 s5, $0x0  }
0x1f: {  	s9 =	smul.u32 $0xF7A, s1;
	s8 =	simm.s32 @!p0 $0x1BF5;
	p2 =	por !p2, p0  }
0x20: {  	[sflag:s8] =	ssyncset.s32 @!p0 $0xFFFFF086;
	s6 =	sadd.s32 @!p0 s3, s7;
	s7 =	simm.s32 @!p0 $0x108  }
0x21: {  	s3 =	sadd.s32 s3, s9;
	s6 =	sadd.s32 @!p0 $0x88, s6;
	s7 =	simm.s32 @p2 $0x1082  }
0x22: {  	[simem:s7], [sflag:s8] =	dma.local @!p0 [hbm:s6], $0xF7A  }
0x23: {  	s9 =	sor.u32 $0xD0000000, s2;
	s6 =	simm.s32 $0x108;
	_ =	swait.ge @!p0 [sflag:s8], $0x0  }
0x24: {  	s3 =	sadd.s32 $0x88, s3;
	s6 =	simm.s32 @!p1 $0x1082;
	[sflag:s4] =	ssyncset.s32 $0xFFFFF086  }
0x25: {  	[simem:s6], [sflag:s4] =	dma.local [hbm:s3], $0xF7A  }
0x26: {  	[smem:$0x3F9F] =	sst s1;
	(tag) =	ssettag s2;
	_ =	strace s9  }
0x27: {  	s1 =	sld [smem:$0x3FAF]  }
0x28: {  	s2 =	sld [smem:$0x3FB0]  }
0x29: {  	s4 =	sld [smem:$0x3FB2]  }
0x2a: {  	p0 =	seq.s32 s5, $0x0;
	s5 =	sld [smem:$0x3FB3]  }
0x2b: {  	s6 =	sld [smem:$0x3FB4]  }
0x2c: {  	s7 =	sld [smem:$0x3FB5]  }
0x2d: {  	s3 =	simm.s32 $0x108;
	s8 =	sld [smem:$0x3FB6]  }
0x2e: {  	s3 =	simm.s32 @!p0 $0x1082;
	s9 =	sld [smem:$0x3FB7]  }
0x2f: {  	lr =	sadd.s32 s0, s3;
	s0 =	sld [smem:$0x3FAE]  }
0x30: {  	s3 =	sld [smem:$0x3FB1]  }
0x31: {  	[smem:$0x3FBA] =	sst s10  }
0x32: {  	s10 =	sld [smem:$0x3FB8];
	_ =	sdelay $0x3  }
0x33: {  	p0 =	seq.s32 s10, $0x1;
	s10 =	sld [smem:$0x3FBA];
	_ =	sdelay $0x3  }
0x34: {  	[smem:$0x3FBA] =	sst s10  }
0x35: {  	s10 =	sld [smem:$0x3FB9];
	_ =	sdelay $0x3  }
0x36: {  	p1 =	seq.s32 s10, $0x1;
	s10 =	sld [smem:$0x3FBA];
	_ =	sdelay $0x3  }
0x37: {  	[smem:$0x3FBA] =	sst s10  }
0x38: {  	s10 =	sld [smem:$0x3FBB]  }
0x39: {  	_ = 	snop;
	(pc) =	sbr.ind lr, $3  }
0x3a: {  	_ = 	snop  }
0x3b: {  	_ = 	snop  }
0x3c: {  	p2 =	seq.s32 s10, $0x1;
	s10 =	sld [smem:$0x3FBA]  }
0x3d: {  	_ =	shalt  }
0x3e: {  	_ =	shalt  }
0x3f: {  	_ =	shalt  }
0x40: {  	_ =	shalt  }
0x41: {  	_ =	shalt  }
0x42: {  	_ =	shalt  }
0x43: {  	_ =	shalt  }
0x44: {  	_ =	shalt  }
0x45: {  	_ =	shalt  }
0x46: {  	_ =	shalt  }
0x47: {  	_ =	shalt  }
0x48: {  	_ =	shalt  }
0x49: {  	_ =	shalt  }
0x4a: {  	_ =	shalt  }
0x4b: {  	_ =	shalt  }
0x4c: {  	_ =	shalt  }
0x4d: {  	_ =	shalt  }
0x4e: {  	_ =	shalt  }
0x4f: {  	_ =	shalt  }
0x50: {  	_ =	shalt  }
0x51: {  	_ =	shalt  }
0x52: {  	_ =	shalt  }
0x53: {  	_ =	shalt  }
0x54: {  	_ =	shalt  }
0x55: {  	_ =	shalt  }
0x56: {  	_ =	shalt  }
0x57: {  	_ =	shalt  }
0x58: {  	_ =	shalt  }
0x59: {  	_ =	shalt  }
0x5a: {  	_ =	shalt  }
0x5b: {  	_ =	shalt  }
0x5c: {  	_ =	shalt  }
0x5d: {  	_ =	shalt  }
0x5e: {  	_ =	shalt  }
0x5f: {  	_ =	shalt  }
0x60: {  	_ =	shalt  }
0x61: {  	_ =	shalt  }
0x62: {  	_ =	shalt  }
0x63: {  	_ =	shalt  }
0x64: {  	_ =	shalt  }
0x65: {  	_ =	shalt  }
0x66: {  	_ =	shalt  }
0x67: {  	_ =	shalt  }
0x68: {  	_ =	shalt  }
0x69: {  	_ =	shalt  }
0x6a: {  	_ =	shalt  }
0x6b: {  	_ =	shalt  }
0x6c: {  	_ =	shalt  }
0x6d: {  	_ =	shalt  }
0x6e: {  	_ =	shalt  }
0x6f: {  	_ =	shalt  }
0x70: {  	_ =	shalt  }
0x71: {  	_ =	shalt  }
0x72: {  	_ =	shalt  }
0x73: {  	_ =	shalt  }
0x74: {  	_ =	shalt  }
0x75: {  	_ =	shalt  }
0x76: {  	_ =	shalt  }
0x77: {  	_ =	shalt  }
0x78: {  	_ =	shalt  }
0x79: {  	_ =	shalt  }
0x7a: {  	_ =	shalt  }
0x7b: {  	_ =	shalt  }
0x7c: {  	_ =	shalt  }
0x7d: {  	_ =	shalt  }
0x7e: {  	_ =	shalt  }
0x7f: {  	_ =	shalt  }
0x80: {  	_ =	shalt  }
0x81: {  	_ =	shalt  }
0x82: {  	_ =	shalt  }
0x83: {  	_ =	shalt  }
0x84: {  	_ =	shalt  }
0x85: {  	_ =	shalt  }
0x86: {  	_ =	shalt  }
0x87: {  	_ =	shalt  }
.Lfunc_end0:
.L_simem_size_0:
called_computation_lowered:
.L_overlay_start_0:
0x88: {  	s2 =	sld [smem:$0x3FD9]  }
0x89: {  	s3 =	sld [smem:$0x3FFE];
	_ =	sdelay $0x1  }
0x8a: {  	s1 =	srdreg.scid  }
0x8b: {  	s0 =	sand.u32 $0x1, s1  }
0x8c: {  	s17 =	sshll.u32 s0, $0xA;
	s2 =	sadd.s32 s3, s2  }
0x8d: {  	s2 =	sadd.s32 s2, s17  }
0x8e: {  	[smem:$0x3FC6] =	sst s2  }
0x8f: {  	_ = 	snop  }
0x90: {  	s2 =	sld [smem:$0x3FC8]  }
0x91: {  	s18 =	sld [smem:$0x3FD0];
	(tm) =	ssettm $0x1  }
0x92: {  	s4 =	sld [smem:$0x3FFB];
	_ =	sdelay $0x3  }
0x93: {  	_ =	strace s4  }
0x94: {  	s4 =	sld [smem:$0x3FFC];
	_ =	sdelay $0x3  }
0x95: {  	_ =	strace s4  }
0x96: {  	s4 =	sld [smem:$0x3FFD];
	_ =	sdelay $0x3  }
0x97: {  	_ =	strace s4  }
0x98: {  	_ =	strace $0x8FFFFFFF  }
0x99: {  	s19 =	sld [smem:$0x3FDB];
	_ =	sdelay $0x1  }
0x9a: {  	s5 =	simm.s32 $_scs_section_size  }
0x9b: {  	s6 =	simm.s32 $_size__tile_overlayer_lowered;
	s7 =	simm.s32 $_tile_overlayer_lowered  }
0x9c: {  	s22 =	simm.s32 $0x1BFF;
	s21 =	sshll.u32 s7, $0x1;
	s4 =	sadd.s32 s5, s19  }
0x9d: {  	s8 =	simm.s32 $0x0;
	s20 =	sshll.u32 s6, $0x1;
	s6 =	sadd.s32 s21, s4  }
0x9e: {  	[timem:s8], [sflag:s22] =	dma.local [hbm:s6], s20  }
0x9f: {  	_ =	swait.ge [sflag:s22], s20  }
0xa0: {  	s5 =	ssub.s32 $0x0, s20;
	[sflag:s22] =	ssyncset.done $0x0  }
0xa1: {  	[sflag:s22] =	ssyncadd.s32 s5;
	_ =	sdelay $0x1  }
0xa2: {  	s23 =	simm.s32 $0x1B8B  }
0xa3: {  	_ =	swait.ge [sflag:s23], $0x1  }
0xa4: {  	[sflag:s23] =	ssyncset.done $0x0  }
0xa5: {  	s25 =	simm.s32 $0x1B8E;
	s24 =	sld [smem:$0x3FFE];
	[sflag:s23] =	ssyncadd.s32 $0xFFFFFFFF  }
0xa6: {  	s26 =	simm.s32 $execute0_lowered;
	[smem:$0x3FD2] =	sst s25  }
0xa7: {  	s6 =	sshll.u32 s26, $0x1;
	_ =	strace $0x80000046;
	[dreg:$0x1] =	wrdreg $0xFFFFFFFF  }
0xa8: {  	s28 =	simm.s32 $_size_execute0_lowered;
	s4 =	sadd.s32 s4, s6;
	[dreg:$0x0] =	wrdreg $0x0  }
0xa9: {  	s6 =	sshll.u32 s28, $0x1;
	[dreg:$0x2] =	wrdreg s4  }
0xaa: {  	[dreg:$0x3] =	wrdreg s6  }
0xab: {  	[dreg:$0x4] =	wrdreg $0xC0  }
0xac: {  	_ =	task [dreg:s8], $0x5FFFF  }
0xad: {  	[dreg:$0x1] =	wrdreg $0xFFFFFFFF  }
0xae: {  	[dreg:$0x0] =	wrdreg $0x60  }
0xaf: {  	[dreg:$0x2] =	wrdreg s24  }
0xb0: {  	[dreg:$0x3] =	wrdreg s2  }
0xb1: {  	[dreg:$0x4] =	wrdreg s18  }
0xb2: {  	[dreg:$0x5] =	wrdreg $0x9  }
0xb3: {  	_ =	task.clear_ibuf [dreg:s8], $0x6FFFF;
	_ =	strace $0x90000046  }
0xb4: {  	s29 =	simm.s32 $0x9;
	_ =	strace $0x80000048  }
0xb5: {  	_ =	swait.ge [sflag:s29], $0x1  }
0xb6: {  	[sflag:s29] =	ssyncadd.s32 $0xFFFFFFFF  }
0xb7: {  	_ =	strace $0x90000048  }
0xb8: {  	_ =	sfence  }
0xb9: {  	s30 =	sld [smem:$0x0];
	_ =	sdelay $0x2  }
0xba: {  	s31 =	sshll.u32 s1, $0xD;
	s1 =	sshrl.u32 s1, $0x2  }
0xbb: {  	s3 =	sand.u32 $0x4000, s31;
	s1 =	sadd.s32 s1, s30  }
0xbc: {  	s0 =	sor.u32 s3, s0;
	s1 =	sshll.u32 s1, $0x11  }
0xbd: {  	s0 =	sor.u32 s1, s0  }
0xbe: {  	s0 =	sadd.s32 $0x8F2B, s0  }
0xbf: {  	[sflag:s0] =	ssyncadd.remote.s32 $0x1  }
0xc0: {  	_ =	sfence.sel $0xFFFF  }
0xc1: {  	[dreg:$0x0] =	wrdreg $0xFFFFFFFF;
	(pc) =	sbr.abs _section_cstart, $3  }
0xc2: {  	[dreg:$0x1] =	wrdreg $0xFFFFFFFF  }
0xc3: {  	_ =	task.clear_ibuf [dreg:s8], $0x2FFFF;
	_ =	strace $0x9FFFFFFF  }
0xc4: {  	(tm) =	ssettm $0x7FFFFFFF  }
0xc5: {  	_ =	shalt  }
tec
execute0_lowered:
.L_overlay_start_1:
0x0: {  	(tag) =	ssettag $0x1  }
0x1: {  	v0 =	vlaneseq.u32  }
0x2: {  	v1 =	vmul.u32 $0x65, v0;
	_ =	sdelay $0x1  }
0x3: {  	v2 =	vadd.s32 $0xC, v1  }
0x4: {  	[tilespmem:$0x1FCD0] =	vst v2;
	v2 =	vadd.s32 $0xD, v1  }
0x5: {  	[tilespmem:$0x1FCE0] =	vst v2;
	v2 =	vadd.s32 $0xE, v1  }
0x6: {  	[tilespmem:$0x1FCF0] =	vst v2;
	v2 =	vadd.s32 $0xF, v1  }
0x7: {  	[tilespmem:$0x1FD00] =	vst v2;
	v2 =	vadd.s32 $0x10, v1  }
0x8: {  	[tilespmem:$0x1FD10] =	vst v2;
	v2 =	vadd.s32 $0x11, v1  }
0x9: {  	[tilespmem:$0x1FD20] =	vst v2;
	v2 =	vadd.s32 $0x12, v1  }
0xa: {  	[tilespmem:$0x1FD30] =	vst v2;
	v2 =	vadd.s32 $0x13, v1  }
0xb: {  	[tilespmem:$0x1FD40] =	vst v2;
	v2 =	vadd.s32 $0x14, v1  }
0xc: {  	[tilespmem:$0x1FD50] =	vst v2;
	v2 =	vadd.s32 $0x15, v1  }
0xd: {  	[tilespmem:$0x1FD60] =	vst v2;
	v2 =	vadd.s32 $0x16, v1  }
0xe: {  	[tilespmem:$0x1FD70] =	vst v2;
	v2 =	vadd.s32 $0x17, v1  }
0xf: {  	[tilespmem:$0x1FD80] =	vst v2;
	v2 =	vadd.s32 $0x18, v1  }
0x10: {  	[tilespmem:$0x1FD90] =	vst v2;
	v2 =	vadd.s32 $0x19, v1  }
0x11: {  	[tilespmem:$0x1FDA0] =	vst v2;
	v2 =	vadd.s32 $0x1A, v1  }
0x12: {  	[tilespmem:$0x1FDB0] =	vst v2;
	v2 =	vadd.s32 $0x1B, v1  }
0x13: {  	[tilespmem:$0x1FDC0] =	vst v2;
	v2 =	vadd.s32 $0x1C, v1  }
0x14: {  	[tilespmem:$0x1FDD0] =	vst v2;
	v2 =	vadd.s32 $0x1D, v1  }
0x15: {  	[tilespmem:$0x1FDE0] =	vst v2;
	v2 =	vadd.s32 $0x1E, v1  }
0x16: {  	[tilespmem:$0x1FDF0] =	vst v2;
	v2 =	vadd.s32 $0x1F, v1  }
0x17: {  	[tilespmem:$0x1FE00] =	vst v2;
	v2 =	vadd.s32 $0x20, v1  }
0x18: {  	[tilespmem:$0x1FE10] =	vst v2;
	v2 =	vadd.s32 $0x21, v1  }
0x19: {  	[tilespmem:$0x1FE20] =	vst v2;
	v2 =	vadd.s32 $0x22, v1  }
0x1a: {  	[tilespmem:$0x1FE30] =	vst v2;
	v2 =	vadd.s32 $0x23, v1  }
0x1b: {  	[tilespmem:$0x1FE40] =	vst v2;
	v2 =	vadd.s32 $0x24, v1  }
0x1c: {  	[tilespmem:$0x1FE50] =	vst v2;
	v2 =	vadd.s32 $0x25, v1  }
0x1d: {  	[tilespmem:$0x1FE60] =	vst v2;
	v2 =	vadd.s32 $0x26, v1  }
0x1e: {  	[tilespmem:$0x1FE70] =	vst v2;
	v2 =	vadd.s32 $0x27, v1  }
0x1f: {  	[tilespmem:$0x1FE80] =	vst v2;
	v2 =	vadd.s32 $0x28, v1  }
0x20: {  	[tilespmem:$0x1FE90] =	vst v2;
	v2 =	vadd.s32 $0x29, v1  }
0x21: {  	[tilespmem:$0x1FEA0] =	vst v2;
	v2 =	vadd.s32 $0x2A, v1  }
0x22: {  	[tilespmem:$0x1FEB0] =	vst v2;
	v2 =	vadd.s32 $0x2B, v1  }
0x23: {  	[tilespmem:$0x1FEC0] =	vst v2;
	v2 =	vadd.s32 $0x2C, v1  }
0x24: {  	s4 =	rddreg [dreg:$0x0];
	[tilespmem:$0x1FED0] =	vst v2;
	v2 =	vadd.s32 $0x2D, v1  }
0x25: {  	s1 =	rddreg [dreg:$0x1];
	[tilespmem:$0x1FEE0] =	vst v2;
	v2 =	vadd.s32 $0x2E, v1  }
0x26: {  	s7 =	rddreg [dreg:$0x2];
	s3 =	simm.s32 $0x0;
	[tilespmem:$0x1FEF0] =	vst v2;
	v2 =	vadd.s32 $0x2F, v1  }
0x27: {  	s2 =	srdreg.scid;
	[smem:$0x7FF] =	sst s3;
	[tilespmem:$0x1FF00] =	vst v2;
	v2 =	vadd.s32 $0x30, v1  }
0x28: {  	s6 =	sand.u32 $0x1, s2;
	s2 =	rddreg [dreg:$0x3];
	_ =	strace $0x80000047;
	[tilespmem:$0x1FF10] =	vst v2;
	v2 =	vadd.s32 $0x31, v1  }
0x29: {  	[tilespmem:$0x1FF20] =	vst v2;
	v2 =	vadd.s32 $0x32, v1  }
0x2a: {  	[tilespmem:$0x1FF30] =	vst v2;
	v2 =	vadd.s32 $0x33, v1  }
0x2b: {  	[tilespmem:$0x1FF40] =	vst v2;
	v2 =	vadd.s32 $0x34, v1  }
0x2c: {  	[tilespmem:$0x1FF50] =	vst v2;
	v2 =	vadd.s32 $0x35, v1  }
0x2d: {  	[tilespmem:$0x1FF60] =	vst v2;
	v2 =	vadd.s32 $0x36, v1  }
0x2e: {  	[tilespmem:$0x1FF70] =	vst v2;
	v2 =	vadd.s32 $0x37, v1  }
0x2f: {  	[tilespmem:$0x1FF80] =	vst v2;
	v2 =	vadd.s32 $0x38, v1  }
0x30: {  	s0 =	stileid.u32;
	[tilespmem:$0x1FF90] =	vst v2;
	v2 =	vadd.s32 $0x39, v1  }
0x31: {  	s9 =	simm.s32 $0x1;
	s10 =	simm.s32 $0x2;
	s29 =	sshll.u32 s0, $0x1;
	[tilespmem:$0x1FFA0] =	vst v2;
	v2 =	vadd.s32 $0x3A, v1  }
0x32: {  	s31 =	sshll.u32 s0, $0xC;
	s5 =	sor.u32 s6, s29;
	s8 =	ssub.s32 $0x2, s6;
	v14 =	vadd.s32 $0x1, v1;
	v15 =	vadd.s32 $0x2, v1;
	[tilespmem:$0x1FFB0] =	vst v2;
	v2 =	vadd.s32 $0x3B, v1  }
0x33: {  	s7 =	sadd.s32 s31, s7;
	s6 =	sshll.u32 s6, $0xB;
	v16 =	vadd.s32 $0x3, v1;
	v17 =	vadd.s32 $0x4, v1;
	s5 =	smul.u32 $0x650, s5;
	[tilespmem:$0x1FFC0] =	vst v2;
	v2 =	vadd.s32 $0x3C, v1  }
0x34: {  	s11 =	simm.s32 $0x0;
	v18 =	vadd.s32 $0x5, v1;
	v19 =	vadd.s32 $0x6, v1;
	s30 =	sshrl.u32 s8, $0x1;
	s6 =	sadd.s32 s6, s7;
	[tilespmem:$0x1FFD0] =	vst v2;
	v2 =	vadd.s32 $0x3D, v1  }
0x35: {  	v20 =	vadd.s32 $0x7, v1;
	v21 =	vadd.s32 $0x8, v1;
	s7 =	simm.s32 $0x3280;
	s4 =	sadd.s32 s5, s4;
	s5 =	ssub.s32 s8, s30;
	[tilespmem:$0x1FFE0] =	vst v2;
	v2 =	vadd.s32 $0x3E, v1  }
0x36: {  	v22 =	vadd.s32 $0x9, v1;
	v23 =	vadd.s32 $0xA, v1;
	v24 =	vadd.s32 $0xB, v1;
	s8 =	simm.s32 $0x3;
	s4 =	sadd.s32 $0x400, s4;
	s5 =	smax.u32 s5, $0x1;
	[tilespmem:$0x1FFF0] =	vst v2  }
.LBB2_1:
0x37: {  	[tilespmem:s7], [sflag:$0x1] =	stream.linear.gather [hbm4b:s1+s3], $0x3200, $0x38;
	[tilespmem:$0xA480] =	vst v63  }
0x38: {  	_ = 	snop  }
0x39: {  	[tilespmem:s3], [sflag:$0x3] =	stream.linear.gather [hbm4b:s4+s3], $0x3280, $0x38;
	[tilespmem:$0xA480] =	vst v63  }
0x3a: {  	_ =	swait.ge [sflag:s8], $0x3280  }
0x3b: {  	[sflag:s8] =	ssyncset.done $0x0  }
0x3c: {  	[sflag:s8] =	ssyncadd.s32 $0xFFFFCD80  }
0x3d: {  	_ =	swait.ge [sflag:s9], $0x3200  }
0x3e: {  	v37 =	vld [tilespmem:$0x1FD90]  }
0x3f: {  	v38 =	vld [tilespmem:$0x1FDA0]  }
0x40: {  	v39 =	vld [tilespmem:$0x1FDB0]  }
0x41: {  	v40 =	vld [tilespmem:$0x1FDC0]  }
0x42: {  	v41 =	vld [tilespmem:$0x1FDD0]  }
0x43: {  	v42 =	vld [tilespmem:$0x1FDE0]  }
0x44: {  	v43 =	vld [tilespmem:$0x1FDF0]  }
0x45: {  	v44 =	vld [tilespmem:$0x1FE00]  }
0x46: {  	v45 =	vld [tilespmem:$0x1FE10]  }
0x47: {  	v46 =	vld [tilespmem:$0x1FE20]  }
0x48: {  	v47 =	vld [tilespmem:$0x1FE30]  }
0x49: {  	v48 =	vld [tilespmem:$0x1FE40]  }
0x4a: {  	v49 =	vld [tilespmem:$0x1FE50]  }
0x4b: {  	v50 =	vld [tilespmem:$0x1FE60]  }
0x4c: {  	v51 =	vld [tilespmem:$0x1FE70]  }
0x4d: {  	v52 =	vld [tilespmem:$0x1FE80]  }
0x4e: {  	v53 =	vld [tilespmem:$0x1FE90]  }
0x4f: {  	v54 =	vld [tilespmem:$0x1FEA0]  }
0x50: {  	v55 =	vld [tilespmem:$0x1FEB0]  }
0x51: {  	v56 =	vld [tilespmem:$0x1FEC0]  }
0x52: {  	v57 =	vld [tilespmem:$0x1FED0]  }
0x53: {  	v58 =	vld [tilespmem:$0x1FEE0]  }
0x54: {  	v59 =	vld [tilespmem:$0x1FEF0]  }
0x55: {  	v60 =	vld [tilespmem:$0x1FF00]  }
0x56: {  	v61 =	vld [tilespmem:$0x1FF10]  }
0x57: {  	v62 =	vld [tilespmem:$0x1FF20]  }
0x58: {  	v63 =	vld [tilespmem:$0x1FF30]  }
0x59: {  	v25 =	vld [tilespmem:$0x1FF40]  }
0x5a: {  	v26 =	vld [tilespmem:$0x1FF50]  }
0x5b: {  	v27 =	vld [tilespmem:$0x1FF60]  }
0x5c: {  	v28 =	vld [tilespmem:$0x1FF70]  }
0x5d: {  	v29 =	vld [tilespmem:$0x1FF80]  }
0x5e: {  	v30 =	vld [tilespmem:$0x1FF90]  }
0x5f: {  	v31 =	vld [tilespmem:$0x1FFA0]  }
0x60: {  	v32 =	vld [tilespmem:$0x1FFB0]  }
0x61: {  	v33 =	vld [tilespmem:$0x1FFC0]  }
0x62: {  	v34 =	vld [tilespmem:$0x1FFD0]  }
0x63: {  	s12 =	simm.s32 $0x6480;
	[sflag:s9] =	ssyncset.done $0x0;
	v35 =	vld [tilespmem:$0x1FFE0]  }
0x64: {  	s13 =	smov.u32 s6;
	s14 =	simm.s32 $0x0;
	v36 =	vld [tilespmem:$0x1FFF0];
	[sflag:s9] =	ssyncadd.s32 $0xFFFFCE00  }
.LBB2_2:
0x65: {  	v2 =	vadd.s32 s14, v1  }
0x66: {  	v3 =	vadd.s32 s14, v14  }
0x67: {  	v4 =	vadd.s32 s14, v15  }
0x68: {  	v5 =	vadd.s32 s14, v16  }
0x69: {  	v6 =	vadd.s32 s14, v17  }
0x6a: {  	v7 =	vadd.s32 s14, v18;
	v2 =	vld.idx.msk [tilespmem:v2+s3+$0x0], $0xffff  }
0x6b: {  	v9 =	vadd.s32 s14, v20;
	v3 =	vld.idx.msk [tilespmem:v3+s3+$0x0], $0xffff  }
0x6c: {  	v4 =	vld.idx.msk [tilespmem:v4+s3+$0x0], $0xffff  }
0x6d: {  	v10 =	vadd.s32 s14, v21;
	v5 =	vld.idx.msk [tilespmem:v5+s3+$0x0], $0xffff  }
0x6e: {  	v6 =	vld.idx.msk [tilespmem:v6+s3+$0x0], $0xffff  }
0x6f: {  	v8 =	vadd.s32 s14, v19;
	v7 =	vld.idx.msk [tilespmem:v7+s3+$0x0], $0xffff  }
0x70: {  	v11 =	vadd.s32 s14, v22;
	v2 =	vadd.s32 v2, v3;
	v3 =	vld.idx.msk [tilespmem:v9+s3+$0x0], $0xffff  }
0x71: {  	v9 =	vld [tilespmem:$0x1FCD0]  }
0x72: {  	v12 =	vadd.s32 s14, v23;
	v2 =	vadd.s32 v4, v2;
	v4 =	vld.idx.msk [tilespmem:v10+s3+$0x0], $0xffff  }
0x73: {  	v10 =	vld [tilespmem:$0x1FCE0]  }
0x74: {  	v13 =	vadd.s32 s14, v24;
	v8 =	vld.idx.msk [tilespmem:v8+s3+$0x0], $0xffff  }
0x75: {  	v2 =	vadd.s32 v5, v2;
	v5 =	vld.idx.msk [tilespmem:v11+s3+$0x0], $0xffff  }
0x76: {  	v11 =	vld [tilespmem:$0x1FCF0];
	v9 =	vadd.s32 s14, v9  }
0x77: {  	v2 =	vadd.s32 v6, v2;
	v6 =	vld.idx.msk [tilespmem:v12+s3+$0x0], $0xffff  }
0x78: {  	v12 =	vld [tilespmem:$0x1FD00];
	v10 =	vadd.s32 s14, v10  }
0x79: {  	v2 =	vadd.s32 v7, v2;
	v7 =	vld.idx.msk [tilespmem:v13+s3+$0x0], $0xffff  }
0x7a: {  	v13 =	vld [tilespmem:$0x1FD10]  }
0x7b: {  	v2 =	vadd.s32 v8, v2;
	v11 =	vadd.s32 s14, v11;
	v8 =	vld.idx.msk [tilespmem:v9+s3+$0x0], $0xffff  }
0x7c: {  	v9 =	vld [tilespmem:$0x1FD20]  }
0x7d: {  	v2 =	vadd.s32 v3, v2;
	v12 =	vadd.s32 s14, v12;
	v3 =	vld.idx.msk [tilespmem:v10+s3+$0x0], $0xffff  }
0x7e: {  	v10 =	vld [tilespmem:$0x1FD30]  }
0x7f: {  	v13 =	vadd.s32 s14, v13  }
0x80: {  	v2 =	vadd.s32 v4, v2;
	v4 =	vld.idx.msk [tilespmem:v11+s3+$0x0], $0xffff  }
0x81: {  	v11 =	vld [tilespmem:$0x1FD40];
	v9 =	vadd.s32 s14, v9  }
0x82: {  	v2 =	vadd.s32 v5, v2;
	v5 =	vld.idx.msk [tilespmem:v12+s3+$0x0], $0xffff  }
0x83: {  	v12 =	vld [tilespmem:$0x1FD50];
	v10 =	vadd.s32 s14, v10  }
0x84: {  	v2 =	vadd.s32 v6, v2;
	v6 =	vld.idx.msk [tilespmem:v13+s3+$0x0], $0xffff  }
0x85: {  	v13 =	vld [tilespmem:$0x1FD60]  }
0x86: {  	v2 =	vadd.s32 v7, v2;
	v7 =	vld.idx.msk [tilespmem:v9+s3+$0x0], $0xffff  }
0x87: {  	v9 =	vld [tilespmem:$0x1FD70]  }
0x88: {  	v2 =	vadd.s32 v8, v2;
	v8 =	vld.idx.msk [tilespmem:v10+s3+$0x0], $0xffff  }
0x89: {  	v10 =	vld [tilespmem:$0x1FD80]  }
0x8a: {  	v11 =	vadd.s32 s14, v11  }
0x8b: {  	v12 =	vadd.s32 s14, v12  }
0x8c: {  	v13 =	vadd.s32 s14, v13  }
0x8d: {  	v9 =	vadd.s32 s14, v9  }
0x8e: {  	v2 =	vadd.s32 v3, v2;
	v10 =	vadd.s32 s14, v10  }
0x8f: {  	v2 =	vadd.s32 v4, v2;
	v3 =	vld.idx.msk [tilespmem:v11+s3+$0x0], $0xffff;
	v11 =	vadd.s32 s14, v37  }
0x90: {  	v2 =	vadd.s32 v5, v2;
	v4 =	vld.idx.msk [tilespmem:v12+s3+$0x0], $0xffff;
	v12 =	vadd.s32 s14, v38  }
0x91: {  	v2 =	vadd.s32 v6, v2;
	v5 =	vld.idx.msk [tilespmem:v13+s3+$0x0], $0xffff;
	v13 =	vadd.s32 s14, v39  }
0x92: {  	v2 =	vadd.s32 v7, v2;
	v6 =	vld.idx.msk [tilespmem:v9+s3+$0x0], $0xffff;
	v9 =	vadd.s32 s14, v40  }
0x93: {  	v2 =	vadd.s32 v8, v2;
	v7 =	vld.idx.msk [tilespmem:v10+s3+$0x0], $0xffff;
	v10 =	vadd.s32 s14, v41  }
0x94: {  	v8 =	vld.idx.msk [tilespmem:v11+s3+$0x0], $0xffff;
	v11 =	vadd.s32 s14, v42;
	v2 =	vadd.s32 v3, v2  }
0x95: {  	v3 =	vld.idx.msk [tilespmem:v12+s3+$0x0], $0xffff;
	v12 =	vadd.s32 s14, v43;
	v2 =	vadd.s32 v4, v2  }
0x96: {  	v4 =	vld.idx.msk [tilespmem:v13+s3+$0x0], $0xffff;
	v13 =	vadd.s32 s14, v44;
	v2 =	vadd.s32 v5, v2  }
0x97: {  	v5 =	vld.idx.msk [tilespmem:v9+s3+$0x0], $0xffff;
	v9 =	vadd.s32 s14, v45;
	v2 =	vadd.s32 v6, v2  }
0x98: {  	v6 =	vld.idx.msk [tilespmem:v10+s3+$0x0], $0xffff;
	v10 =	vadd.s32 s14, v46;
	v2 =	vadd.s32 v7, v2  }
0x99: {  	v7 =	vld.idx.msk [tilespmem:v11+s3+$0x0], $0xffff;
	v11 =	vadd.s32 s14, v47;
	v2 =	vadd.s32 v8, v2  }
0x9a: {  	v8 =	vld.idx.msk [tilespmem:v12+s3+$0x0], $0xffff;
	v12 =	vadd.s32 s14, v48;
	v2 =	vadd.s32 v3, v2  }
0x9b: {  	v3 =	vld.idx.msk [tilespmem:v13+s3+$0x0], $0xffff;
	v13 =	vadd.s32 s14, v49;
	v2 =	vadd.s32 v4, v2  }
0x9c: {  	v4 =	vld.idx.msk [tilespmem:v9+s3+$0x0], $0xffff;
	v9 =	vadd.s32 s14, v50;
	v2 =	vadd.s32 v5, v2  }
0x9d: {  	v5 =	vld.idx.msk [tilespmem:v10+s3+$0x0], $0xffff;
	v10 =	vadd.s32 s14, v51;
	v2 =	vadd.s32 v6, v2  }
0x9e: {  	v6 =	vld.idx.msk [tilespmem:v11+s3+$0x0], $0xffff;
	v11 =	vadd.s32 s14, v52;
	v2 =	vadd.s32 v7, v2  }
0x9f: {  	v7 =	vld.idx.msk [tilespmem:v12+s3+$0x0], $0xffff;
	v12 =	vadd.s32 s14, v53;
	v2 =	vadd.s32 v8, v2  }
0xa0: {  	v8 =	vld.idx.msk [tilespmem:v13+s3+$0x0], $0xffff;
	v13 =	vadd.s32 s14, v54;
	v2 =	vadd.s32 v3, v2  }
0xa1: {  	v3 =	vld.idx.msk [tilespmem:v9+s3+$0x0], $0xffff;
	v9 =	vadd.s32 s14, v55;
	v2 =	vadd.s32 v4, v2  }
0xa2: {  	v4 =	vld.idx.msk [tilespmem:v10+s3+$0x0], $0xffff;
	v10 =	vadd.s32 s14, v56;
	v2 =	vadd.s32 v5, v2  }
0xa3: {  	v5 =	vld.idx.msk [tilespmem:v11+s3+$0x0], $0xffff;
	v11 =	vadd.s32 s14, v57;
	v2 =	vadd.s32 v6, v2  }
0xa4: {  	v6 =	vld.idx.msk [tilespmem:v12+s3+$0x0], $0xffff;
	v12 =	vadd.s32 s14, v58;
	v2 =	vadd.s32 v7, v2  }
0xa5: {  	v7 =	vld.idx.msk [tilespmem:v13+s3+$0x0], $0xffff;
	v13 =	vadd.s32 s14, v59;
	v2 =	vadd.s32 v8, v2  }
0xa6: {  	v8 =	vld.idx.msk [tilespmem:v9+s3+$0x0], $0xffff;
	v9 =	vadd.s32 s14, v60;
	v2 =	vadd.s32 v3, v2  }
0xa7: {  	v3 =	vld.idx.msk [tilespmem:v10+s3+$0x0], $0xffff;
	v10 =	vadd.s32 s14, v61;
	v2 =	vadd.s32 v4, v2  }
0xa8: {  	v4 =	vld.idx.msk [tilespmem:v11+s3+$0x0], $0xffff;
	v11 =	vadd.s32 s14, v62;
	v2 =	vadd.s32 v5, v2  }
0xa9: {  	v5 =	vld.idx.msk [tilespmem:v12+s3+$0x0], $0xffff;
	v12 =	vadd.s32 s14, v63;
	v2 =	vadd.s32 v6, v2  }
0xaa: {  	v6 =	vld.idx.msk [tilespmem:v13+s3+$0x0], $0xffff;
	v13 =	vadd.s32 s14, v25;
	v2 =	vadd.s32 v7, v2  }
0xab: {  	v7 =	vld.idx.msk [tilespmem:v9+s3+$0x0], $0xffff;
	v9 =	vadd.s32 s14, v26;
	v2 =	vadd.s32 v8, v2  }
0xac: {  	v8 =	vld.idx.msk [tilespmem:v10+s3+$0x0], $0xffff;
	v10 =	vadd.s32 s14, v27;
	v2 =	vadd.s32 v3, v2  }
0xad: {  	v3 =	vld.idx.msk [tilespmem:v11+s3+$0x0], $0xffff;
	v11 =	vadd.s32 s14, v28;
	v2 =	vadd.s32 v4, v2  }
0xae: {  	v4 =	vld.idx.msk [tilespmem:v12+s3+$0x0], $0xffff;
	v12 =	vadd.s32 s14, v29;
	v2 =	vadd.s32 v5, v2  }
0xaf: {  	v5 =	vld.idx.msk [tilespmem:v13+s3+$0x0], $0xffff;
	v13 =	vadd.s32 s14, v30;
	v2 =	vadd.s32 v6, v2  }
0xb0: {  	v6 =	vld.idx.msk [tilespmem:v9+s3+$0x0], $0xffff;
	v9 =	vadd.s32 s14, v31;
	v2 =	vadd.s32 v7, v2  }
0xb1: {  	v7 =	vld.idx.msk [tilespmem:v10+s3+$0x0], $0xffff;
	v10 =	vadd.s32 s14, v32;
	v2 =	vadd.s32 v8, v2  }
0xb2: {  	v8 =	vld.idx.msk [tilespmem:v11+s3+$0x0], $0xffff;
	v11 =	vadd.s32 s14, v33;
	v2 =	vadd.s32 v3, v2  }
0xb3: {  	v3 =	vld.idx.msk [tilespmem:v12+s3+$0x0], $0xffff;
	v12 =	vadd.s32 s14, v34;
	v2 =	vadd.s32 v4, v2  }
0xb4: {  	v4 =	vld.idx.msk [tilespmem:v13+s3+$0x0], $0xffff;
	v13 =	vadd.s32 s14, v35;
	v2 =	vadd.s32 v5, v2  }
0xb5: {  	v5 =	vld.idx.msk [tilespmem:v9+s3+$0x0], $0xffff;
	v9 =	vadd.s32 s14, v36;
	v2 =	vadd.s32 v6, v2;
	v6 =	vadd.s32 $0x3F, v1  }
0xb6: {  	v10 =	vld.idx.msk [tilespmem:v10+s3+$0x0], $0xffff;
	v6 =	vadd.s32 s14, v6;
	v2 =	vadd.s32 v7, v2;
	v7 =	vadd.s32 $0x40, v1  }
0xb7: {  	v11 =	vld.idx.msk [tilespmem:v11+s3+$0x0], $0xffff;
	v7 =	vadd.s32 s14, v7;
	v2 =	vadd.s32 v8, v2;
	v8 =	vadd.s32 $0x41, v1  }
0xb8: {  	v12 =	vld.idx.msk [tilespmem:v12+s3+$0x0], $0xffff;
	v8 =	vadd.s32 s14, v8;
	v2 =	vadd.s32 v3, v2;
	v3 =	vadd.s32 $0x42, v1  }
0xb9: {  	v13 =	vld.idx.msk [tilespmem:v13+s3+$0x0], $0xffff;
	v3 =	vadd.s32 s14, v3;
	v2 =	vadd.s32 v4, v2;
	v4 =	vadd.s32 $0x43, v1  }
0xba: {  	v9 =	vld.idx.msk [tilespmem:v9+s3+$0x0], $0xffff;
	v4 =	vadd.s32 s14, v4;
	v2 =	vadd.s32 v5, v2;
	v5 =	vadd.s32 $0x44, v1  }
0xbb: {  	v6 =	vld.idx.msk [tilespmem:v6+s3+$0x0], $0xffff;
	v5 =	vadd.s32 s14, v5;
	v2 =	vadd.s32 v10, v2;
	v10 =	vadd.s32 $0x45, v1  }
0xbc: {  	v7 =	vld.idx.msk [tilespmem:v7+s3+$0x0], $0xffff;
	v10 =	vadd.s32 s14, v10;
	v2 =	vadd.s32 v11, v2;
	v11 =	vadd.s32 $0x46, v1  }
0xbd: {  	v8 =	vld.idx.msk [tilespmem:v8+s3+$0x0], $0xffff;
	v11 =	vadd.s32 s14, v11;
	v2 =	vadd.s32 v12, v2;
	v12 =	vadd.s32 $0x47, v1  }
0xbe: {  	v3 =	vld.idx.msk [tilespmem:v3+s3+$0x0], $0xffff;
	v12 =	vadd.s32 s14, v12;
	v2 =	vadd.s32 v13, v2;
	v13 =	vadd.s32 $0x48, v1  }
0xbf: {  	v4 =	vld.idx.msk [tilespmem:v4+s3+$0x0], $0xffff;
	v13 =	vadd.s32 s14, v13;
	v2 =	vadd.s32 v9, v2;
	v9 =	vadd.s32 $0x49, v1  }
0xc0: {  	v5 =	vld.idx.msk [tilespmem:v5+s3+$0x0], $0xffff;
	v9 =	vadd.s32 s14, v9;
	v2 =	vadd.s32 v6, v2;
	v6 =	vadd.s32 $0x4A, v1  }
0xc1: {  	v10 =	vld.idx.msk [tilespmem:v10+s3+$0x0], $0xffff;
	v6 =	vadd.s32 s14, v6;
	v2 =	vadd.s32 v7, v2;
	v7 =	vadd.s32 $0x4B, v1  }
0xc2: {  	v11 =	vld.idx.msk [tilespmem:v11+s3+$0x0], $0xffff;
	v7 =	vadd.s32 s14, v7;
	v2 =	vadd.s32 v8, v2;
	v8 =	vadd.s32 $0x4C, v1  }
0xc3: {  	v12 =	vld.idx.msk [tilespmem:v12+s3+$0x0], $0xffff;
	v8 =	vadd.s32 s14, v8;
	v2 =	vadd.s32 v3, v2;
	v3 =	vadd.s32 $0x4D, v1  }
0xc4: {  	v13 =	vld.idx.msk [tilespmem:v13+s3+$0x0], $0xffff;
	v3 =	vadd.s32 s14, v3;
	v2 =	vadd.s32 v4, v2;
	v4 =	vadd.s32 $0x4E, v1  }
0xc5: {  	v9 =	vld.idx.msk [tilespmem:v9+s3+$0x0], $0xffff;
	v4 =	vadd.s32 s14, v4;
	v2 =	vadd.s32 v5, v2;
	v5 =	vadd.s32 $0x4F, v1  }
0xc6: {  	v6 =	vld.idx.msk [tilespmem:v6+s3+$0x0], $0xffff;
	v5 =	vadd.s32 s14, v5;
	v2 =	vadd.s32 v10, v2;
	v10 =	vadd.s32 $0x50, v1  }
0xc7: {  	v7 =	vld.idx.msk [tilespmem:v7+s3+$0x0], $0xffff;
	v10 =	vadd.s32 s14, v10;
	v2 =	vadd.s32 v11, v2;
	v11 =	vadd.s32 $0x51, v1  }
0xc8: {  	v8 =	vld.idx.msk [tilespmem:v8+s3+$0x0], $0xffff;
	v11 =	vadd.s32 s14, v11;
	v2 =	vadd.s32 v12, v2;
	v12 =	vadd.s32 $0x52, v1  }
0xc9: {  	v3 =	vld.idx.msk [tilespmem:v3+s3+$0x0], $0xffff;
	v12 =	vadd.s32 s14, v12;
	v2 =	vadd.s32 v13, v2;
	v13 =	vadd.s32 $0x53, v1  }
0xca: {  	v4 =	vld.idx.msk [tilespmem:v4+s3+$0x0], $0xffff;
	v13 =	vadd.s32 s14, v13;
	v2 =	vadd.s32 v9, v2;
	v9 =	vadd.s32 $0x54, v1  }
0xcb: {  	v5 =	vld.idx.msk [tilespmem:v5+s3+$0x0], $0xffff;
	v9 =	vadd.s32 s14, v9;
	v2 =	vadd.s32 v6, v2;
	v6 =	vadd.s32 $0x55, v1  }
0xcc: {  	v10 =	vld.idx.msk [tilespmem:v10+s3+$0x0], $0xffff;
	v6 =	vadd.s32 s14, v6;
	v2 =	vadd.s32 v7, v2;
	v7 =	vadd.s32 $0x56, v1  }
0xcd: {  	v11 =	vld.idx.msk [tilespmem:v11+s3+$0x0], $0xffff;
	v7 =	vadd.s32 s14, v7;
	v2 =	vadd.s32 v8, v2;
	v8 =	vadd.s32 $0x57, v1  }
0xce: {  	v12 =	vld.idx.msk [tilespmem:v12+s3+$0x0], $0xffff;
	v8 =	vadd.s32 s14, v8;
	v2 =	vadd.s32 v3, v2;
	v3 =	vadd.s32 $0x58, v1  }
0xcf: {  	v13 =	vld.idx.msk [tilespmem:v13+s3+$0x0], $0xffff;
	v3 =	vadd.s32 s14, v3;
	v2 =	vadd.s32 v4, v2;
	v4 =	vadd.s32 $0x59, v1  }
0xd0: {  	v9 =	vld.idx.msk [tilespmem:v9+s3+$0x0], $0xffff;
	v4 =	vadd.s32 s14, v4;
	v2 =	vadd.s32 v5, v2;
	v5 =	vadd.s32 $0x5A, v1  }
0xd1: {  	v6 =	vld.idx.msk [tilespmem:v6+s3+$0x0], $0xffff;
	v5 =	vadd.s32 s14, v5;
	v2 =	vadd.s32 v10, v2;
	v10 =	vadd.s32 $0x5B, v1  }
0xd2: {  	v7 =	vld.idx.msk [tilespmem:v7+s3+$0x0], $0xffff;
	v10 =	vadd.s32 s14, v10;
	v2 =	vadd.s32 v11, v2;
	v11 =	vadd.s32 $0x5C, v1  }
0xd3: {  	v8 =	vld.idx.msk [tilespmem:v8+s3+$0x0], $0xffff;
	v11 =	vadd.s32 s14, v11;
	v2 =	vadd.s32 v12, v2;
	v12 =	vadd.s32 $0x5D, v1  }
0xd4: {  	v3 =	vld.idx.msk [tilespmem:v3+s3+$0x0], $0xffff;
	v12 =	vadd.s32 s14, v12;
	v2 =	vadd.s32 v13, v2;
	v13 =	vadd.s32 $0x5E, v1  }
0xd5: {  	v4 =	vld.idx.msk [tilespmem:v4+s3+$0x0], $0xffff;
	v13 =	vadd.s32 s14, v13;
	v2 =	vadd.s32 v9, v2;
	v9 =	vadd.s32 $0x5F, v1  }
0xd6: {  	v5 =	vld.idx.msk [tilespmem:v5+s3+$0x0], $0xffff;
	v9 =	vadd.s32 s14, v9;
	v2 =	vadd.s32 v6, v2;
	v6 =	vadd.s32 $0x60, v1  }
0xd7: {  	v10 =	vld.idx.msk [tilespmem:v10+s3+$0x0], $0xffff;
	v6 =	vadd.s32 s14, v6;
	v2 =	vadd.s32 v7, v2;
	v7 =	vadd.s32 $0x61, v1  }
0xd8: {  	v11 =	vld.idx.msk [tilespmem:v11+s3+$0x0], $0xffff;
	v7 =	vadd.s32 s14, v7;
	v2 =	vadd.s32 v8, v2;
	v8 =	vadd.s32 $0x62, v1  }
0xd9: {  	v12 =	vld.idx.msk [tilespmem:v12+s3+$0x0], $0xffff;
	v8 =	vadd.s32 s14, v8;
	v2 =	vadd.s32 v3, v2;
	v3 =	vadd.s32 $0x63, v1  }
0xda: {  	v2 =	vadd.s32 v4, v2;
	v4 =	vld.idx.msk [tilespmem:v13+s3+$0x0], $0xffff;
	v3 =	vadd.s32 s14, v3  }
0xdb: {  	v9 =	vld.idx.msk [tilespmem:v9+s3+$0x0], $0xffff;
	v2 =	vadd.s32 v5, v2  }
0xdc: {  	v5 =	vld.idx.msk [tilespmem:v6+s3+$0x0], $0xffff;
	v2 =	vadd.s32 v10, v2  }
0xdd: {  	v10 =	vld.idx.msk [tilespmem:v7+s3+$0x0], $0xffff;
	v2 =	vadd.s32 v11, v2  }
0xde: {  	v11 =	vld.idx.msk [tilespmem:v8+s3+$0x0], $0xffff;
	v2 =	vadd.s32 v12, v2  }
0xdf: {  	v3 =	vld.idx.msk [tilespmem:v3+s3+$0x0], $0xffff;
	v2 =	vadd.s32 v4, v2  }
0xe0: {  	v2 =	vadd.s32 v9, v2  }
0xe1: {  	v2 =	vadd.s32 v5, v2  }
0xe2: {  	v2 =	vadd.s32 v10, v2  }
0xe3: {  	v2 =	vadd.s32 v11, v2  }
0xe4: {  	v2 =	vadd.s32 v3, v2  }
0xe5: {  	v3 =	vshll.u32 v2, $0x7  }
0xe6: {  	v10 =	vbroadcast v3, $0x0;
	_ =	sdelay $0x1  }
0xe7: {  	v2 =	vor.u32 v0, v10;
	_ =	sdelay $0x4  }
0xe8: {  	v8 =	vld.idx.msk [tilespmem:v2+s7+$0x0], $0xffff;
	v2 =	vor.u32 $0x10, v0  }
0xe9: {  	v9 =	vor.u32 v2, v10;
	_ =	sdelay $0x3  }
0xea: {  	[tilespmem:s12+$0x0] =	vst v8  }
0xeb: {  	v4 =	vor.u32 $0x20, v0;
	v5 =	vld.idx.msk [tilespmem:v9+s7+$0x0], $0xffff  }
0xec: {  	v11 =	vor.u32 v4, v10;
	_ =	sdelay $0x3  }
0xed: {  	[tilespmem:s12+$0x10] =	vst v5  }
0xee: {  	v5 =	vor.u32 $0x30, v0;
	v6 =	vld.idx.msk [tilespmem:v11+s7+$0x0], $0xffff  }
0xef: {  	v9 =	vor.u32 v5, v10;
	_ =	sdelay $0x3  }
0xf0: {  	[tilespmem:s12+$0x20] =	vst v6  }
0xf1: {  	v6 =	vor.u32 $0x40, v0;
	v7 =	vld.idx.msk [tilespmem:v9+s7+$0x0], $0xffff  }
0xf2: {  	v8 =	vor.u32 v6, v10;
	_ =	sdelay $0x3  }
0xf3: {  	[tilespmem:s12+$0x30] =	vst v7  }
0xf4: {  	v7 =	vor.u32 $0x50, v0;
	v8 =	vld.idx.msk [tilespmem:v8+s7+$0x0], $0xffff  }
0xf5: {  	v9 =	vor.u32 v7, v10;
	_ =	sdelay $0x3  }
0xf6: {  	[tilespmem:s12+$0x40] =	vst v8  }
0xf7: {  	v8 =	vor.u32 $0x60, v0;
	v9 =	vld.idx.msk [tilespmem:v9+s7+$0x0], $0xffff  }
0xf8: {  	v11 =	vor.u32 v8, v10;
	_ =	sdelay $0x3  }
0xf9: {  	[tilespmem:s12+$0x50] =	vst v9  }
0xfa: {  	v9 =	vor.u32 $0x70, v0;
	v11 =	vld.idx.msk [tilespmem:v11+s7+$0x0], $0xffff  }
0xfb: {  	v10 =	vor.u32 v9, v10;
	_ =	sdelay $0x3  }
0xfc: {  	[tilespmem:s12+$0x60] =	vst v11;
	v11 =	vbroadcast v3, $0x1  }
0xfd: {  	v10 =	vld.idx.msk [tilespmem:v10+s7+$0x0], $0xffff  }
0xfe: {  	v12 =	vor.u32 v0, v11;
	_ =	sdelay $0x3  }
0xff: {  	[tilespmem:s12+$0x70] =	vst v10  }
0x100: {  	v10 =	vld.idx.msk [tilespmem:v12+s7+$0x0], $0xffff  }
0x101: {  	v12 =	vor.u32 v2, v11;
	_ =	sdelay $0x3  }
0x102: {  	[tilespmem:s12+$0x80] =	vst v10  }
0x103: {  	v10 =	vld.idx.msk [tilespmem:v12+s7+$0x0], $0xffff  }
0x104: {  	v12 =	vor.u32 v4, v11;
	_ =	sdelay $0x3  }
0x105: {  	[tilespmem:s12+$0x90] =	vst v10  }
0x106: {  	v10 =	vld.idx.msk [tilespmem:v12+s7+$0x0], $0xffff  }
0x107: {  	v12 =	vor.u32 v5, v11;
	_ =	sdelay $0x3  }
0x108: {  	[tilespmem:s12+$0xA0] =	vst v10  }
0x109: {  	v10 =	vld.idx.msk [tilespmem:v12+s7+$0x0], $0xffff  }
0x10a: {  	v12 =	vor.u32 v6, v11;
	_ =	sdelay $0x3  }
0x10b: {  	[tilespmem:s12+$0xB0] =	vst v10  }
0x10c: {  	v10 =	vld.idx.msk [tilespmem:v12+s7+$0x0], $0xffff  }
0x10d: {  	v12 =	vor.u32 v7, v11;
	_ =	sdelay $0x3  }
0x10e: {  	[tilespmem:s12+$0xC0] =	vst v10  }
0x10f: {  	v10 =	vld.idx.msk [tilespmem:v12+s7+$0x0], $0xffff  }
0x110: {  	v12 =	vor.u32 v8, v11;
	_ =	sdelay $0x3  }
0x111: {  	[tilespmem:s12+$0xD0] =	vst v10  }
0x112: {  	v10 =	vld.idx.msk [tilespmem:v12+s7+$0x0], $0xffff  }
0x113: {  	v11 =	vor.u32 v9, v11;
	_ =	sdelay $0x3  }
0x114: {  	[tilespmem:s12+$0xE0] =	vst v10;
	v10 =	vbroadcast v3, $0x2  }
0x115: {  	v11 =	vld.idx.msk [tilespmem:v11+s7+$0x0], $0xffff  }
0x116: {  	v12 =	vor.u32 v0, v10;
	_ =	sdelay $0x3  }
0x117: {  	[tilespmem:s12+$0xF0] =	vst v11  }
0x118: {  	v11 =	vld.idx.msk [tilespmem:v12+s7+$0x0], $0xffff  }
0x119: {  	v12 =	vor.u32 v2, v10;
	_ =	sdelay $0x3  }
0x11a: {  	[tilespmem:s12+$0x100] =	vst v11  }
0x11b: {  	v11 =	vld.idx.msk [tilespmem:v12+s7+$0x0], $0xffff  }
0x11c: {  	v12 =	vor.u32 v4, v10;
	_ =	sdelay $0x3  }
0x11d: {  	[tilespmem:s12+$0x110] =	vst v11  }
0x11e: {  	v11 =	vld.idx.msk [tilespmem:v12+s7+$0x0], $0xffff  }
0x11f: {  	v12 =	vor.u32 v5, v10;
	_ =	sdelay $0x3  }
0x120: {  	[tilespmem:s12+$0x120] =	vst v11  }
0x121: {  	v11 =	vld.idx.msk [tilespmem:v12+s7+$0x0], $0xffff  }
0x122: {  	v12 =	vor.u32 v6, v10;
	_ =	sdelay $0x3  }
0x123: {  	[tilespmem:s12+$0x130] =	vst v11  }
0x124: {  	v11 =	vld.idx.msk [tilespmem:v12+s7+$0x0], $0xffff  }
0x125: {  	v12 =	vor.u32 v7, v10;
	_ =	sdelay $0x3  }
0x126: {  	[tilespmem:s12+$0x140] =	vst v11  }
0x127: {  	v11 =	vld.idx.msk [tilespmem:v12+s7+$0x0], $0xffff  }
0x128: {  	v12 =	vor.u32 v8, v10;
	_ =	sdelay $0x3  }
0x129: {  	[tilespmem:s12+$0x150] =	vst v11  }
0x12a: {  	v11 =	vld.idx.msk [tilespmem:v12+s7+$0x0], $0xffff  }
0x12b: {  	v10 =	vor.u32 v9, v10;
	_ =	sdelay $0x3  }
0x12c: {  	[tilespmem:s12+$0x160] =	vst v11;
	v11 =	vbroadcast v3, $0x3  }
0x12d: {  	v10 =	vld.idx.msk [tilespmem:v10+s7+$0x0], $0xffff  }
0x12e: {  	v12 =	vor.u32 v0, v11;
	_ =	sdelay $0x3  }
0x12f: {  	[tilespmem:s12+$0x170] =	vst v10  }
0x130: {  	v10 =	vld.idx.msk [tilespmem:v12+s7+$0x0], $0xffff  }
0x131: {  	v12 =	vor.u32 v2, v11;
	_ =	sdelay $0x3  }
0x132: {  	[tilespmem:s12+$0x180] =	vst v10  }
0x133: {  	v10 =	vld.idx.msk [tilespmem:v12+s7+$0x0], $0xffff  }
0x134: {  	v12 =	vor.u32 v4, v11;
	_ =	sdelay $0x3  }
0x135: {  	[tilespmem:s12+$0x190] =	vst v10  }
0x136: {  	v10 =	vld.idx.msk [tilespmem:v12+s7+$0x0], $0xffff  }
0x137: {  	v12 =	vor.u32 v5, v11;
	_ =	sdelay $0x3  }
0x138: {  	[tilespmem:s12+$0x1A0] =	vst v10  }
0x139: {  	v10 =	vld.idx.msk [tilespmem:v12+s7+$0x0], $0xffff  }
0x13a: {  	v12 =	vor.u32 v6, v11;
	_ =	sdelay $0x3  }
0x13b: {  	[tilespmem:s12+$0x1B0] =	vst v10  }
0x13c: {  	v10 =	vld.idx.msk [tilespmem:v12+s7+$0x0], $0xffff  }
0x13d: {  	v12 =	vor.u32 v7, v11;
	_ =	sdelay $0x3  }
0x13e: {  	[tilespmem:s12+$0x1C0] =	vst v10  }
0x13f: {  	v10 =	vld.idx.msk [tilespmem:v12+s7+$0x0], $0xffff  }
0x140: {  	v12 =	vor.u32 v8, v11;
	_ =	sdelay $0x3  }
0x141: {  	[tilespmem:s12+$0x1D0] =	vst v10  }
0x142: {  	v10 =	vld.idx.msk [tilespmem:v12+s7+$0x0], $0xffff  }
0x143: {  	v11 =	vor.u32 v9, v11;
	_ =	sdelay $0x3  }
0x144: {  	[tilespmem:s12+$0x1E0] =	vst v10;
	v10 =	vbroadcast v3, $0x4  }
0x145: {  	v11 =	vld.idx.msk [tilespmem:v11+s7+$0x0], $0xffff  }
0x146: {  	v12 =	vor.u32 v0, v10;
	_ =	sdelay $0x3  }
0x147: {  	[tilespmem:s12+$0x1F0] =	vst v11  }
0x148: {  	v11 =	vld.idx.msk [tilespmem:v12+s7+$0x0], $0xffff  }
0x149: {  	v12 =	vor.u32 v2, v10;
	_ =	sdelay $0x3  }
0x14a: {  	[tilespmem:s12+$0x200] =	vst v11  }
0x14b: {  	v11 =	vld.idx.msk [tilespmem:v12+s7+$0x0], $0xffff  }
0x14c: {  	v12 =	vor.u32 v4, v10;
	_ =	sdelay $0x3  }
0x14d: {  	[tilespmem:s12+$0x210] =	vst v11  }
0x14e: {  	v11 =	vld.idx.msk [tilespmem:v12+s7+$0x0], $0xffff  }
0x14f: {  	v12 =	vor.u32 v5, v10;
	_ =	sdelay $0x3  }
0x150: {  	[tilespmem:s12+$0x220] =	vst v11  }
0x151: {  	v11 =	vld.idx.msk [tilespmem:v12+s7+$0x0], $0xffff  }
0x152: {  	v12 =	vor.u32 v6, v10;
	_ =	sdelay $0x3  }
0x153: {  	[tilespmem:s12+$0x230] =	vst v11  }
0x154: {  	v11 =	vld.idx.msk [tilespmem:v12+s7+$0x0], $0xffff  }
0x155: {  	v12 =	vor.u32 v7, v10;
	_ =	sdelay $0x3  }
0x156: {  	[tilespmem:s12+$0x240] =	vst v11  }
0x157: {  	v11 =	vld.idx.msk [tilespmem:v12+s7+$0x0], $0xffff  }
0x158: {  	v12 =	vor.u32 v8, v10;
	_ =	sdelay $0x3  }
0x159: {  	[tilespmem:s12+$0x250] =	vst v11  }
0x15a: {  	v11 =	vld.idx.msk [tilespmem:v12+s7+$0x0], $0xffff  }
0x15b: {  	v10 =	vor.u32 v9, v10;
	_ =	sdelay $0x3  }
0x15c: {  	[tilespmem:s12+$0x260] =	vst v11;
	v11 =	vbroadcast v3, $0x5  }
0x15d: {  	v10 =	vld.idx.msk [tilespmem:v10+s7+$0x0], $0xffff  }
0x15e: {  	v12 =	vor.u32 v0, v11;
	_ =	sdelay $0x3  }
0x15f: {  	[tilespmem:s12+$0x270] =	vst v10  }
0x160: {  	v10 =	vld.idx.msk [tilespmem:v12+s7+$0x0], $0xffff  }
0x161: {  	v12 =	vor.u32 v2, v11;
	_ =	sdelay $0x3  }
0x162: {  	[tilespmem:s12+$0x280] =	vst v10  }
0x163: {  	v10 =	vld.idx.msk [tilespmem:v12+s7+$0x0], $0xffff  }
0x164: {  	v12 =	vor.u32 v4, v11;
	_ =	sdelay $0x3  }
0x165: {  	[tilespmem:s12+$0x290] =	vst v10  }
0x166: {  	v10 =	vld.idx.msk [tilespmem:v12+s7+$0x0], $0xffff  }
0x167: {  	v12 =	vor.u32 v5, v11;
	_ =	sdelay $0x3  }
0x168: {  	[tilespmem:s12+$0x2A0] =	vst v10  }
0x169: {  	v10 =	vld.idx.msk [tilespmem:v12+s7+$0x0], $0xffff  }
0x16a: {  	v12 =	vor.u32 v6, v11;
	_ =	sdelay $0x3  }
0x16b: {  	[tilespmem:s12+$0x2B0] =	vst v10  }
0x16c: {  	v10 =	vld.idx.msk [tilespmem:v12+s7+$0x0], $0xffff  }
0x16d: {  	v12 =	vor.u32 v7, v11;
	_ =	sdelay $0x3  }
0x16e: {  	[tilespmem:s12+$0x2C0] =	vst v10  }
0x16f: {  	v10 =	vld.idx.msk [tilespmem:v12+s7+$0x0], $0xffff  }
0x170: {  	v12 =	vor.u32 v8, v11;
	_ =	sdelay $0x3  }
0x171: {  	[tilespmem:s12+$0x2D0] =	vst v10  }
0x172: {  	v10 =	vld.idx.msk [tilespmem:v12+s7+$0x0], $0xffff  }
0x173: {  	v11 =	vor.u32 v9, v11;
	_ =	sdelay $0x3  }
0x174: {  	[tilespmem:s12+$0x2E0] =	vst v10;
	v10 =	vbroadcast v3, $0x6  }
0x175: {  	v11 =	vld.idx.msk [tilespmem:v11+s7+$0x0], $0xffff  }
0x176: {  	v12 =	vor.u32 v0, v10;
	_ =	sdelay $0x3  }
0x177: {  	[tilespmem:s12+$0x2F0] =	vst v11  }
0x178: {  	v11 =	vld.idx.msk [tilespmem:v12+s7+$0x0], $0xffff  }
0x179: {  	v12 =	vor.u32 v2, v10;
	_ =	sdelay $0x3  }
0x17a: {  	[tilespmem:s12+$0x300] =	vst v11  }
0x17b: {  	v11 =	vld.idx.msk [tilespmem:v12+s7+$0x0], $0xffff  }
0x17c: {  	v12 =	vor.u32 v4, v10;
	_ =	sdelay $0x3  }
0x17d: {  	[tilespmem:s12+$0x310] =	vst v11  }
0x17e: {  	v11 =	vld.idx.msk [tilespmem:v12+s7+$0x0], $0xffff  }
0x17f: {  	v12 =	vor.u32 v5, v10;
	_ =	sdelay $0x3  }
0x180: {  	[tilespmem:s12+$0x320] =	vst v11  }
0x181: {  	v11 =	vld.idx.msk [tilespmem:v12+s7+$0x0], $0xffff  }
0x182: {  	v12 =	vor.u32 v6, v10;
	_ =	sdelay $0x3  }
0x183: {  	[tilespmem:s12+$0x330] =	vst v11  }
0x184: {  	v11 =	vld.idx.msk [tilespmem:v12+s7+$0x0], $0xffff  }
0x185: {  	v12 =	vor.u32 v7, v10;
	_ =	sdelay $0x3  }
0x186: {  	[tilespmem:s12+$0x340] =	vst v11  }
0x187: {  	v11 =	vld.idx.msk [tilespmem:v12+s7+$0x0], $0xffff  }
0x188: {  	v12 =	vor.u32 v8, v10;
	_ =	sdelay $0x3  }
0x189: {  	[tilespmem:s12+$0x350] =	vst v11  }
0x18a: {  	v11 =	vld.idx.msk [tilespmem:v12+s7+$0x0], $0xffff  }
0x18b: {  	v10 =	vor.u32 v9, v10;
	_ =	sdelay $0x3  }
0x18c: {  	[tilespmem:s12+$0x360] =	vst v11;
	v11 =	vbroadcast v3, $0x7  }
0x18d: {  	v10 =	vld.idx.msk [tilespmem:v10+s7+$0x0], $0xffff  }
0x18e: {  	v12 =	vor.u32 v0, v11;
	_ =	sdelay $0x3  }
0x18f: {  	[tilespmem:s12+$0x370] =	vst v10  }
0x190: {  	v10 =	vld.idx.msk [tilespmem:v12+s7+$0x0], $0xffff  }
0x191: {  	v12 =	vor.u32 v2, v11;
	_ =	sdelay $0x3  }
0x192: {  	[tilespmem:s12+$0x380] =	vst v10  }
0x193: {  	v10 =	vld.idx.msk [tilespmem:v12+s7+$0x0], $0xffff  }
0x194: {  	v12 =	vor.u32 v4, v11;
	_ =	sdelay $0x3  }
0x195: {  	[tilespmem:s12+$0x390] =	vst v10  }
0x196: {  	v10 =	vld.idx.msk [tilespmem:v12+s7+$0x0], $0xffff  }
0x197: {  	v12 =	vor.u32 v5, v11;
	_ =	sdelay $0x3  }
0x198: {  	[tilespmem:s12+$0x3A0] =	vst v10  }
0x199: {  	v10 =	vld.idx.msk [tilespmem:v12+s7+$0x0], $0xffff  }
0x19a: {  	v12 =	vor.u32 v6, v11;
	_ =	sdelay $0x3  }
0x19b: {  	[tilespmem:s12+$0x3B0] =	vst v10  }
0x19c: {  	v10 =	vld.idx.msk [tilespmem:v12+s7+$0x0], $0xffff  }
0x19d: {  	v12 =	vor.u32 v7, v11;
	_ =	sdelay $0x3  }
0x19e: {  	[tilespmem:s12+$0x3C0] =	vst v10  }
0x19f: {  	v10 =	vld.idx.msk [tilespmem:v12+s7+$0x0], $0xffff  }
0x1a0: {  	v12 =	vor.u32 v8, v11;
	_ =	sdelay $0x3  }
0x1a1: {  	[tilespmem:s12+$0x3D0] =	vst v10  }
0x1a2: {  	v10 =	vld.idx.msk [tilespmem:v12+s7+$0x0], $0xffff  }
0x1a3: {  	v11 =	vor.u32 v9, v11;
	_ =	sdelay $0x3  }
0x1a4: {  	[tilespmem:s12+$0x3E0] =	vst v10;
	v10 =	vbroadcast v3, $0x8  }
0x1a5: {  	v11 =	vld.idx.msk [tilespmem:v11+s7+$0x0], $0xffff  }
0x1a6: {  	v12 =	vor.u32 v0, v10;
	_ =	sdelay $0x3  }
0x1a7: {  	[tilespmem:s12+$0x3F0] =	vst v11  }
0x1a8: {  	v11 =	vld.idx.msk [tilespmem:v12+s7+$0x0], $0xffff  }
0x1a9: {  	v12 =	vor.u32 v2, v10;
	_ =	sdelay $0x3  }
0x1aa: {  	[tilespmem:s12+$0x400] =	vst v11  }
0x1ab: {  	v11 =	vld.idx.msk [tilespmem:v12+s7+$0x0], $0xffff  }
0x1ac: {  	v12 =	vor.u32 v4, v10;
	_ =	sdelay $0x3  }
0x1ad: {  	[tilespmem:s12+$0x410] =	vst v11  }
0x1ae: {  	v11 =	vld.idx.msk [tilespmem:v12+s7+$0x0], $0xffff  }
0x1af: {  	v12 =	vor.u32 v5, v10;
	_ =	sdelay $0x3  }
0x1b0: {  	[tilespmem:s12+$0x420] =	vst v11  }
0x1b1: {  	v11 =	vld.idx.msk [tilespmem:v12+s7+$0x0], $0xffff  }
0x1b2: {  	v12 =	vor.u32 v6, v10;
	_ =	sdelay $0x3  }
0x1b3: {  	[tilespmem:s12+$0x430] =	vst v11  }
0x1b4: {  	v11 =	vld.idx.msk [tilespmem:v12+s7+$0x0], $0xffff  }
0x1b5: {  	v12 =	vor.u32 v7, v10;
	_ =	sdelay $0x3  }
0x1b6: {  	[tilespmem:s12+$0x440] =	vst v11  }
0x1b7: {  	v11 =	vld.idx.msk [tilespmem:v12+s7+$0x0], $0xffff  }
0x1b8: {  	v12 =	vor.u32 v8, v10;
	_ =	sdelay $0x3  }
0x1b9: {  	[tilespmem:s12+$0x450] =	vst v11  }
0x1ba: {  	v11 =	vld.idx.msk [tilespmem:v12+s7+$0x0], $0xffff  }
0x1bb: {  	v10 =	vor.u32 v9, v10;
	_ =	sdelay $0x3  }
0x1bc: {  	[tilespmem:s12+$0x460] =	vst v11;
	v11 =	vbroadcast v3, $0x9  }
0x1bd: {  	v10 =	vld.idx.msk [tilespmem:v10+s7+$0x0], $0xffff  }
0x1be: {  	v12 =	vor.u32 v0, v11;
	_ =	sdelay $0x3  }
0x1bf: {  	[tilespmem:s12+$0x470] =	vst v10  }
0x1c0: {  	v10 =	vld.idx.msk [tilespmem:v12+s7+$0x0], $0xffff  }
0x1c1: {  	v12 =	vor.u32 v2, v11;
	_ =	sdelay $0x3  }
0x1c2: {  	[tilespmem:s12+$0x480] =	vst v10  }
0x1c3: {  	v10 =	vld.idx.msk [tilespmem:v12+s7+$0x0], $0xffff  }
0x1c4: {  	v12 =	vor.u32 v4, v11;
	_ =	sdelay $0x3  }
0x1c5: {  	[tilespmem:s12+$0x490] =	vst v10  }
0x1c6: {  	v10 =	vld.idx.msk [tilespmem:v12+s7+$0x0], $0xffff  }
0x1c7: {  	v12 =	vor.u32 v5, v11;
	_ =	sdelay $0x3  }
0x1c8: {  	[tilespmem:s12+$0x4A0] =	vst v10  }
0x1c9: {  	v10 =	vld.idx.msk [tilespmem:v12+s7+$0x0], $0xffff  }
0x1ca: {  	v12 =	vor.u32 v6, v11;
	_ =	sdelay $0x3  }
0x1cb: {  	[tilespmem:s12+$0x4B0] =	vst v10  }
0x1cc: {  	v10 =	vld.idx.msk [tilespmem:v12+s7+$0x0], $0xffff  }
0x1cd: {  	v12 =	vor.u32 v7, v11;
	_ =	sdelay $0x3  }
0x1ce: {  	[tilespmem:s12+$0x4C0] =	vst v10  }
0x1cf: {  	v10 =	vld.idx.msk [tilespmem:v12+s7+$0x0], $0xffff  }
0x1d0: {  	v12 =	vor.u32 v8, v11;
	_ =	sdelay $0x3  }
0x1d1: {  	[tilespmem:s12+$0x4D0] =	vst v10  }
0x1d2: {  	v10 =	vld.idx.msk [tilespmem:v12+s7+$0x0], $0xffff  }
0x1d3: {  	v11 =	vor.u32 v9, v11;
	_ =	sdelay $0x3  }
0x1d4: {  	[tilespmem:s12+$0x4E0] =	vst v10;
	v10 =	vbroadcast v3, $0xA  }
0x1d5: {  	v11 =	vld.idx.msk [tilespmem:v11+s7+$0x0], $0xffff  }
0x1d6: {  	v12 =	vor.u32 v0, v10;
	_ =	sdelay $0x3  }
0x1d7: {  	[tilespmem:s12+$0x4F0] =	vst v11  }
0x1d8: {  	v11 =	vld.idx.msk [tilespmem:v12+s7+$0x0], $0xffff  }
0x1d9: {  	v12 =	vor.u32 v2, v10;
	_ =	sdelay $0x3  }
0x1da: {  	[tilespmem:s12+$0x500] =	vst v11  }
0x1db: {  	v11 =	vld.idx.msk [tilespmem:v12+s7+$0x0], $0xffff  }
0x1dc: {  	v12 =	vor.u32 v4, v10;
	_ =	sdelay $0x3  }
0x1dd: {  	[tilespmem:s12+$0x510] =	vst v11  }
0x1de: {  	v11 =	vld.idx.msk [tilespmem:v12+s7+$0x0], $0xffff  }
0x1df: {  	v12 =	vor.u32 v5, v10;
	_ =	sdelay $0x3  }
0x1e0: {  	[tilespmem:s12+$0x520] =	vst v11  }
0x1e1: {  	v11 =	vld.idx.msk [tilespmem:v12+s7+$0x0], $0xffff  }
0x1e2: {  	v12 =	vor.u32 v6, v10;
	_ =	sdelay $0x3  }
0x1e3: {  	[tilespmem:s12+$0x530] =	vst v11  }
0x1e4: {  	v11 =	vld.idx.msk [tilespmem:v12+s7+$0x0], $0xffff  }
0x1e5: {  	v12 =	vor.u32 v7, v10;
	_ =	sdelay $0x3  }
0x1e6: {  	[tilespmem:s12+$0x540] =	vst v11  }
0x1e7: {  	v11 =	vld.idx.msk [tilespmem:v12+s7+$0x0], $0xffff  }
0x1e8: {  	v12 =	vor.u32 v8, v10;
	_ =	sdelay $0x3  }
0x1e9: {  	[tilespmem:s12+$0x550] =	vst v11  }
0x1ea: {  	v11 =	vld.idx.msk [tilespmem:v12+s7+$0x0], $0xffff  }
0x1eb: {  	v10 =	vor.u32 v9, v10;
	_ =	sdelay $0x3  }
0x1ec: {  	[tilespmem:s12+$0x560] =	vst v11;
	v11 =	vbroadcast v3, $0xB  }
0x1ed: {  	v10 =	vld.idx.msk [tilespmem:v10+s7+$0x0], $0xffff  }
0x1ee: {  	v12 =	vor.u32 v0, v11;
	_ =	sdelay $0x3  }
0x1ef: {  	[tilespmem:s12+$0x570] =	vst v10  }
0x1f0: {  	v10 =	vld.idx.msk [tilespmem:v12+s7+$0x0], $0xffff  }
0x1f1: {  	v12 =	vor.u32 v2, v11;
	_ =	sdelay $0x3  }
0x1f2: {  	[tilespmem:s12+$0x580] =	vst v10  }
0x1f3: {  	v10 =	vld.idx.msk [tilespmem:v12+s7+$0x0], $0xffff  }
0x1f4: {  	v12 =	vor.u32 v4, v11;
	_ =	sdelay $0x3  }
0x1f5: {  	[tilespmem:s12+$0x590] =	vst v10  }
0x1f6: {  	v10 =	vld.idx.msk [tilespmem:v12+s7+$0x0], $0xffff  }
0x1f7: {  	v12 =	vor.u32 v5, v11;
	_ =	sdelay $0x3  }
0x1f8: {  	[tilespmem:s12+$0x5A0] =	vst v10  }
0x1f9: {  	v10 =	vld.idx.msk [tilespmem:v12+s7+$0x0], $0xffff  }
0x1fa: {  	v12 =	vor.u32 v6, v11;
	_ =	sdelay $0x3  }
0x1fb: {  	[tilespmem:s12+$0x5B0] =	vst v10  }
0x1fc: {  	v10 =	vld.idx.msk [tilespmem:v12+s7+$0x0], $0xffff  }
0x1fd: {  	v12 =	vor.u32 v7, v11;
	_ =	sdelay $0x3  }
0x1fe: {  	[tilespmem:s12+$0x5C0] =	vst v10  }
0x1ff: {  	v10 =	vld.idx.msk [tilespmem:v12+s7+$0x0], $0xffff  }
0x200: {  	v12 =	vor.u32 v8, v11;
	_ =	sdelay $0x3  }
0x201: {  	[tilespmem:s12+$0x5D0] =	vst v10  }
0x202: {  	v10 =	vld.idx.msk [tilespmem:v12+s7+$0x0], $0xffff  }
0x203: {  	v11 =	vor.u32 v9, v11;
	_ =	sdelay $0x3  }
0x204: {  	[tilespmem:s12+$0x5E0] =	vst v10;
	v10 =	vbroadcast v3, $0xC  }
0x205: {  	v11 =	vld.idx.msk [tilespmem:v11+s7+$0x0], $0xffff  }
0x206: {  	v12 =	vor.u32 v0, v10;
	_ =	sdelay $0x3  }
0x207: {  	[tilespmem:s12+$0x5F0] =	vst v11  }
0x208: {  	v11 =	vld.idx.msk [tilespmem:v12+s7+$0x0], $0xffff  }
0x209: {  	v12 =	vor.u32 v2, v10;
	_ =	sdelay $0x3  }
0x20a: {  	[tilespmem:s12+$0x600] =	vst v11  }
0x20b: {  	v11 =	vld.idx.msk [tilespmem:v12+s7+$0x0], $0xffff  }
0x20c: {  	v12 =	vor.u32 v4, v10;
	_ =	sdelay $0x3  }
0x20d: {  	[tilespmem:s12+$0x610] =	vst v11  }
0x20e: {  	v11 =	vld.idx.msk [tilespmem:v12+s7+$0x0], $0xffff  }
0x20f: {  	v12 =	vor.u32 v5, v10;
	_ =	sdelay $0x3  }
0x210: {  	[tilespmem:s12+$0x620] =	vst v11  }
0x211: {  	v11 =	vld.idx.msk [tilespmem:v12+s7+$0x0], $0xffff  }
0x212: {  	v12 =	vor.u32 v6, v10;
	_ =	sdelay $0x3  }
0x213: {  	[tilespmem:s12+$0x630] =	vst v11  }
0x214: {  	v11 =	vld.idx.msk [tilespmem:v12+s7+$0x0], $0xffff  }
0x215: {  	v12 =	vor.u32 v7, v10;
	_ =	sdelay $0x3  }
0x216: {  	[tilespmem:s12+$0x640] =	vst v11  }
0x217: {  	v11 =	vld.idx.msk [tilespmem:v12+s7+$0x0], $0xffff  }
0x218: {  	v12 =	vor.u32 v8, v10;
	_ =	sdelay $0x3  }
0x219: {  	[tilespmem:s12+$0x650] =	vst v11  }
0x21a: {  	v11 =	vld.idx.msk [tilespmem:v12+s7+$0x0], $0xffff  }
0x21b: {  	v10 =	vor.u32 v9, v10;
	_ =	sdelay $0x3  }
0x21c: {  	[tilespmem:s12+$0x660] =	vst v11;
	v11 =	vbroadcast v3, $0xD  }
0x21d: {  	v10 =	vld.idx.msk [tilespmem:v10+s7+$0x0], $0xffff  }
0x21e: {  	v12 =	vor.u32 v0, v11;
	_ =	sdelay $0x3  }
0x21f: {  	[tilespmem:s12+$0x670] =	vst v10  }
0x220: {  	v10 =	vld.idx.msk [tilespmem:v12+s7+$0x0], $0xffff  }
0x221: {  	v12 =	vor.u32 v2, v11;
	_ =	sdelay $0x3  }
0x222: {  	[tilespmem:s12+$0x680] =	vst v10  }
0x223: {  	v10 =	vld.idx.msk [tilespmem:v12+s7+$0x0], $0xffff  }
0x224: {  	v12 =	vor.u32 v4, v11;
	_ =	sdelay $0x3  }
0x225: {  	[tilespmem:s12+$0x690] =	vst v10  }
0x226: {  	v10 =	vld.idx.msk [tilespmem:v12+s7+$0x0], $0xffff  }
0x227: {  	v12 =	vor.u32 v5, v11;
	_ =	sdelay $0x3  }
0x228: {  	[tilespmem:s12+$0x6A0] =	vst v10  }
0x229: {  	v10 =	vld.idx.msk [tilespmem:v12+s7+$0x0], $0xffff  }
0x22a: {  	v12 =	vor.u32 v6, v11;
	_ =	sdelay $0x3  }
0x22b: {  	[tilespmem:s12+$0x6B0] =	vst v10  }
0x22c: {  	v10 =	vld.idx.msk [tilespmem:v12+s7+$0x0], $0xffff  }
0x22d: {  	v12 =	vor.u32 v7, v11;
	_ =	sdelay $0x3  }
0x22e: {  	[tilespmem:s12+$0x6C0] =	vst v10  }
0x22f: {  	v10 =	vld.idx.msk [tilespmem:v12+s7+$0x0], $0xffff  }
0x230: {  	v12 =	vor.u32 v8, v11;
	_ =	sdelay $0x3  }
0x231: {  	[tilespmem:s12+$0x6D0] =	vst v10  }
0x232: {  	v10 =	vld.idx.msk [tilespmem:v12+s7+$0x0], $0xffff  }
0x233: {  	v11 =	vor.u32 v9, v11;
	_ =	sdelay $0x3  }
0x234: {  	[tilespmem:s12+$0x6E0] =	vst v10;
	v10 =	vbroadcast v3, $0xE  }
0x235: {  	v11 =	vld.idx.msk [tilespmem:v11+s7+$0x0], $0xffff  }
0x236: {  	v12 =	vor.u32 v0, v10;
	_ =	sdelay $0x3  }
0x237: {  	[tilespmem:s12+$0x6F0] =	vst v11  }
0x238: {  	v11 =	vld.idx.msk [tilespmem:v12+s7+$0x0], $0xffff  }
0x239: {  	v12 =	vor.u32 v2, v10;
	_ =	sdelay $0x3  }
0x23a: {  	[tilespmem:s12+$0x700] =	vst v11  }
0x23b: {  	v11 =	vld.idx.msk [tilespmem:v12+s7+$0x0], $0xffff  }
0x23c: {  	v12 =	vor.u32 v4, v10;
	_ =	sdelay $0x3  }
0x23d: {  	[tilespmem:s12+$0x710] =	vst v11  }
0x23e: {  	v11 =	vld.idx.msk [tilespmem:v12+s7+$0x0], $0xffff  }
0x23f: {  	v12 =	vor.u32 v5, v10;
	_ =	sdelay $0x3  }
0x240: {  	[tilespmem:s12+$0x720] =	vst v11  }
0x241: {  	v11 =	vld.idx.msk [tilespmem:v12+s7+$0x0], $0xffff  }
0x242: {  	v12 =	vor.u32 v6, v10;
	_ =	sdelay $0x3  }
0x243: {  	[tilespmem:s12+$0x730] =	vst v11  }
0x244: {  	v11 =	vld.idx.msk [tilespmem:v12+s7+$0x0], $0xffff  }
0x245: {  	v12 =	vor.u32 v7, v10;
	_ =	sdelay $0x3  }
0x246: {  	[tilespmem:s12+$0x740] =	vst v11  }
0x247: {  	v11 =	vld.idx.msk [tilespmem:v12+s7+$0x0], $0xffff  }
0x248: {  	v12 =	vor.u32 v8, v10;
	_ =	sdelay $0x3  }
0x249: {  	[tilespmem:s12+$0x750] =	vst v11  }
0x24a: {  	v11 =	vld.idx.msk [tilespmem:v12+s7+$0x0], $0xffff  }
0x24b: {  	v10 =	vor.u32 v9, v10;
	_ =	sdelay $0x3  }
0x24c: {  	v3 =	vbroadcast v3, $0xF;
	[tilespmem:s12+$0x760] =	vst v11  }
0x24d: {  	v10 =	vld.idx.msk [tilespmem:v10+s7+$0x0], $0xffff  }
0x24e: {  	v11 =	vor.u32 v0, v3;
	_ =	sdelay $0x3  }
0x24f: {  	[tilespmem:s12+$0x770] =	vst v10  }
0x250: {  	v10 =	vld.idx.msk [tilespmem:v11+s7+$0x0], $0xffff  }
0x251: {  	v2 =	vor.u32 v2, v3;
	_ =	sdelay $0x3  }
0x252: {  	[tilespmem:s12+$0x780] =	vst v10  }
0x253: {  	v2 =	vld.idx.msk [tilespmem:v2+s7+$0x0], $0xffff  }
0x254: {  	v4 =	vor.u32 v4, v3;
	_ =	sdelay $0x3  }
0x255: {  	[tilespmem:s12+$0x790] =	vst v2  }
0x256: {  	v2 =	vld.idx.msk [tilespmem:v4+s7+$0x0], $0xffff  }
0x257: {  	v10 =	vor.u32 v5, v3;
	_ =	sdelay $0x3  }
0x258: {  	[tilespmem:s12+$0x7A0] =	vst v2  }
0x259: {  	v2 =	vld.idx.msk [tilespmem:v10+s7+$0x0], $0xffff  }
0x25a: {  	v11 =	vor.u32 v6, v3;
	_ =	sdelay $0x3  }
0x25b: {  	[tilespmem:s12+$0x7B0] =	vst v2  }
0x25c: {  	v2 =	vld.idx.msk [tilespmem:v11+s7+$0x0], $0xffff  }
0x25d: {  	v10 =	vor.u32 v7, v3;
	_ =	sdelay $0x3  }
0x25e: {  	[tilespmem:s12+$0x7C0] =	vst v2  }
0x25f: {  	v2 =	vld.idx.msk [tilespmem:v10+s7+$0x0], $0xffff  }
0x260: {  	v11 =	vor.u32 v8, v3;
	_ =	sdelay $0x3  }
0x261: {  	[tilespmem:s12+$0x7D0] =	vst v2  }
0x262: {  	v2 =	vld.idx.msk [tilespmem:v11+s7+$0x0], $0xffff  }
0x263: {  	v3 =	vor.u32 v9, v3;
	_ =	sdelay $0x3  }
0x264: {  	[tilespmem:s12+$0x7E0] =	vst v2  }
0x265: {  	v2 =	vld.idx.msk [tilespmem:v3+s7+$0x0], $0xffff;
	_ =	sdelay $0x1  }
0x266: {  	p0 =	sne.s32 s14, $0x2C30  }
.Ltmp0:
0x267: {  	_ = 	snop;
	(pc) =	sbr.rel @p0 .LBB2_2-.Ltmp0, $4  }
0x268: {  	_ = 	snop  }
0x269: {  	[tilespmem:s12+$0x7F0] =	vst v2  }
0x26a: {  	[hbm4b:s13+s3] =	stream.linear.scatter [tilespmem:s12], [sflag:$0x2], $0x800, $0x38;
	[tilespmem:$0xA480] =	vst v63  }
0x26b: {  	s14 =	sadd.s32 $0x650, s14;
	s13 =	sadd.s32 $0x100, s13;
	s12 =	sadd.s32 $0x800, s12  }
0x26c: {  	s11 =	sadd.s32 $0x1, s11  }
0x26d: {  	p0 =	sne.s32 s11, s5  }
.Ltmp1:
0x26e: {  	_ = 	snop;
	(pc) =	sbr.rel @p0 .LBB2_1-.Ltmp1, $4  }
0x26f: {  	_ = 	snop  }
0x270: {  	_ =	swait.ge [sflag:s10], $0x4000  }
0x271: {  	[sflag:s10] =	ssyncset.done $0x0  }
0x272: {  	[sflag:s10] =	ssyncadd.s32 $0xFFFFC000  }
0x273: {  	_ =	sfence.sel $0x180000  }
0x274: {  	[bflag:$0x0] =	sbarrier.arrive $0xFFFF  }
0x275: {  	p0 =	sne.s32 s0, $0x0;
	_ =	strace $0x90000047  }
0x276: {  	s0 =	sadd.s32 @!p0 $0x100000, s2;
	[bflag:$0x2] =	sbarrier.arrive $0xFFFF  }
0x277: {  	[sflag:s0] =	ssyncadd.tile.s32 @!p0 $0x1;
	_ =	shalt  }
.Lfunc_end2:
_tile_overlayer_lowered:
.L_overlay_start_2:
0x278: {  	(tag) =	ssettag $0x2  }
0x279: {  	s0 =	rddreg [dreg:$0x0];
	s2 =	stileid.u32  }
0x27a: {  	s1 =	rddreg [dreg:$0x1];
	p0 =	sne.s32 s2, $0x0  }
0x27b: {  	s3 =	rddreg [dreg:$0x2];
	[bflag:$0x3] =	sbarrier.arrive $0xFFFF;
	s2 =	simm.s32 @!p0 $0x1C03  }
0x27c: {  	[timem:s3], [sflag:s2] =	dma.local @!p0 [hbm:s0], s1  }
0x27d: {  	s0 =	simm.s32 @!p0 $0x3  }
0x27e: {  	_ =	swait.ge @!p0 [sflag:s0], s1  }
0x27f: {  	s1 =	ssub.s32 @!p0 $0x0, s1;
	[sflag:s0] =	ssyncset.done @!p0 $0x0  }
0x280: {  	[sflag:s0] =	ssyncadd.s32 @!p0 s1  }
0x281: {  	[bflag:$0x3] =	sbarrier.arrive $0xFFFF  }
0x282: {  	_ =	shalt  }

</sc_bundles>
